<compile_context>
chip_gen: v7x
topology: tpu7x:2x2x1
jax: 0.10.2.dev20260603
libtpu: 0.0.44.dev20260713+nightly
codegen_flags: <defaults>
</compile_context>

<pallas_src>
import functools

import jax
import jax.numpy as jnp
from jax import lax
from jax.experimental import pallas as pl
from jax.experimental.pallas import tpu as pltpu
from jax.experimental.pallas import tpu_sc as plsc

N = 10000
H = 128
E = 320000
ROUNDS = 3

NC = 2
NS = 16
NW = NC * NS
K = 125
EPW = E // NW
NCH = EPW // K
NP = 10240
RPT = NP // NS
NH = 2
CPH = NCH // NH


@functools.cache
def _make_sc_edge_aggregate():
    mesh = plsc.VectorSubcoreMesh(core_axis_name="c", subcore_axis_name="s")

    @functools.partial(
        pl.kernel,
        out_type=jax.ShapeDtypeStruct((NC, NP, H), jnp.float32),
        mesh=mesh,
        scratch_types=[
            pltpu.VMEM((CPH, K), jnp.int32),
            pltpu.VMEM((CPH, K), jnp.int32),
            pltpu.VMEM((K, H), jnp.float32),
            pltpu.VMEM((K, H), jnp.float32),
            pltpu.VMEM_SHARED((NP, H), jnp.float32),
            pltpu.SemaphoreType.DMA,
            pltpu.SemaphoreType.DMA,
        ],
    )
    def sc_edge_aggregate(msg_hbm, eidx_hbm, zero_hbm, out_hbm,
                          src_v, dst_v, rows0, rows1, acc_sh, sem0, sem1):
        cid = lax.axis_index("c")
        sid = lax.axis_index("s")
        wid = cid * NS + sid

        def gather(j, rows, sem):
            return pltpu.make_async_copy(msg_hbm.at[src_v.at[j]], rows, sem)

        pltpu.sync_copy(zero_hbm.at[pl.ds(sid * RPT, RPT)],
                        acc_sh.at[pl.ds(sid * RPT, RPT)])
        plsc.subcore_barrier()

        def two_chunks(i, carry):
            j0 = 2 * i
            gather(j0 + 1, rows1, sem1).start()
            gather(j0, rows0, sem0).wait()
            pltpu.sync_copy(rows0, acc_sh.at[dst_v.at[j0]], add=True)

            @pl.when(j0 + 2 < CPH)
            def _():
                gather(j0 + 2, rows0, sem0).start()

            gather(j0 + 1, rows1, sem1).wait()
            pltpu.sync_copy(rows1, acc_sh.at[dst_v.at[j0 + 1]], add=True)
            return carry

        for h in range(NH):
            base = wid * NCH + h * CPH
            pltpu.sync_copy(eidx_hbm.at[0, pl.ds(base, CPH)], src_v)
            pltpu.sync_copy(eidx_hbm.at[1, pl.ds(base, CPH)], dst_v)
            gather(0, rows0, sem0).start()
            lax.fori_loop(0, CPH // 2, two_chunks, 0)
        plsc.subcore_barrier()
        pltpu.sync_copy(acc_sh.at[pl.ds(sid * RPT, RPT)],
                        out_hbm.at[cid, pl.ds(sid * RPT, RPT)])

    return sc_edge_aggregate


BM = 5000
_ROW = pl.BlockSpec((BM, H), lambda i: (i, 0))


def _wr(r):
    return pl.BlockSpec((1, H, H), lambda i: (r, 0, 0))


def _br(r):
    return pl.BlockSpec((1, 1, H), lambda i: (r, 0, 0))


def _pr(c):
    return pl.BlockSpec((1, BM, H), lambda i, c=c: (c, i, 0))


def _relu_mm(x, w, b):
    return jnp.maximum(
        jnp.dot(x, w, preferred_element_type=jnp.float32) + b, 0.0)


def _in_msg_body(z_ref, wi_ref, bi_ref, wm_ref, bm_ref, s_ref, m_ref):
    s = _relu_mm(z_ref[...], wi_ref[...], bi_ref[...])
    s_ref[...] = s
    m_ref[...] = _relu_mm(s, wm_ref[0], bm_ref[0])


def _in_msg(z, wi, bi, wm, bm):
    return pl.pallas_call(
        _in_msg_body,
        grid=(N // BM,),
        in_specs=[_ROW,
                  pl.BlockSpec((H, H), lambda i: (0, 0)),
                  pl.BlockSpec((1, H), lambda i: (0, 0)),
                  _wr(0), _br(0)],
        out_specs=[_ROW, _ROW],
        out_shape=[jax.ShapeDtypeStruct((N, H), jnp.float32)] * 2,
    )(z, wi, bi.reshape(1, H), wm, bm.reshape(ROUNDS, 1, H))


def _upd_msg_body(s_ref, p0_ref, p1_ref, wu_ref, bu_ref, wm_ref, bm_ref,
                  s_out_ref, m_ref):
    agg = p0_ref[0] + p1_ref[0]
    s = s_ref[...] + _relu_mm(agg, wu_ref[0], bu_ref[0])
    s_out_ref[...] = s
    m_ref[...] = _relu_mm(s, wm_ref[0], bm_ref[0])


def _upd_msg(s, p, wu, bu, wm, bm, r):
    return pl.pallas_call(
        _upd_msg_body,
        grid=(N // BM,),
        in_specs=[_ROW, _pr(0), _pr(1), _wr(r), _br(r), _wr(r + 1), _br(r + 1)],
        out_specs=[_ROW, _ROW],
        out_shape=[jax.ShapeDtypeStruct((N, H), jnp.float32)] * 2,
    )(s, p, p, wu, bu.reshape(ROUNDS, 1, H), wm, bm.reshape(ROUNDS, 1, H))


def _upd_out_body(s_ref, p0_ref, p1_ref, wu_ref, bu_ref, wo_ref, bo_ref,
                  o_ref):
    agg = p0_ref[0] + p1_ref[0]
    s = s_ref[...] + _relu_mm(agg, wu_ref[0], bu_ref[0])
    o_ref[...] = (
        jnp.dot(s, wo_ref[...], preferred_element_type=jnp.float32)
        + bo_ref[...])


def _upd_out(s, p, wu, bu, wo, bo, r, feat):
    return pl.pallas_call(
        _upd_out_body,
        grid=(N // BM,),
        in_specs=[_ROW, _pr(0), _pr(1), _wr(r), _br(r),
                  pl.BlockSpec((H, feat), lambda i: (0, 0)),
                  pl.BlockSpec((1, feat), lambda i: (0, 0))],
        out_specs=pl.BlockSpec((BM, feat), lambda i: (i, 0)),
        out_shape=jax.ShapeDtypeStruct((N, feat), jnp.float32),
    )(s, p, p, wu, bu.reshape(ROUNDS, 1, H), wo, bo.reshape(1, feat))


def kernel(z, edge_index, W_in, b_in, W_msg, b_msg, W_upd, b_upd, W_out, b_out):
    eidx = edge_index.reshape(2, E // K, K)
    zeros = jnp.zeros((NP, H), jnp.float32)
    sc = _make_sc_edge_aggregate()

    state, message = _in_msg(z, W_in, b_in, W_msg, b_msg)
    for r in range(ROUNDS - 1):
        p = sc(message, eidx, zeros)
        state, message = _upd_msg(state, p, W_upd, b_upd, W_msg, b_msg, r)
    p = sc(message, eidx, zeros)
    return _upd_out(state, p, W_upd, b_upd, W_out, b_out, ROUNDS - 1,
                    W_out.shape[1])

# --- scband reference (transcript-rebuilt; emitter-appended) ---
"""Pipeline reference for scband-graph-decoder-30047591203218 (READ-ONLY COPY).

The authoritative reference and input builder live on the scoring server;
editing this copy changes nothing except your own understanding.
"""

import jax, jax.numpy as jnp
import numpy as np

N = 10000
E = 320000
LATENT = 128
HIDDEN = 128
FEAT = 7
ROUNDS = 3


def setup_inputs(seed: int = 0) -> dict:
    key = jax.random.key(seed)
    ks = jax.random.split(key, 12)
    s_in = 1.0 / np.sqrt(LATENT)
    s_h = 1.0 / np.sqrt(HIDDEN)
    z = jax.random.normal(ks[0], (N, LATENT), dtype=jnp.float32)
    edge_index = jax.random.randint(ks[1], (2, E), 0, N, dtype=jnp.int32)
    W_in = jax.random.normal(ks[2], (LATENT, HIDDEN), dtype=jnp.float32) * s_in
    b_in = jnp.zeros((HIDDEN,), dtype=jnp.float32)
    W_msg = jax.random.normal(ks[3], (ROUNDS, HIDDEN, HIDDEN), dtype=jnp.float32) * s_h
    b_msg = jnp.zeros((ROUNDS, HIDDEN), dtype=jnp.float32)
    W_upd = jax.random.normal(ks[4], (ROUNDS, HIDDEN, HIDDEN), dtype=jnp.float32) * s_h
    b_upd = jnp.zeros((ROUNDS, HIDDEN), dtype=jnp.float32)
    W_out = jax.random.normal(ks[5], (HIDDEN, FEAT), dtype=jnp.float32) * s_h
    b_out = jnp.zeros((FEAT,), dtype=jnp.float32)
    return {
        "z": z,
        "edge_index": edge_index,
        "W_in": W_in,
        "b_in": b_in,
        "W_msg": W_msg,
        "b_msg": b_msg,
        "W_upd": W_upd,
        "b_upd": b_upd,
        "W_out": W_out,
        "b_out": b_out,
    }


def reference(z, edge_index, W_in, b_in, W_msg, b_msg, W_upd, b_upd, W_out, b_out):
    # decode_nodes: GNN message passing on latent embeddings -> node feature logits
    src = edge_index[0]
    dst = edge_index[1]
    num_nodes = z.shape[0]
    state = jax.nn.relu(z @ W_in + b_in)
    rounds = W_msg.shape[0]
    for r in range(rounds):
        message = jax.nn.relu(state @ W_msg[r] + b_msg[r])
        gathered = jnp.take(message, src, axis=0)
        aggregated = jnp.zeros((num_nodes, state.shape[1]), dtype=state.dtype).at[dst].add(gathered)
        state = state + jax.nn.relu(aggregated @ W_upd[r] + b_upd[r])
    return state @ W_out + b_out

if __name__ == "__main__":
    import jax
    _d = setup_inputs()
    print(jax.jit(kernel)(*tuple(_d.values())))

</pallas_src>

<mosaic_0001>
#map = affine_map<(d0, d1) -> (0, 0)>
#map1 = affine_map<(d0, d1) -> (0, 0, 0)>
module attributes {stable_mosaic.version = 14 : i64} {
  func.func @sc_edge_aggregate(%arg0: i32, %arg1: i32, %arg2: memref<10000x128xf32, #tpu.memory_space<hbm>>, %arg3: memref<2x2560x125xi32, #tpu.memory_space<hbm>>, %arg4: memref<10240x128xf32, #tpu.memory_space<hbm>>, %arg5: memref<2x10240x128xf32, #tpu.memory_space<hbm>>, %arg6: memref<40x125xi32, #tpu.memory_space<vmem>>, %arg7: memref<40x125xi32, #tpu.memory_space<vmem>>, %arg8: memref<125x128xf32, #tpu.memory_space<vmem>>, %arg9: memref<125x128xf32, #tpu.memory_space<vmem>>, %arg10: memref<10240x128xf32, #tpu.memory_space<vmem_shared>>, %arg11: memref<!tpu.dma_semaphore, #tpu.memory_space<semaphore_mem>>, %arg12: memref<!tpu.dma_semaphore, #tpu.memory_space<semaphore_mem>>) attributes {dimension_semantics = [#tpu.dimension_semantics<core_parallel>, #tpu.dimension_semantics<subcore_parallel>], iteration_bounds = array<i64: 2, 16>, scalar_prefetch = 0 : i64, scratch_operands = 7 : i64, tpu.core_type = #tpu.core_type<sc_vector_subcore>, window_params = [{transform_indices = #map}, {transform_indices = #map1}, {transform_indices = #map}, {transform_indices = #map1}]} {
    %mul3A = arith.constant 16 : i32
    %mul3A_0 = arith.muli %arg0, %mul3A : i32
    %add3A = arith.addi %mul3A_0, %arg1 : i32
    %mul3A_1 = arith.constant 640 : i32
    %mul3A_2 = arith.muli %arg1, %mul3A_1 : i32
    %mul3A_3 = arith.constant 640 : i32
    %mul3A_4 = arith.muli %arg1, %mul3A_3 : i32
    "tpu.region"() ({
      %run_scoped3A_45 = tpu.sem_alloc : memref<!tpu.dma_semaphore, #tpu.memory_space<semaphore_mem>>
      %dma_start3A_46 = arith.constant 0 : i32
      %dma_start3A_47 = tpu.memref_slice %arg10[%mul3A_4, %dma_start3A_46] : memref<10240x128xf32, #tpu.memory_space<vmem_shared>> -> memref<640x128xf32, #tpu.memory_space<vmem_shared>>
      %dma_start3A_48 = arith.constant 0 : i32
      %dma_start3A_49 = tpu.memref_slice %arg4[%mul3A_2, %dma_start3A_48] : memref<10240x128xf32, #tpu.memory_space<hbm>> -> memref<640x128xf32, #tpu.memory_space<hbm>>
      tpu.enqueue_dma source(%dma_start3A_49 : memref<640x128xf32, #tpu.memory_space<hbm>>) target(%dma_start3A_47 : memref<640x128xf32, #tpu.memory_space<vmem_shared>>) target_semaphore(%run_scoped3A_45 : memref<!tpu.dma_semaphore, #tpu.memory_space<semaphore_mem>>)
      %dma_wait3A = arith.constant 0 : i32
      %dma_wait3A_50 = tpu.memref_slice %arg10[%mul3A_4, %dma_wait3A] : memref<10240x128xf32, #tpu.memory_space<vmem_shared>> -> memref<640x128xf32, #tpu.memory_space<vmem_shared>>
      %dma_wait3A_51 = arith.constant 0 : i32
      %dma_wait3A_52 = tpu.memref_slice %arg4[%mul3A_2, %dma_wait3A_51] : memref<10240x128xf32, #tpu.memory_space<hbm>> -> memref<640x128xf32, #tpu.memory_space<hbm>>
      tpu.wait_dma2 semaphore(%run_scoped3A_45 : memref<!tpu.dma_semaphore, #tpu.memory_space<semaphore_mem>>) src(%dma_wait3A_52 : memref<640x128xf32, #tpu.memory_space<hbm>>) dst(%dma_wait3A_50 : memref<640x128xf32, #tpu.memory_space<vmem_shared>>)
      tpu.yield
    }) : () -> ()
    %barrier3A = arith.constant 0 : index
    tpu.barrier barrier_id(%barrier3A)
    %mul3A_5 = arith.constant 80 : i32
    %mul3A_6 = arith.muli %add3A, %mul3A_5 : i32
    %add3A_7 = arith.constant 0 : i32
    %add3A_8 = arith.addi %mul3A_6, %add3A_7 : i32
    %run_scoped3A = arith.constant 0 : i32
    "tpu.region"() ({
      %run_scoped3A_45 = tpu.sem_alloc : memref<!tpu.dma_semaphore, #tpu.memory_space<semaphore_mem>>
      %dma_start3A_46 = arith.constant 0 : i32
      %dma_start3A_47 = tpu.memref_slice %arg3[%run_scoped3A, %add3A_8, %dma_start3A_46] : memref<2x2560x125xi32, #tpu.memory_space<hbm>> -> memref<1x40x125xi32, #tpu.memory_space<hbm>>
      %dma_start3A_48 = tpu.memref_squeeze %dma_start3A_47 : memref<1x40x125xi32, #tpu.memory_space<hbm>> -> memref<40x125xi32, #tpu.memory_space<hbm>>
      %dma_start3A_49 = arith.constant 0 : i32
      %dma_start3A_50 = tpu.memref_slice %arg3[%run_scoped3A, %add3A_8, %dma_start3A_49] : memref<2x2560x125xi32, #tpu.memory_space<hbm>> -> memref<1x40x125xi32, #tpu.memory_space<hbm>>
      %dma_start3A_51 = tpu.memref_squeeze %dma_start3A_50 : memref<1x40x125xi32, #tpu.memory_space<hbm>> -> memref<40x125xi32, #tpu.memory_space<hbm>>
      tpu.enqueue_dma source(%dma_start3A_51 : memref<40x125xi32, #tpu.memory_space<hbm>>) target(%arg6 : memref<40x125xi32, #tpu.memory_space<vmem>>) target_semaphore(%run_scoped3A_45 : memref<!tpu.dma_semaphore, #tpu.memory_space<semaphore_mem>>)
      %dma_wait3A = arith.constant 0 : i32
      %dma_wait3A_52 = tpu.memref_slice %arg3[%run_scoped3A, %add3A_8, %dma_wait3A] : memref<2x2560x125xi32, #tpu.memory_space<hbm>> -> memref<1x40x125xi32, #tpu.memory_space<hbm>>
      %dma_wait3A_53 = tpu.memref_squeeze %dma_wait3A_52 : memref<1x40x125xi32, #tpu.memory_space<hbm>> -> memref<40x125xi32, #tpu.memory_space<hbm>>
      %dma_wait3A_54 = arith.constant 0 : i32
      %dma_wait3A_55 = tpu.memref_slice %arg3[%run_scoped3A, %add3A_8, %dma_wait3A_54] : memref<2x2560x125xi32, #tpu.memory_space<hbm>> -> memref<1x40x125xi32, #tpu.memory_space<hbm>>
      %dma_wait3A_56 = tpu.memref_squeeze %dma_wait3A_55 : memref<1x40x125xi32, #tpu.memory_space<hbm>> -> memref<40x125xi32, #tpu.memory_space<hbm>>
      tpu.wait_dma2 semaphore(%run_scoped3A_45 : memref<!tpu.dma_semaphore, #tpu.memory_space<semaphore_mem>>) src(%dma_wait3A_56 : memref<40x125xi32, #tpu.memory_space<hbm>>) dst(%arg6 : memref<40x125xi32, #tpu.memory_space<vmem>>)
      tpu.yield
    }) : () -> ()
    %run_scoped3A_9 = arith.constant 1 : i32
    "tpu.region"() ({
      %run_scoped3A_45 = tpu.sem_alloc : memref<!tpu.dma_semaphore, #tpu.memory_space<semaphore_mem>>
      %dma_start3A_46 = arith.constant 0 : i32
      %dma_start3A_47 = tpu.memref_slice %arg3[%run_scoped3A_9, %add3A_8, %dma_start3A_46] : memref<2x2560x125xi32, #tpu.memory_space<hbm>> -> memref<1x40x125xi32, #tpu.memory_space<hbm>>
      %dma_start3A_48 = tpu.memref_squeeze %dma_start3A_47 : memref<1x40x125xi32, #tpu.memory_space<hbm>> -> memref<40x125xi32, #tpu.memory_space<hbm>>
      %dma_start3A_49 = arith.constant 0 : i32
      %dma_start3A_50 = tpu.memref_slice %arg3[%run_scoped3A_9, %add3A_8, %dma_start3A_49] : memref<2x2560x125xi32, #tpu.memory_space<hbm>> -> memref<1x40x125xi32, #tpu.memory_space<hbm>>
      %dma_start3A_51 = tpu.memref_squeeze %dma_start3A_50 : memref<1x40x125xi32, #tpu.memory_space<hbm>> -> memref<40x125xi32, #tpu.memory_space<hbm>>
      tpu.enqueue_dma source(%dma_start3A_51 : memref<40x125xi32, #tpu.memory_space<hbm>>) target(%arg7 : memref<40x125xi32, #tpu.memory_space<vmem>>) target_semaphore(%run_scoped3A_45 : memref<!tpu.dma_semaphore, #tpu.memory_space<semaphore_mem>>)
      %dma_wait3A = arith.constant 0 : i32
      %dma_wait3A_52 = tpu.memref_slice %arg3[%run_scoped3A_9, %add3A_8, %dma_wait3A] : memref<2x2560x125xi32, #tpu.memory_space<hbm>> -> memref<1x40x125xi32, #tpu.memory_space<hbm>>
      %dma_wait3A_53 = tpu.memref_squeeze %dma_wait3A_52 : memref<1x40x125xi32, #tpu.memory_space<hbm>> -> memref<40x125xi32, #tpu.memory_space<hbm>>
      %dma_wait3A_54 = arith.constant 0 : i32
      %dma_wait3A_55 = tpu.memref_slice %arg3[%run_scoped3A_9, %add3A_8, %dma_wait3A_54] : memref<2x2560x125xi32, #tpu.memory_space<hbm>> -> memref<1x40x125xi32, #tpu.memory_space<hbm>>
      %dma_wait3A_56 = tpu.memref_squeeze %dma_wait3A_55 : memref<1x40x125xi32, #tpu.memory_space<hbm>> -> memref<40x125xi32, #tpu.memory_space<hbm>>
      tpu.wait_dma2 semaphore(%run_scoped3A_45 : memref<!tpu.dma_semaphore, #tpu.memory_space<semaphore_mem>>) src(%dma_wait3A_56 : memref<40x125xi32, #tpu.memory_space<hbm>>) dst(%arg7 : memref<40x125xi32, #tpu.memory_space<vmem>>)
      tpu.yield
    }) : () -> ()
    %dma_start3A = arith.constant 0 : i32
    %dma_start3A_10 = arith.constant 0 : i32
    %dma_start3A_11 = tpu.memref_slice %arg6[%dma_start3A, %dma_start3A_10] : memref<40x125xi32, #tpu.memory_space<vmem>> -> memref<1x125xi32, #tpu.memory_space<vmem>>
    %dma_start3A_12 = tpu.memref_squeeze %dma_start3A_11 : memref<1x125xi32, #tpu.memory_space<vmem>> -> memref<125xi32, #tpu.memory_space<vmem>>
    %dma_start3A_13 = arith.constant 0 : i32
    %dma_start3A_14 = arith.constant 0 : i32
    %dma_start3A_15 = tpu.memref_slice %arg2[%dma_start3A_13, %dma_start3A_14] : memref<10000x128xf32, #tpu.memory_space<hbm>> -> memref<10000x128xf32, #tpu.memory_space<hbm>>
    tpu.enqueue_indirect_dma source(%dma_start3A_15 : memref<10000x128xf32, #tpu.memory_space<hbm>>) target(%arg8 : memref<125x128xf32, #tpu.memory_space<vmem>>) offsets(%dma_start3A_12 : memref<125xi32, #tpu.memory_space<vmem>>) semaphore(%arg11 : memref<!tpu.dma_semaphore, #tpu.memory_space<semaphore_mem>>)
    %scan3A = arith.constant 0 : i32
    %scan3A_16 = arith.constant 0 : i32
    %scan3A_17 = arith.constant 20 : i32
    %scan3A_18 = arith.addi %scan3A_16, %scan3A_17 : i32
    %scan3A_19 = arith.constant 1 : i32
    scf.for %scan3A_45 = %scan3A_16 to %scan3A_18 step %scan3A_19  : i32 {
      %mul3A_46 = arith.constant 2 : i32
      %mul3A_47 = arith.muli %mul3A_46, %scan3A_45 : i32
      %add3A_48 = arith.constant 1 : i32
      %add3A_49 = arith.addi %mul3A_47, %add3A_48 : i32
      %dma_start3A_50 = arith.constant 0 : i32
      %dma_start3A_51 = tpu.memref_slice %arg6[%add3A_49, %dma_start3A_50] : memref<40x125xi32, #tpu.memory_space<vmem>> -> memref<1x125xi32, #tpu.memory_space<vmem>>
      %dma_start3A_52 = tpu.memref_squeeze %dma_start3A_51 : memref<1x125xi32, #tpu.memory_space<vmem>> -> memref<125xi32, #tpu.memory_space<vmem>>
      %dma_start3A_53 = arith.constant 0 : i32
      %dma_start3A_54 = arith.constant 0 : i32
      %dma_start3A_55 = tpu.memref_slice %arg2[%dma_start3A_53, %dma_start3A_54] : memref<10000x128xf32, #tpu.memory_space<hbm>> -> memref<10000x128xf32, #tpu.memory_space<hbm>>
      tpu.enqueue_indirect_dma source(%dma_start3A_55 : memref<10000x128xf32, #tpu.memory_space<hbm>>) target(%arg9 : memref<125x128xf32, #tpu.memory_space<vmem>>) offsets(%dma_start3A_52 : memref<125xi32, #tpu.memory_space<vmem>>) semaphore(%arg12 : memref<!tpu.dma_semaphore, #tpu.memory_space<semaphore_mem>>)
      %dma_wait3A = arith.constant 0 : i32
      %dma_wait3A_56 = tpu.memref_slice %arg6[%mul3A_47, %dma_wait3A] : memref<40x125xi32, #tpu.memory_space<vmem>> -> memref<1x125xi32, #tpu.memory_space<vmem>>
      %dma_wait3A_57 = tpu.memref_squeeze %dma_wait3A_56 : memref<1x125xi32, #tpu.memory_space<vmem>> -> memref<125xi32, #tpu.memory_space<vmem>>
      %dma_wait3A_58 = arith.constant 0 : i32
      %dma_wait3A_59 = arith.constant 0 : i32
      %dma_wait3A_60 = tpu.memref_slice %arg2[%dma_wait3A_58, %dma_wait3A_59] : memref<10000x128xf32, #tpu.memory_space<hbm>> -> memref<10000x128xf32, #tpu.memory_space<hbm>>
      tpu.wait_indirect_dma semaphore(%arg11 : memref<!tpu.dma_semaphore, #tpu.memory_space<semaphore_mem>>) src(%dma_wait3A_60 : memref<10000x128xf32, #tpu.memory_space<hbm>>) dst(%arg8 : memref<125x128xf32, #tpu.memory_space<vmem>>)
      "tpu.region"() ({
        %run_scoped3A_75 = tpu.sem_alloc : memref<!tpu.dma_semaphore, #tpu.memory_space<semaphore_mem>>
        %dma_start3A_76 = arith.constant 0 : i32
        %dma_start3A_77 = tpu.memref_slice %arg7[%mul3A_47, %dma_start3A_76] : memref<40x125xi32, #tpu.memory_space<vmem>> -> memref<1x125xi32, #tpu.memory_space<vmem>>
        %dma_start3A_78 = tpu.memref_squeeze %dma_start3A_77 : memref<1x125xi32, #tpu.memory_space<vmem>> -> memref<125xi32, #tpu.memory_space<vmem>>
        %dma_start3A_79 = arith.constant 0 : i32
        %dma_start3A_80 = arith.constant 0 : i32
        %dma_start3A_81 = tpu.memref_slice %arg10[%dma_start3A_79, %dma_start3A_80] : memref<10240x128xf32, #tpu.memory_space<vmem_shared>> -> memref<10240x128xf32, #tpu.memory_space<vmem_shared>>
        tpu.enqueue_indirect_dma source(%arg8 : memref<125x128xf32, #tpu.memory_space<vmem>>) target(%dma_start3A_81 : memref<10240x128xf32, #tpu.memory_space<vmem_shared>>) offsets(%dma_start3A_78 : memref<125xi32, #tpu.memory_space<vmem>>) semaphore(%run_scoped3A_75 : memref<!tpu.dma_semaphore, #tpu.memory_space<semaphore_mem>>) {add = true}
        %dma_wait3A_82 = arith.constant 0 : i32
        %dma_wait3A_83 = tpu.memref_slice %arg7[%mul3A_47, %dma_wait3A_82] : memref<40x125xi32, #tpu.memory_space<vmem>> -> memref<1x125xi32, #tpu.memory_space<vmem>>
        %dma_wait3A_84 = tpu.memref_squeeze %dma_wait3A_83 : memref<1x125xi32, #tpu.memory_space<vmem>> -> memref<125xi32, #tpu.memory_space<vmem>>
        %dma_wait3A_85 = arith.constant 0 : i32
        %dma_wait3A_86 = arith.constant 0 : i32
        %dma_wait3A_87 = tpu.memref_slice %arg10[%dma_wait3A_85, %dma_wait3A_86] : memref<10240x128xf32, #tpu.memory_space<vmem_shared>> -> memref<10240x128xf32, #tpu.memory_space<vmem_shared>>
        tpu.wait_indirect_dma semaphore(%run_scoped3A_75 : memref<!tpu.dma_semaphore, #tpu.memory_space<semaphore_mem>>) src(%arg8 : memref<125x128xf32, #tpu.memory_space<vmem>>) dst(%dma_wait3A_87 : memref<10240x128xf32, #tpu.memory_space<vmem_shared>>)
        tpu.yield
      }) : () -> ()
      %add3A_61 = arith.constant 2 : i32
      %add3A_62 = arith.addi %mul3A_47, %add3A_61 : i32
      %lt3A = arith.constant 40 : i32
      %lt3A_63 = arith.cmpi slt, %add3A_62, %lt3A : i32
      %convert_element_type3A = arith.extui %lt3A_63 : i1 to i32
      %cond3A = arith.constant 0 : i32
      %cond3A_64 = arith.cmpi ne, %convert_element_type3A, %cond3A : i32
      scf.if %cond3A_64 {
        %add3A_75 = arith.constant 2 : i32
        %add3A_76 = arith.addi %mul3A_47, %add3A_75 : i32
        %dma_start3A_77 = arith.constant 0 : i32
        %dma_start3A_78 = tpu.memref_slice %arg6[%add3A_76, %dma_start3A_77] : memref<40x125xi32, #tpu.memory_space<vmem>> -> memref<1x125xi32, #tpu.memory_space<vmem>>
        %dma_start3A_79 = tpu.memref_squeeze %dma_start3A_78 : memref<1x125xi32, #tpu.memory_space<vmem>> -> memref<125xi32, #tpu.memory_space<vmem>>
        %dma_start3A_80 = arith.constant 0 : i32
        %dma_start3A_81 = arith.constant 0 : i32
        %dma_start3A_82 = tpu.memref_slice %arg2[%dma_start3A_80, %dma_start3A_81] : memref<10000x128xf32, #tpu.memory_space<hbm>> -> memref<10000x128xf32, #tpu.memory_space<hbm>>
        tpu.enqueue_indirect_dma source(%dma_start3A_82 : memref<10000x128xf32, #tpu.memory_space<hbm>>) target(%arg8 : memref<125x128xf32, #tpu.memory_space<vmem>>) offsets(%dma_start3A_79 : memref<125xi32, #tpu.memory_space<vmem>>) semaphore(%arg11 : memref<!tpu.dma_semaphore, #tpu.memory_space<semaphore_mem>>)
      } else {
      }
      %add3A_65 = arith.constant 1 : i32
      %add3A_66 = arith.addi %mul3A_47, %add3A_65 : i32
      %dma_wait3A_67 = arith.constant 0 : i32
      %dma_wait3A_68 = tpu.memref_slice %arg6[%add3A_66, %dma_wait3A_67] : memref<40x125xi32, #tpu.memory_space<vmem>> -> memref<1x125xi32, #tpu.memory_space<vmem>>
      %dma_wait3A_69 = tpu.memref_squeeze %dma_wait3A_68 : memref<1x125xi32, #tpu.memory_space<vmem>> -> memref<125xi32, #tpu.memory_space<vmem>>
      %dma_wait3A_70 = arith.constant 0 : i32
      %dma_wait3A_71 = arith.constant 0 : i32
      %dma_wait3A_72 = tpu.memref_slice %arg2[%dma_wait3A_70, %dma_wait3A_71] : memref<10000x128xf32, #tpu.memory_space<hbm>> -> memref<10000x128xf32, #tpu.memory_space<hbm>>
      tpu.wait_indirect_dma semaphore(%arg12 : memref<!tpu.dma_semaphore, #tpu.memory_space<semaphore_mem>>) src(%dma_wait3A_72 : memref<10000x128xf32, #tpu.memory_space<hbm>>) dst(%arg9 : memref<125x128xf32, #tpu.memory_space<vmem>>)
      %add3A_73 = arith.constant 1 : i32
      %add3A_74 = arith.addi %mul3A_47, %add3A_73 : i32
      "tpu.region"() ({
        %run_scoped3A_75 = tpu.sem_alloc : memref<!tpu.dma_semaphore, #tpu.memory_space<semaphore_mem>>
        %dma_start3A_76 = arith.constant 0 : i32
        %dma_start3A_77 = tpu.memref_slice %arg7[%add3A_74, %dma_start3A_76] : memref<40x125xi32, #tpu.memory_space<vmem>> -> memref<1x125xi32, #tpu.memory_space<vmem>>
        %dma_start3A_78 = tpu.memref_squeeze %dma_start3A_77 : memref<1x125xi32, #tpu.memory_space<vmem>> -> memref<125xi32, #tpu.memory_space<vmem>>
        %dma_start3A_79 = arith.constant 0 : i32
        %dma_start3A_80 = arith.constant 0 : i32
        %dma_start3A_81 = tpu.memref_slice %arg10[%dma_start3A_79, %dma_start3A_80] : memref<10240x128xf32, #tpu.memory_space<vmem_shared>> -> memref<10240x128xf32, #tpu.memory_space<vmem_shared>>
        tpu.enqueue_indirect_dma source(%arg9 : memref<125x128xf32, #tpu.memory_space<vmem>>) target(%dma_start3A_81 : memref<10240x128xf32, #tpu.memory_space<vmem_shared>>) offsets(%dma_start3A_78 : memref<125xi32, #tpu.memory_space<vmem>>) semaphore(%run_scoped3A_75 : memref<!tpu.dma_semaphore, #tpu.memory_space<semaphore_mem>>) {add = true}
        %dma_wait3A_82 = arith.constant 0 : i32
        %dma_wait3A_83 = tpu.memref_slice %arg7[%add3A_74, %dma_wait3A_82] : memref<40x125xi32, #tpu.memory_space<vmem>> -> memref<1x125xi32, #tpu.memory_space<vmem>>
        %dma_wait3A_84 = tpu.memref_squeeze %dma_wait3A_83 : memref<1x125xi32, #tpu.memory_space<vmem>> -> memref<125xi32, #tpu.memory_space<vmem>>
        %dma_wait3A_85 = arith.constant 0 : i32
        %dma_wait3A_86 = arith.constant 0 : i32
        %dma_wait3A_87 = tpu.memref_slice %arg10[%dma_wait3A_85, %dma_wait3A_86] : memref<10240x128xf32, #tpu.memory_space<vmem_shared>> -> memref<10240x128xf32, #tpu.memory_space<vmem_shared>>
        tpu.wait_indirect_dma semaphore(%run_scoped3A_75 : memref<!tpu.dma_semaphore, #tpu.memory_space<semaphore_mem>>) src(%arg9 : memref<125x128xf32, #tpu.memory_space<vmem>>) dst(%dma_wait3A_87 : memref<10240x128xf32, #tpu.memory_space<vmem_shared>>)
        tpu.yield
      }) : () -> ()
    }
    %scan3A_20 = arith.constant 20 : i32
    %mul3A_21 = arith.constant 80 : i32
    %mul3A_22 = arith.muli %add3A, %mul3A_21 : i32
    %add3A_23 = arith.constant 40 : i32
    %add3A_24 = arith.addi %mul3A_22, %add3A_23 : i32
    %run_scoped3A_25 = arith.constant 0 : i32
    "tpu.region"() ({
      %run_scoped3A_45 = tpu.sem_alloc : memref<!tpu.dma_semaphore, #tpu.memory_space<semaphore_mem>>
      %dma_start3A_46 = arith.constant 0 : i32
      %dma_start3A_47 = tpu.memref_slice %arg3[%run_scoped3A_25, %add3A_24, %dma_start3A_46] : memref<2x2560x125xi32, #tpu.memory_space<hbm>> -> memref<1x40x125xi32, #tpu.memory_space<hbm>>
      %dma_start3A_48 = tpu.memref_squeeze %dma_start3A_47 : memref<1x40x125xi32, #tpu.memory_space<hbm>> -> memref<40x125xi32, #tpu.memory_space<hbm>>
      %dma_start3A_49 = arith.constant 0 : i32
      %dma_start3A_50 = tpu.memref_slice %arg3[%run_scoped3A_25, %add3A_24, %dma_start3A_49] : memref<2x2560x125xi32, #tpu.memory_space<hbm>> -> memref<1x40x125xi32, #tpu.memory_space<hbm>>
      %dma_start3A_51 = tpu.memref_squeeze %dma_start3A_50 : memref<1x40x125xi32, #tpu.memory_space<hbm>> -> memref<40x125xi32, #tpu.memory_space<hbm>>
      tpu.enqueue_dma source(%dma_start3A_51 : memref<40x125xi32, #tpu.memory_space<hbm>>) target(%arg6 : memref<40x125xi32, #tpu.memory_space<vmem>>) target_semaphore(%run_scoped3A_45 : memref<!tpu.dma_semaphore, #tpu.memory_space<semaphore_mem>>)
      %dma_wait3A = arith.constant 0 : i32
      %dma_wait3A_52 = tpu.memref_slice %arg3[%run_scoped3A_25, %add3A_24, %dma_wait3A] : memref<2x2560x125xi32, #tpu.memory_space<hbm>> -> memref<1x40x125xi32, #tpu.memory_space<hbm>>
      %dma_wait3A_53 = tpu.memref_squeeze %dma_wait3A_52 : memref<1x40x125xi32, #tpu.memory_space<hbm>> -> memref<40x125xi32, #tpu.memory_space<hbm>>
      %dma_wait3A_54 = arith.constant 0 : i32
      %dma_wait3A_55 = tpu.memref_slice %arg3[%run_scoped3A_25, %add3A_24, %dma_wait3A_54] : memref<2x2560x125xi32, #tpu.memory_space<hbm>> -> memref<1x40x125xi32, #tpu.memory_space<hbm>>
      %dma_wait3A_56 = tpu.memref_squeeze %dma_wait3A_55 : memref<1x40x125xi32, #tpu.memory_space<hbm>> -> memref<40x125xi32, #tpu.memory_space<hbm>>
      tpu.wait_dma2 semaphore(%run_scoped3A_45 : memref<!tpu.dma_semaphore, #tpu.memory_space<semaphore_mem>>) src(%dma_wait3A_56 : memref<40x125xi32, #tpu.memory_space<hbm>>) dst(%arg6 : memref<40x125xi32, #tpu.memory_space<vmem>>)
      tpu.yield
    }) : () -> ()
    %run_scoped3A_26 = arith.constant 1 : i32
    "tpu.region"() ({
      %run_scoped3A_45 = tpu.sem_alloc : memref<!tpu.dma_semaphore, #tpu.memory_space<semaphore_mem>>
      %dma_start3A_46 = arith.constant 0 : i32
      %dma_start3A_47 = tpu.memref_slice %arg3[%run_scoped3A_26, %add3A_24, %dma_start3A_46] : memref<2x2560x125xi32, #tpu.memory_space<hbm>> -> memref<1x40x125xi32, #tpu.memory_space<hbm>>
      %dma_start3A_48 = tpu.memref_squeeze %dma_start3A_47 : memref<1x40x125xi32, #tpu.memory_space<hbm>> -> memref<40x125xi32, #tpu.memory_space<hbm>>
      %dma_start3A_49 = arith.constant 0 : i32
      %dma_start3A_50 = tpu.memref_slice %arg3[%run_scoped3A_26, %add3A_24, %dma_start3A_49] : memref<2x2560x125xi32, #tpu.memory_space<hbm>> -> memref<1x40x125xi32, #tpu.memory_space<hbm>>
      %dma_start3A_51 = tpu.memref_squeeze %dma_start3A_50 : memref<1x40x125xi32, #tpu.memory_space<hbm>> -> memref<40x125xi32, #tpu.memory_space<hbm>>
      tpu.enqueue_dma source(%dma_start3A_51 : memref<40x125xi32, #tpu.memory_space<hbm>>) target(%arg7 : memref<40x125xi32, #tpu.memory_space<vmem>>) target_semaphore(%run_scoped3A_45 : memref<!tpu.dma_semaphore, #tpu.memory_space<semaphore_mem>>)
      %dma_wait3A = arith.constant 0 : i32
      %dma_wait3A_52 = tpu.memref_slice %arg3[%run_scoped3A_26, %add3A_24, %dma_wait3A] : memref<2x2560x125xi32, #tpu.memory_space<hbm>> -> memref<1x40x125xi32, #tpu.memory_space<hbm>>
      %dma_wait3A_53 = tpu.memref_squeeze %dma_wait3A_52 : memref<1x40x125xi32, #tpu.memory_space<hbm>> -> memref<40x125xi32, #tpu.memory_space<hbm>>
      %dma_wait3A_54 = arith.constant 0 : i32
      %dma_wait3A_55 = tpu.memref_slice %arg3[%run_scoped3A_26, %add3A_24, %dma_wait3A_54] : memref<2x2560x125xi32, #tpu.memory_space<hbm>> -> memref<1x40x125xi32, #tpu.memory_space<hbm>>
      %dma_wait3A_56 = tpu.memref_squeeze %dma_wait3A_55 : memref<1x40x125xi32, #tpu.memory_space<hbm>> -> memref<40x125xi32, #tpu.memory_space<hbm>>
      tpu.wait_dma2 semaphore(%run_scoped3A_45 : memref<!tpu.dma_semaphore, #tpu.memory_space<semaphore_mem>>) src(%dma_wait3A_56 : memref<40x125xi32, #tpu.memory_space<hbm>>) dst(%arg7 : memref<40x125xi32, #tpu.memory_space<vmem>>)
      tpu.yield
    }) : () -> ()
    %dma_start3A_27 = arith.constant 0 : i32
    %dma_start3A_28 = arith.constant 0 : i32
    %dma_start3A_29 = tpu.memref_slice %arg6[%dma_start3A_27, %dma_start3A_28] : memref<40x125xi32, #tpu.memory_space<vmem>> -> memref<1x125xi32, #tpu.memory_space<vmem>>
    %dma_start3A_30 = tpu.memref_squeeze %dma_start3A_29 : memref<1x125xi32, #tpu.memory_space<vmem>> -> memref<125xi32, #tpu.memory_space<vmem>>
    %dma_start3A_31 = arith.constant 0 : i32
    %dma_start3A_32 = arith.constant 0 : i32
    %dma_start3A_33 = tpu.memref_slice %arg2[%dma_start3A_31, %dma_start3A_32] : memref<10000x128xf32, #tpu.memory_space<hbm>> -> memref<10000x128xf32, #tpu.memory_space<hbm>>
    tpu.enqueue_indirect_dma source(%dma_start3A_33 : memref<10000x128xf32, #tpu.memory_space<hbm>>) target(%arg8 : memref<125x128xf32, #tpu.memory_space<vmem>>) offsets(%dma_start3A_30 : memref<125xi32, #tpu.memory_space<vmem>>) semaphore(%arg11 : memref<!tpu.dma_semaphore, #tpu.memory_space<semaphore_mem>>)
    %scan3A_34 = arith.constant 0 : i32
    %scan3A_35 = arith.constant 0 : i32
    %scan3A_36 = arith.constant 20 : i32
    %scan3A_37 = arith.addi %scan3A_35, %scan3A_36 : i32
    %scan3A_38 = arith.constant 1 : i32
    scf.for %scan3A_45 = %scan3A_35 to %scan3A_37 step %scan3A_38  : i32 {
      %mul3A_46 = arith.constant 2 : i32
      %mul3A_47 = arith.muli %mul3A_46, %scan3A_45 : i32
      %add3A_48 = arith.constant 1 : i32
      %add3A_49 = arith.addi %mul3A_47, %add3A_48 : i32
      %dma_start3A_50 = arith.constant 0 : i32
      %dma_start3A_51 = tpu.memref_slice %arg6[%add3A_49, %dma_start3A_50] : memref<40x125xi32, #tpu.memory_space<vmem>> -> memref<1x125xi32, #tpu.memory_space<vmem>>
      %dma_start3A_52 = tpu.memref_squeeze %dma_start3A_51 : memref<1x125xi32, #tpu.memory_space<vmem>> -> memref<125xi32, #tpu.memory_space<vmem>>
      %dma_start3A_53 = arith.constant 0 : i32
      %dma_start3A_54 = arith.constant 0 : i32
      %dma_start3A_55 = tpu.memref_slice %arg2[%dma_start3A_53, %dma_start3A_54] : memref<10000x128xf32, #tpu.memory_space<hbm>> -> memref<10000x128xf32, #tpu.memory_space<hbm>>
      tpu.enqueue_indirect_dma source(%dma_start3A_55 : memref<10000x128xf32, #tpu.memory_space<hbm>>) target(%arg9 : memref<125x128xf32, #tpu.memory_space<vmem>>) offsets(%dma_start3A_52 : memref<125xi32, #tpu.memory_space<vmem>>) semaphore(%arg12 : memref<!tpu.dma_semaphore, #tpu.memory_space<semaphore_mem>>)
      %dma_wait3A = arith.constant 0 : i32
      %dma_wait3A_56 = tpu.memref_slice %arg6[%mul3A_47, %dma_wait3A] : memref<40x125xi32, #tpu.memory_space<vmem>> -> memref<1x125xi32, #tpu.memory_space<vmem>>
      %dma_wait3A_57 = tpu.memref_squeeze %dma_wait3A_56 : memref<1x125xi32, #tpu.memory_space<vmem>> -> memref<125xi32, #tpu.memory_space<vmem>>
      %dma_wait3A_58 = arith.constant 0 : i32
      %dma_wait3A_59 = arith.constant 0 : i32
      %dma_wait3A_60 = tpu.memref_slice %arg2[%dma_wait3A_58, %dma_wait3A_59] : memref<10000x128xf32, #tpu.memory_space<hbm>> -> memref<10000x128xf32, #tpu.memory_space<hbm>>
      tpu.wait_indirect_dma semaphore(%arg11 : memref<!tpu.dma_semaphore, #tpu.memory_space<semaphore_mem>>) src(%dma_wait3A_60 : memref<10000x128xf32, #tpu.memory_space<hbm>>) dst(%arg8 : memref<125x128xf32, #tpu.memory_space<vmem>>)
      "tpu.region"() ({
        %run_scoped3A_75 = tpu.sem_alloc : memref<!tpu.dma_semaphore, #tpu.memory_space<semaphore_mem>>
        %dma_start3A_76 = arith.constant 0 : i32
        %dma_start3A_77 = tpu.memref_slice %arg7[%mul3A_47, %dma_start3A_76] : memref<40x125xi32, #tpu.memory_space<vmem>> -> memref<1x125xi32, #tpu.memory_space<vmem>>
        %dma_start3A_78 = tpu.memref_squeeze %dma_start3A_77 : memref<1x125xi32, #tpu.memory_space<vmem>> -> memref<125xi32, #tpu.memory_space<vmem>>
        %dma_start3A_79 = arith.constant 0 : i32
        %dma_start3A_80 = arith.constant 0 : i32
        %dma_start3A_81 = tpu.memref_slice %arg10[%dma_start3A_79, %dma_start3A_80] : memref<10240x128xf32, #tpu.memory_space<vmem_shared>> -> memref<10240x128xf32, #tpu.memory_space<vmem_shared>>
        tpu.enqueue_indirect_dma source(%arg8 : memref<125x128xf32, #tpu.memory_space<vmem>>) target(%dma_start3A_81 : memref<10240x128xf32, #tpu.memory_space<vmem_shared>>) offsets(%dma_start3A_78 : memref<125xi32, #tpu.memory_space<vmem>>) semaphore(%run_scoped3A_75 : memref<!tpu.dma_semaphore, #tpu.memory_space<semaphore_mem>>) {add = true}
        %dma_wait3A_82 = arith.constant 0 : i32
        %dma_wait3A_83 = tpu.memref_slice %arg7[%mul3A_47, %dma_wait3A_82] : memref<40x125xi32, #tpu.memory_space<vmem>> -> memref<1x125xi32, #tpu.memory_space<vmem>>
        %dma_wait3A_84 = tpu.memref_squeeze %dma_wait3A_83 : memref<1x125xi32, #tpu.memory_space<vmem>> -> memref<125xi32, #tpu.memory_space<vmem>>
        %dma_wait3A_85 = arith.constant 0 : i32
        %dma_wait3A_86 = arith.constant 0 : i32
        %dma_wait3A_87 = tpu.memref_slice %arg10[%dma_wait3A_85, %dma_wait3A_86] : memref<10240x128xf32, #tpu.memory_space<vmem_shared>> -> memref<10240x128xf32, #tpu.memory_space<vmem_shared>>
        tpu.wait_indirect_dma semaphore(%run_scoped3A_75 : memref<!tpu.dma_semaphore, #tpu.memory_space<semaphore_mem>>) src(%arg8 : memref<125x128xf32, #tpu.memory_space<vmem>>) dst(%dma_wait3A_87 : memref<10240x128xf32, #tpu.memory_space<vmem_shared>>)
        tpu.yield
      }) : () -> ()
      %add3A_61 = arith.constant 2 : i32
      %add3A_62 = arith.addi %mul3A_47, %add3A_61 : i32
      %lt3A = arith.constant 40 : i32
      %lt3A_63 = arith.cmpi slt, %add3A_62, %lt3A : i32
      %convert_element_type3A = arith.extui %lt3A_63 : i1 to i32
      %cond3A = arith.constant 0 : i32
      %cond3A_64 = arith.cmpi ne, %convert_element_type3A, %cond3A : i32
      scf.if %cond3A_64 {
        %add3A_75 = arith.constant 2 : i32
        %add3A_76 = arith.addi %mul3A_47, %add3A_75 : i32
        %dma_start3A_77 = arith.constant 0 : i32
        %dma_start3A_78 = tpu.memref_slice %arg6[%add3A_76, %dma_start3A_77] : memref<40x125xi32, #tpu.memory_space<vmem>> -> memref<1x125xi32, #tpu.memory_space<vmem>>
        %dma_start3A_79 = tpu.memref_squeeze %dma_start3A_78 : memref<1x125xi32, #tpu.memory_space<vmem>> -> memref<125xi32, #tpu.memory_space<vmem>>
        %dma_start3A_80 = arith.constant 0 : i32
        %dma_start3A_81 = arith.constant 0 : i32
        %dma_start3A_82 = tpu.memref_slice %arg2[%dma_start3A_80, %dma_start3A_81] : memref<10000x128xf32, #tpu.memory_space<hbm>> -> memref<10000x128xf32, #tpu.memory_space<hbm>>
        tpu.enqueue_indirect_dma source(%dma_start3A_82 : memref<10000x128xf32, #tpu.memory_space<hbm>>) target(%arg8 : memref<125x128xf32, #tpu.memory_space<vmem>>) offsets(%dma_start3A_79 : memref<125xi32, #tpu.memory_space<vmem>>) semaphore(%arg11 : memref<!tpu.dma_semaphore, #tpu.memory_space<semaphore_mem>>)
      } else {
      }
      %add3A_65 = arith.constant 1 : i32
      %add3A_66 = arith.addi %mul3A_47, %add3A_65 : i32
      %dma_wait3A_67 = arith.constant 0 : i32
      %dma_wait3A_68 = tpu.memref_slice %arg6[%add3A_66, %dma_wait3A_67] : memref<40x125xi32, #tpu.memory_space<vmem>> -> memref<1x125xi32, #tpu.memory_space<vmem>>
      %dma_wait3A_69 = tpu.memref_squeeze %dma_wait3A_68 : memref<1x125xi32, #tpu.memory_space<vmem>> -> memref<125xi32, #tpu.memory_space<vmem>>
      %dma_wait3A_70 = arith.constant 0 : i32
      %dma_wait3A_71 = arith.constant 0 : i32
      %dma_wait3A_72 = tpu.memref_slice %arg2[%dma_wait3A_70, %dma_wait3A_71] : memref<10000x128xf32, #tpu.memory_space<hbm>> -> memref<10000x128xf32, #tpu.memory_space<hbm>>
      tpu.wait_indirect_dma semaphore(%arg12 : memref<!tpu.dma_semaphore, #tpu.memory_space<semaphore_mem>>) src(%dma_wait3A_72 : memref<10000x128xf32, #tpu.memory_space<hbm>>) dst(%arg9 : memref<125x128xf32, #tpu.memory_space<vmem>>)
      %add3A_73 = arith.constant 1 : i32
      %add3A_74 = arith.addi %mul3A_47, %add3A_73 : i32
      "tpu.region"() ({
        %run_scoped3A_75 = tpu.sem_alloc : memref<!tpu.dma_semaphore, #tpu.memory_space<semaphore_mem>>
        %dma_start3A_76 = arith.constant 0 : i32
        %dma_start3A_77 = tpu.memref_slice %arg7[%add3A_74, %dma_start3A_76] : memref<40x125xi32, #tpu.memory_space<vmem>> -> memref<1x125xi32, #tpu.memory_space<vmem>>
        %dma_start3A_78 = tpu.memref_squeeze %dma_start3A_77 : memref<1x125xi32, #tpu.memory_space<vmem>> -> memref<125xi32, #tpu.memory_space<vmem>>
        %dma_start3A_79 = arith.constant 0 : i32
        %dma_start3A_80 = arith.constant 0 : i32
        %dma_start3A_81 = tpu.memref_slice %arg10[%dma_start3A_79, %dma_start3A_80] : memref<10240x128xf32, #tpu.memory_space<vmem_shared>> -> memref<10240x128xf32, #tpu.memory_space<vmem_shared>>
        tpu.enqueue_indirect_dma source(%arg9 : memref<125x128xf32, #tpu.memory_space<vmem>>) target(%dma_start3A_81 : memref<10240x128xf32, #tpu.memory_space<vmem_shared>>) offsets(%dma_start3A_78 : memref<125xi32, #tpu.memory_space<vmem>>) semaphore(%run_scoped3A_75 : memref<!tpu.dma_semaphore, #tpu.memory_space<semaphore_mem>>) {add = true}
        %dma_wait3A_82 = arith.constant 0 : i32
        %dma_wait3A_83 = tpu.memref_slice %arg7[%add3A_74, %dma_wait3A_82] : memref<40x125xi32, #tpu.memory_space<vmem>> -> memref<1x125xi32, #tpu.memory_space<vmem>>
        %dma_wait3A_84 = tpu.memref_squeeze %dma_wait3A_83 : memref<1x125xi32, #tpu.memory_space<vmem>> -> memref<125xi32, #tpu.memory_space<vmem>>
        %dma_wait3A_85 = arith.constant 0 : i32
        %dma_wait3A_86 = arith.constant 0 : i32
        %dma_wait3A_87 = tpu.memref_slice %arg10[%dma_wait3A_85, %dma_wait3A_86] : memref<10240x128xf32, #tpu.memory_space<vmem_shared>> -> memref<10240x128xf32, #tpu.memory_space<vmem_shared>>
        tpu.wait_indirect_dma semaphore(%run_scoped3A_75 : memref<!tpu.dma_semaphore, #tpu.memory_space<semaphore_mem>>) src(%arg9 : memref<125x128xf32, #tpu.memory_space<vmem>>) dst(%dma_wait3A_87 : memref<10240x128xf32, #tpu.memory_space<vmem_shared>>)
        tpu.yield
      }) : () -> ()
    }
    %scan3A_39 = arith.constant 20 : i32
    %barrier3A_40 = arith.constant 0 : index
    tpu.barrier barrier_id(%barrier3A_40)
    %mul3A_41 = arith.constant 640 : i32
    %mul3A_42 = arith.muli %arg1, %mul3A_41 : i32
    %mul3A_43 = arith.constant 640 : i32
    %mul3A_44 = arith.muli %arg1, %mul3A_43 : i32
    "tpu.region"() ({
      %run_scoped3A_45 = tpu.sem_alloc : memref<!tpu.dma_semaphore, #tpu.memory_space<semaphore_mem>>
      %dma_start3A_46 = arith.constant 0 : i32
      %dma_start3A_47 = tpu.memref_slice %arg5[%arg0, %mul3A_44, %dma_start3A_46] : memref<2x10240x128xf32, #tpu.memory_space<hbm>> -> memref<1x640x128xf32, #tpu.memory_space<hbm>>
      %dma_start3A_48 = tpu.memref_squeeze %dma_start3A_47 : memref<1x640x128xf32, #tpu.memory_space<hbm>> -> memref<640x128xf32, #tpu.memory_space<hbm>>
      %dma_start3A_49 = arith.constant 0 : i32
      %dma_start3A_50 = tpu.memref_slice %arg10[%mul3A_42, %dma_start3A_49] : memref<10240x128xf32, #tpu.memory_space<vmem_shared>> -> memref<640x128xf32, #tpu.memory_space<vmem_shared>>
      tpu.enqueue_dma source(%dma_start3A_50 : memref<640x128xf32, #tpu.memory_space<vmem_shared>>) target(%dma_start3A_48 : memref<640x128xf32, #tpu.memory_space<hbm>>) target_semaphore(%run_scoped3A_45 : memref<!tpu.dma_semaphore, #tpu.memory_space<semaphore_mem>>)
      %dma_wait3A = arith.constant 0 : i32
      %dma_wait3A_51 = tpu.memref_slice %arg5[%arg0, %mul3A_44, %dma_wait3A] : memref<2x10240x128xf32, #tpu.memory_space<hbm>> -> memref<1x640x128xf32, #tpu.memory_space<hbm>>
      %dma_wait3A_52 = tpu.memref_squeeze %dma_wait3A_51 : memref<1x640x128xf32, #tpu.memory_space<hbm>> -> memref<640x128xf32, #tpu.memory_space<hbm>>
      %dma_wait3A_53 = arith.constant 0 : i32
      %dma_wait3A_54 = tpu.memref_slice %arg10[%mul3A_42, %dma_wait3A_53] : memref<10240x128xf32, #tpu.memory_space<vmem_shared>> -> memref<640x128xf32, #tpu.memory_space<vmem_shared>>
      tpu.wait_dma2 semaphore(%run_scoped3A_45 : memref<!tpu.dma_semaphore, #tpu.memory_space<semaphore_mem>>) src(%dma_wait3A_54 : memref<640x128xf32, #tpu.memory_space<vmem_shared>>) dst(%dma_wait3A_52 : memref<640x128xf32, #tpu.memory_space<hbm>>)
      tpu.yield
    }) : () -> ()
    return
  }
}

#map = affine_map<(d0, d1) -> (0, 0)>
#map1 = affine_map<(d0, d1) -> (0, 0, 0)>
module attributes {stable_mosaic.version = 14 : i64} {
  func.func @sc_edge_aggregate(%arg0: i32, %arg1: i32, %arg2: memref<10000x128xf32, #tpu.memory_space<hbm>>, %arg3: memref<2x2560x125xi32, #tpu.memory_space<hbm>>, %arg4: memref<10240x128xf32, #tpu.memory_space<hbm>>, %arg5: memref<2x10240x128xf32, #tpu.memory_space<hbm>>, %arg6: memref<40x125xi32, #tpu.memory_space<vmem>>, %arg7: memref<40x125xi32, #tpu.memory_space<vmem>>, %arg8: memref<125x128xf32, #tpu.memory_space<vmem>>, %arg9: memref<125x128xf32, #tpu.memory_space<vmem>>, %arg10: memref<10240x128xf32, #tpu.memory_space<vmem_shared>>, %arg11: memref<!tpu.dma_semaphore, #tpu.memory_space<semaphore_mem>>, %arg12: memref<!tpu.dma_semaphore, #tpu.memory_space<semaphore_mem>>) attributes {dimension_semantics = [#tpu.dimension_semantics<core_parallel>, #tpu.dimension_semantics<subcore_parallel>], iteration_bounds = array<i64: 2, 16>, scalar_prefetch = 0 : i64, scratch_operands = 7 : i64, tpu.core_type = #tpu.core_type<sc_vector_subcore>, window_params = [{transform_indices = #map}, {transform_indices = #map1}, {transform_indices = #map}, {transform_indices = #map1}]} {
    %mul3A = arith.constant 16 : i32
    %mul3A_0 = arith.muli %arg0, %mul3A : i32
    %add3A = arith.addi %mul3A_0, %arg1 : i32
    %mul3A_1 = arith.constant 640 : i32
    %mul3A_2 = arith.muli %arg1, %mul3A_1 : i32
    %mul3A_3 = arith.constant 640 : i32
    %mul3A_4 = arith.muli %arg1, %mul3A_3 : i32
    "tpu.region"() ({
      %run_scoped3A_45 = tpu.sem_alloc : memref<!tpu.dma_semaphore, #tpu.memory_space<semaphore_mem>>
      %dma_start3A_46 = arith.constant 0 : i32
      %dma_start3A_47 = tpu.memref_slice %arg10[%mul3A_4, %dma_start3A_46] : memref<10240x128xf32, #tpu.memory_space<vmem_shared>> -> memref<640x128xf32, #tpu.memory_space<vmem_shared>>
      %dma_start3A_48 = arith.constant 0 : i32
      %dma_start3A_49 = tpu.memref_slice %arg4[%mul3A_2, %dma_start3A_48] : memref<10240x128xf32, #tpu.memory_space<hbm>> -> memref<640x128xf32, #tpu.memory_space<hbm>>
      tpu.enqueue_dma source(%dma_start3A_49 : memref<640x128xf32, #tpu.memory_space<hbm>>) target(%dma_start3A_47 : memref<640x128xf32, #tpu.memory_space<vmem_shared>>) target_semaphore(%run_scoped3A_45 : memref<!tpu.dma_semaphore, #tpu.memory_space<semaphore_mem>>)
      %dma_wait3A = arith.constant 0 : i32
      %dma_wait3A_50 = tpu.memref_slice %arg10[%mul3A_4, %dma_wait3A] : memref<10240x128xf32, #tpu.memory_space<vmem_shared>> -> memref<640x128xf32, #tpu.memory_space<vmem_shared>>
      %dma_wait3A_51 = arith.constant 0 : i32
      %dma_wait3A_52 = tpu.memref_slice %arg4[%mul3A_2, %dma_wait3A_51] : memref<10240x128xf32, #tpu.memory_space<hbm>> -> memref<640x128xf32, #tpu.memory_space<hbm>>
      tpu.wait_dma2 semaphore(%run_scoped3A_45 : memref<!tpu.dma_semaphore, #tpu.memory_space<semaphore_mem>>) src(%dma_wait3A_52 : memref<640x128xf32, #tpu.memory_space<hbm>>) dst(%dma_wait3A_50 : memref<640x128xf32, #tpu.memory_space<vmem_shared>>)
      tpu.yield
    }) : () -> ()
    %barrier3A = arith.constant 0 : index
    tpu.barrier barrier_id(%barrier3A)
    %mul3A_5 = arith.constant 80 : i32
    %mul3A_6 = arith.muli %add3A, %mul3A_5 : i32
    %add3A_7 = arith.constant 0 : i32
    %add3A_8 = arith.addi %mul3A_6, %add3A_7 : i32
    %run_scoped3A = arith.constant 0 : i32
    "tpu.region"() ({
      %run_scoped3A_45 = tpu.sem_alloc : memref<!tpu.dma_semaphore, #tpu.memory_space<semaphore_mem>>
      %dma_start3A_46 = arith.constant 0 : i32
      %dma_start3A_47 = tpu.memref_slice %arg3[%run_scoped3A, %add3A_8, %dma_start3A_46] : memref<2x2560x125xi32, #tpu.memory_space<hbm>> -> memref<1x40x125xi32, #tpu.memory_space<hbm>>
      %dma_start3A_48 = tpu.memref_squeeze %dma_start3A_47 : memref<1x40x125xi32, #tpu.memory_space<hbm>> -> memref<40x125xi32, #tpu.memory_space<hbm>>
      %dma_start3A_49 = arith.constant 0 : i32
      %dma_start3A_50 = tpu.memref_slice %arg3[%run_scoped3A, %add3A_8, %dma_start3A_49] : memref<2x2560x125xi32, #tpu.memory_space<hbm>> -> memref<1x40x125xi32, #tpu.memory_space<hbm>>
      %dma_start3A_51 = tpu.memref_squeeze %dma_start3A_50 : memref<1x40x125xi32, #tpu.memory_space<hbm>> -> memref<40x125xi32, #tpu.memory_space<hbm>>
      tpu.enqueue_dma source(%dma_start3A_51 : memref<40x125xi32, #tpu.memory_space<hbm>>) target(%arg6 : memref<40x125xi32, #tpu.memory_space<vmem>>) target_semaphore(%run_scoped3A_45 : memref<!tpu.dma_semaphore, #tpu.memory_space<semaphore_mem>>)
      %dma_wait3A = arith.constant 0 : i32
      %dma_wait3A_52 = tpu.memref_slice %arg3[%run_scoped3A, %add3A_8, %dma_wait3A] : memref<2x2560x125xi32, #tpu.memory_space<hbm>> -> memref<1x40x125xi32, #tpu.memory_space<hbm>>
      %dma_wait3A_53 = tpu.memref_squeeze %dma_wait3A_52 : memref<1x40x125xi32, #tpu.memory_space<hbm>> -> memref<40x125xi32, #tpu.memory_space<hbm>>
      %dma_wait3A_54 = arith.constant 0 : i32
      %dma_wait3A_55 = tpu.memref_slice %arg3[%run_scoped3A, %add3A_8, %dma_wait3A_54] : memref<2x2560x125xi32, #tpu.memory_space<hbm>> -> memref<1x40x125xi32, #tpu.memory_space<hbm>>
      %dma_wait3A_56 = tpu.memref_squeeze %dma_wait3A_55 : memref<1x40x125xi32, #tpu.memory_space<hbm>> -> memref<40x125xi32, #tpu.memory_space<hbm>>
      tpu.wait_dma2 semaphore(%run_scoped3A_45 : memref<!tpu.dma_semaphore, #tpu.memory_space<semaphore_mem>>) src(%dma_wait3A_56 : memref<40x125xi32, #tpu.memory_space<hbm>>) dst(%arg6 : memref<40x125xi32, #tpu.memory_space<vmem>>)
      tpu.yield
    }) : () -> ()
    %run_scoped3A_9 = arith.constant 1 : i32
    "tpu.region"() ({
      %run_scoped3A_45 = tpu.sem_alloc : memref<!tpu.dma_semaphore, #tpu.memory_space<semaphore_mem>>
      %dma_start3A_46 = arith.constant 0 : i32
      %dma_start3A_47 = tpu.memref_slice %arg3[%run_scoped3A_9, %add3A_8, %dma_start3A_46] : memref<2x2560x125xi32, #tpu.memory_space<hbm>> -> memref<1x40x125xi32, #tpu.memory_space<hbm>>
      %dma_start3A_48 = tpu.memref_squeeze %dma_start3A_47 : memref<1x40x125xi32, #tpu.memory_space<hbm>> -> memref<40x125xi32, #tpu.memory_space<hbm>>
      %dma_start3A_49 = arith.constant 0 : i32
      %dma_start3A_50 = tpu.memref_slice %arg3[%run_scoped3A_9, %add3A_8, %dma_start3A_49] : memref<2x2560x125xi32, #tpu.memory_space<hbm>> -> memref<1x40x125xi32, #tpu.memory_space<hbm>>
      %dma_start3A_51 = tpu.memref_squeeze %dma_start3A_50 : memref<1x40x125xi32, #tpu.memory_space<hbm>> -> memref<40x125xi32, #tpu.memory_space<hbm>>
      tpu.enqueue_dma source(%dma_start3A_51 : memref<40x125xi32, #tpu.memory_space<hbm>>) target(%arg7 : memref<40x125xi32, #tpu.memory_space<vmem>>) target_semaphore(%run_scoped3A_45 : memref<!tpu.dma_semaphore, #tpu.memory_space<semaphore_mem>>)
      %dma_wait3A = arith.constant 0 : i32
      %dma_wait3A_52 = tpu.memref_slice %arg3[%run_scoped3A_9, %add3A_8, %dma_wait3A] : memref<2x2560x125xi32, #tpu.memory_space<hbm>> -> memref<1x40x125xi32, #tpu.memory_space<hbm>>
      %dma_wait3A_53 = tpu.memref_squeeze %dma_wait3A_52 : memref<1x40x125xi32, #tpu.memory_space<hbm>> -> memref<40x125xi32, #tpu.memory_space<hbm>>
      %dma_wait3A_54 = arith.constant 0 : i32
      %dma_wait3A_55 = tpu.memref_slice %arg3[%run_scoped3A_9, %add3A_8, %dma_wait3A_54] : memref<2x2560x125xi32, #tpu.memory_space<hbm>> -> memref<1x40x125xi32, #tpu.memory_space<hbm>>
      %dma_wait3A_56 = tpu.memref_squeeze %dma_wait3A_55 : memref<1x40x125xi32, #tpu.memory_space<hbm>> -> memref<40x125xi32, #tpu.memory_space<hbm>>
      tpu.wait_dma2 semaphore(%run_scoped3A_45 : memref<!tpu.dma_semaphore, #tpu.memory_space<semaphore_mem>>) src(%dma_wait3A_56 : memref<40x125xi32, #tpu.memory_space<hbm>>) dst(%arg7 : memref<40x125xi32, #tpu.memory_space<vmem>>)
      tpu.yield
    }) : () -> ()
    %dma_start3A = arith.constant 0 : i32
    %dma_start3A_10 = arith.constant 0 : i32
    %dma_start3A_11 = tpu.memref_slice %arg6[%dma_start3A, %dma_start3A_10] : memref<40x125xi32, #tpu.memory_space<vmem>> -> memref<1x125xi32, #tpu.memory_space<vmem>>
    %dma_start3A_12 = tpu.memref_squeeze %dma_start3A_11 : memref<1x125xi32, #tpu.memory_space<vmem>> -> memref<125xi32, #tpu.memory_space<vmem>>
    %dma_start3A_13 = arith.constant 0 : i32
    %dma_start3A_14 = arith.constant 0 : i32
    %dma_start3A_15 = tpu.memref_slice %arg2[%dma_start3A_13, %dma_start3A_14] : memref<10000x128xf32, #tpu.memory_space<hbm>> -> memref<10000x128xf32, #tpu.memory_space<hbm>>
    tpu.enqueue_indirect_dma source(%dma_start3A_15 : memref<10000x128xf32, #tpu.memory_space<hbm>>) target(%arg8 : memref<125x128xf32, #tpu.memory_space<vmem>>) offsets(%dma_start3A_12 : memref<125xi32, #tpu.memory_space<vmem>>) semaphore(%arg11 : memref<!tpu.dma_semaphore, #tpu.memory_space<semaphore_mem>>)
    %scan3A = arith.constant 0 : i32
    %scan3A_16 = arith.constant 0 : i32
    %scan3A_17 = arith.constant 20 : i32
    %scan3A_18 = arith.addi %scan3A_16, %scan3A_17 : i32
    %scan3A_19 = arith.constant 1 : i32
    scf.for %scan3A_45 = %scan3A_16 to %scan3A_18 step %scan3A_19  : i32 {
      %mul3A_46 = arith.constant 2 : i32
      %mul3A_47 = arith.muli %mul3A_46, %scan3A_45 : i32
      %add3A_48 = arith.constant 1 : i32
      %add3A_49 = arith.addi %mul3A_47, %add3A_48 : i32
      %dma_start3A_50 = arith.constant 0 : i32
      %dma_start3A_51 = tpu.memref_slice %arg6[%add3A_49, %dma_start3A_50] : memref<40x125xi32, #tpu.memory_space<vmem>> -> memref<1x125xi32, #tpu.memory_space<vmem>>
      %dma_start3A_52 = tpu.memref_squeeze %dma_start3A_51 : memref<1x125xi32, #tpu.memory_space<vmem>> -> memref<125xi32, #tpu.memory_space<vmem>>
      %dma_start3A_53 = arith.constant 0 : i32
      %dma_start3A_54 = arith.constant 0 : i32
      %dma_start3A_55 = tpu.memref_slice %arg2[%dma_start3A_53, %dma_start3A_54] : memref<10000x128xf32, #tpu.memory_space<hbm>> -> memref<10000x128xf32, #tpu.memory_space<hbm>>
      tpu.enqueue_indirect_dma source(%dma_start3A_55 : memref<10000x128xf32, #tpu.memory_space<hbm>>) target(%arg9 : memref<125x128xf32, #tpu.memory_space<vmem>>) offsets(%dma_start3A_52 : memref<125xi32, #tpu.memory_space<vmem>>) semaphore(%arg12 : memref<!tpu.dma_semaphore, #tpu.memory_space<semaphore_mem>>)
      %dma_wait3A = arith.constant 0 : i32
      %dma_wait3A_56 = tpu.memref_slice %arg6[%mul3A_47, %dma_wait3A] : memref<40x125xi32, #tpu.memory_space<vmem>> -> memref<1x125xi32, #tpu.memory_space<vmem>>
      %dma_wait3A_57 = tpu.memref_squeeze %dma_wait3A_56 : memref<1x125xi32, #tpu.memory_space<vmem>> -> memref<125xi32, #tpu.memory_space<vmem>>
      %dma_wait3A_58 = arith.constant 0 : i32
      %dma_wait3A_59 = arith.constant 0 : i32
      %dma_wait3A_60 = tpu.memref_slice %arg2[%dma_wait3A_58, %dma_wait3A_59] : memref<10000x128xf32, #tpu.memory_space<hbm>> -> memref<10000x128xf32, #tpu.memory_space<hbm>>
      tpu.wait_indirect_dma semaphore(%arg11 : memref<!tpu.dma_semaphore, #tpu.memory_space<semaphore_mem>>) src(%dma_wait3A_60 : memref<10000x128xf32, #tpu.memory_space<hbm>>) dst(%arg8 : memref<125x128xf32, #tpu.memory_space<vmem>>)
      "tpu.region"() ({
        %run_scoped3A_75 = tpu.sem_alloc : memref<!tpu.dma_semaphore, #tpu.memory_space<semaphore_mem>>
        %dma_start3A_76 = arith.constant 0 : i32
        %dma_start3A_77 = tpu.memref_slice %arg7[%mul3A_47, %dma_start3A_76] : memref<40x125xi32, #tpu.memory_space<vmem>> -> memref<1x125xi32, #tpu.memory_space<vmem>>
        %dma_start3A_78 = tpu.memref_squeeze %dma_start3A_77 : memref<1x125xi32, #tpu.memory_space<vmem>> -> memref<125xi32, #tpu.memory_space<vmem>>
        %dma_start3A_79 = arith.constant 0 : i32
        %dma_start3A_80 = arith.constant 0 : i32
        %dma_start3A_81 = tpu.memref_slice %arg10[%dma_start3A_79, %dma_start3A_80] : memref<10240x128xf32, #tpu.memory_space<vmem_shared>> -> memref<10240x128xf32, #tpu.memory_space<vmem_shared>>
        tpu.enqueue_indirect_dma source(%arg8 : memref<125x128xf32, #tpu.memory_space<vmem>>) target(%dma_start3A_81 : memref<10240x128xf32, #tpu.memory_space<vmem_shared>>) offsets(%dma_start3A_78 : memref<125xi32, #tpu.memory_space<vmem>>) semaphore(%run_scoped3A_75 : memref<!tpu.dma_semaphore, #tpu.memory_space<semaphore_mem>>) {add = true}
        %dma_wait3A_82 = arith.constant 0 : i32
        %dma_wait3A_83 = tpu.memref_slice %arg7[%mul3A_47, %dma_wait3A_82] : memref<40x125xi32, #tpu.memory_space<vmem>> -> memref<1x125xi32, #tpu.memory_space<vmem>>
        %dma_wait3A_84 = tpu.memref_squeeze %dma_wait3A_83 : memref<1x125xi32, #tpu.memory_space<vmem>> -> memref<125xi32, #tpu.memory_space<vmem>>
        %dma_wait3A_85 = arith.constant 0 : i32
        %dma_wait3A_86 = arith.constant 0 : i32
        %dma_wait3A_87 = tpu.memref_slice %arg10[%dma_wait3A_85, %dma_wait3A_86] : memref<10240x128xf32, #tpu.memory_space<vmem_shared>> -> memref<10240x128xf32, #tpu.memory_space<vmem_shared>>
        tpu.wait_indirect_dma semaphore(%run_scoped3A_75 : memref<!tpu.dma_semaphore, #tpu.memory_space<semaphore_mem>>) src(%arg8 : memref<125x128xf32, #tpu.memory_space<vmem>>) dst(%dma_wait3A_87 : memref<10240x128xf32, #tpu.memory_space<vmem_shared>>)
        tpu.yield
      }) : () -> ()
      %add3A_61 = arith.constant 2 : i32
      %add3A_62 = arith.addi %mul3A_47, %add3A_61 : i32
      %lt3A = arith.constant 40 : i32
      %lt3A_63 = arith.cmpi slt, %add3A_62, %lt3A : i32
      %convert_element_type3A = arith.extui %lt3A_63 : i1 to i32
      %cond3A = arith.constant 0 : i32
      %cond3A_64 = arith.cmpi ne, %convert_element_type3A, %cond3A : i32
      scf.if %cond3A_64 {
        %add3A_75 = arith.constant 2 : i32
        %add3A_76 = arith.addi %mul3A_47, %add3A_75 : i32
        %dma_start3A_77 = arith.constant 0 : i32
        %dma_start3A_78 = tpu.memref_slice %arg6[%add3A_76, %dma_start3A_77] : memref<40x125xi32, #tpu.memory_space<vmem>> -> memref<1x125xi32, #tpu.memory_space<vmem>>
        %dma_start3A_79 = tpu.memref_squeeze %dma_start3A_78 : memref<1x125xi32, #tpu.memory_space<vmem>> -> memref<125xi32, #tpu.memory_space<vmem>>
        %dma_start3A_80 = arith.constant 0 : i32
        %dma_start3A_81 = arith.constant 0 : i32
        %dma_start3A_82 = tpu.memref_slice %arg2[%dma_start3A_80, %dma_start3A_81] : memref<10000x128xf32, #tpu.memory_space<hbm>> -> memref<10000x128xf32, #tpu.memory_space<hbm>>
        tpu.enqueue_indirect_dma source(%dma_start3A_82 : memref<10000x128xf32, #tpu.memory_space<hbm>>) target(%arg8 : memref<125x128xf32, #tpu.memory_space<vmem>>) offsets(%dma_start3A_79 : memref<125xi32, #tpu.memory_space<vmem>>) semaphore(%arg11 : memref<!tpu.dma_semaphore, #tpu.memory_space<semaphore_mem>>)
      } else {
      }
      %add3A_65 = arith.constant 1 : i32
      %add3A_66 = arith.addi %mul3A_47, %add3A_65 : i32
      %dma_wait3A_67 = arith.constant 0 : i32
      %dma_wait3A_68 = tpu.memref_slice %arg6[%add3A_66, %dma_wait3A_67] : memref<40x125xi32, #tpu.memory_space<vmem>> -> memref<1x125xi32, #tpu.memory_space<vmem>>
      %dma_wait3A_69 = tpu.memref_squeeze %dma_wait3A_68 : memref<1x125xi32, #tpu.memory_space<vmem>> -> memref<125xi32, #tpu.memory_space<vmem>>
      %dma_wait3A_70 = arith.constant 0 : i32
      %dma_wait3A_71 = arith.constant 0 : i32
      %dma_wait3A_72 = tpu.memref_slice %arg2[%dma_wait3A_70, %dma_wait3A_71] : memref<10000x128xf32, #tpu.memory_space<hbm>> -> memref<10000x128xf32, #tpu.memory_space<hbm>>
      tpu.wait_indirect_dma semaphore(%arg12 : memref<!tpu.dma_semaphore, #tpu.memory_space<semaphore_mem>>) src(%dma_wait3A_72 : memref<10000x128xf32, #tpu.memory_space<hbm>>) dst(%arg9 : memref<125x128xf32, #tpu.memory_space<vmem>>)
      %add3A_73 = arith.constant 1 : i32
      %add3A_74 = arith.addi %mul3A_47, %add3A_73 : i32
      "tpu.region"() ({
        %run_scoped3A_75 = tpu.sem_alloc : memref<!tpu.dma_semaphore, #tpu.memory_space<semaphore_mem>>
        %dma_start3A_76 = arith.constant 0 : i32
        %dma_start3A_77 = tpu.memref_slice %arg7[%add3A_74, %dma_start3A_76] : memref<40x125xi32, #tpu.memory_space<vmem>> -> memref<1x125xi32, #tpu.memory_space<vmem>>
        %dma_start3A_78 = tpu.memref_squeeze %dma_start3A_77 : memref<1x125xi32, #tpu.memory_space<vmem>> -> memref<125xi32, #tpu.memory_space<vmem>>
        %dma_start3A_79 = arith.constant 0 : i32
        %dma_start3A_80 = arith.constant 0 : i32
        %dma_start3A_81 = tpu.memref_slice %arg10[%dma_start3A_79, %dma_start3A_80] : memref<10240x128xf32, #tpu.memory_space<vmem_shared>> -> memref<10240x128xf32, #tpu.memory_space<vmem_shared>>
        tpu.enqueue_indirect_dma source(%arg9 : memref<125x128xf32, #tpu.memory_space<vmem>>) target(%dma_start3A_81 : memref<10240x128xf32, #tpu.memory_space<vmem_shared>>) offsets(%dma_start3A_78 : memref<125xi32, #tpu.memory_space<vmem>>) semaphore(%run_scoped3A_75 : memref<!tpu.dma_semaphore, #tpu.memory_space<semaphore_mem>>) {add = true}
        %dma_wait3A_82 = arith.constant 0 : i32
        %dma_wait3A_83 = tpu.memref_slice %arg7[%add3A_74, %dma_wait3A_82] : memref<40x125xi32, #tpu.memory_space<vmem>> -> memref<1x125xi32, #tpu.memory_space<vmem>>
        %dma_wait3A_84 = tpu.memref_squeeze %dma_wait3A_83 : memref<1x125xi32, #tpu.memory_space<vmem>> -> memref<125xi32, #tpu.memory_space<vmem>>
        %dma_wait3A_85 = arith.constant 0 : i32
        %dma_wait3A_86 = arith.constant 0 : i32
        %dma_wait3A_87 = tpu.memref_slice %arg10[%dma_wait3A_85, %dma_wait3A_86] : memref<10240x128xf32, #tpu.memory_space<vmem_shared>> -> memref<10240x128xf32, #tpu.memory_space<vmem_shared>>
        tpu.wait_indirect_dma semaphore(%run_scoped3A_75 : memref<!tpu.dma_semaphore, #tpu.memory_space<semaphore_mem>>) src(%arg9 : memref<125x128xf32, #tpu.memory_space<vmem>>) dst(%dma_wait3A_87 : memref<10240x128xf32, #tpu.memory_space<vmem_shared>>)
        tpu.yield
      }) : () -> ()
    }
    %scan3A_20 = arith.constant 20 : i32
    %mul3A_21 = arith.constant 80 : i32
    %mul3A_22 = arith.muli %add3A, %mul3A_21 : i32
    %add3A_23 = arith.constant 40 : i32
    %add3A_24 = arith.addi %mul3A_22, %add3A_23 : i32
    %run_scoped3A_25 = arith.constant 0 : i32
    "tpu.region"() ({
      %run_scoped3A_45 = tpu.sem_alloc : memref<!tpu.dma_semaphore, #tpu.memory_space<semaphore_mem>>
      %dma_start3A_46 = arith.constant 0 : i32
      %dma_start3A_47 = tpu.memref_slice %arg3[%run_scoped3A_25, %add3A_24, %dma_start3A_46] : memref<2x2560x125xi32, #tpu.memory_space<hbm>> -> memref<1x40x125xi32, #tpu.memory_space<hbm>>
      %dma_start3A_48 = tpu.memref_squeeze %dma_start3A_47 : memref<1x40x125xi32, #tpu.memory_space<hbm>> -> memref<40x125xi32, #tpu.memory_space<hbm>>
      %dma_start3A_49 = arith.constant 0 : i32
      %dma_start3A_50 = tpu.memref_slice %arg3[%run_scoped3A_25, %add3A_24, %dma_start3A_49] : memref<2x2560x125xi32, #tpu.memory_space<hbm>> -> memref<1x40x125xi32, #tpu.memory_space<hbm>>
      %dma_start3A_51 = tpu.memref_squeeze %dma_start3A_50 : memref<1x40x125xi32, #tpu.memory_space<hbm>> -> memref<40x125xi32, #tpu.memory_space<hbm>>
      tpu.enqueue_dma source(%dma_start3A_51 : memref<40x125xi32, #tpu.memory_space<hbm>>) target(%arg6 : memref<40x125xi32, #tpu.memory_space<vmem>>) target_semaphore(%run_scoped3A_45 : memref<!tpu.dma_semaphore, #tpu.memory_space<semaphore_mem>>)
      %dma_wait3A = arith.constant 0 : i32
      %dma_wait3A_52 = tpu.memref_slice %arg3[%run_scoped3A_25, %add3A_24, %dma_wait3A] : memref<2x2560x125xi32, #tpu.memory_space<hbm>> -> memref<1x40x125xi32, #tpu.memory_space<hbm>>
      %dma_wait3A_53 = tpu.memref_squeeze %dma_wait3A_52 : memref<1x40x125xi32, #tpu.memory_space<hbm>> -> memref<40x125xi32, #tpu.memory_space<hbm>>
      %dma_wait3A_54 = arith.constant 0 : i32
      %dma_wait3A_55 = tpu.memref_slice %arg3[%run_scoped3A_25, %add3A_24, %dma_wait3A_54] : memref<2x2560x125xi32, #tpu.memory_space<hbm>> -> memref<1x40x125xi32, #tpu.memory_space<hbm>>
      %dma_wait3A_56 = tpu.memref_squeeze %dma_wait3A_55 : memref<1x40x125xi32, #tpu.memory_space<hbm>> -> memref<40x125xi32, #tpu.memory_space<hbm>>
      tpu.wait_dma2 semaphore(%run_scoped3A_45 : memref<!tpu.dma_semaphore, #tpu.memory_space<semaphore_mem>>) src(%dma_wait3A_56 : memref<40x125xi32, #tpu.memory_space<hbm>>) dst(%arg6 : memref<40x125xi32, #tpu.memory_space<vmem>>)
      tpu.yield
    }) : () -> ()
    %run_scoped3A_26 = arith.constant 1 : i32
    "tpu.region"() ({
      %run_scoped3A_45 = tpu.sem_alloc : memref<!tpu.dma_semaphore, #tpu.memory_space<semaphore_mem>>
      %dma_start3A_46 = arith.constant 0 : i32
      %dma_start3A_47 = tpu.memref_slice %arg3[%run_scoped3A_26, %add3A_24, %dma_start3A_46] : memref<2x2560x125xi32, #tpu.memory_space<hbm>> -> memref<1x40x125xi32, #tpu.memory_space<hbm>>
      %dma_start3A_48 = tpu.memref_squeeze %dma_start3A_47 : memref<1x40x125xi32, #tpu.memory_space<hbm>> -> memref<40x125xi32, #tpu.memory_space<hbm>>
      %dma_start3A_49 = arith.constant 0 : i32
      %dma_start3A_50 = tpu.memref_slice %arg3[%run_scoped3A_26, %add3A_24, %dma_start3A_49] : memref<2x2560x125xi32, #tpu.memory_space<hbm>> -> memref<1x40x125xi32, #tpu.memory_space<hbm>>
      %dma_start3A_51 = tpu.memref_squeeze %dma_start3A_50 : memref<1x40x125xi32, #tpu.memory_space<hbm>> -> memref<40x125xi32, #tpu.memory_space<hbm>>
      tpu.enqueue_dma source(%dma_start3A_51 : memref<40x125xi32, #tpu.memory_space<hbm>>) target(%arg7 : memref<40x125xi32, #tpu.memory_space<vmem>>) target_semaphore(%run_scoped3A_45 : memref<!tpu.dma_semaphore, #tpu.memory_space<semaphore_mem>>)
      %dma_wait3A = arith.constant 0 : i32
      %dma_wait3A_52 = tpu.memref_slice %arg3[%run_scoped3A_26, %add3A_24, %dma_wait3A] : memref<2x2560x125xi32, #tpu.memory_space<hbm>> -> memref<1x40x125xi32, #tpu.memory_space<hbm>>
      %dma_wait3A_53 = tpu.memref_squeeze %dma_wait3A_52 : memref<1x40x125xi32, #tpu.memory_space<hbm>> -> memref<40x125xi32, #tpu.memory_space<hbm>>
      %dma_wait3A_54 = arith.constant 0 : i32
      %dma_wait3A_55 = tpu.memref_slice %arg3[%run_scoped3A_26, %add3A_24, %dma_wait3A_54] : memref<2x2560x125xi32, #tpu.memory_space<hbm>> -> memref<1x40x125xi32, #tpu.memory_space<hbm>>
      %dma_wait3A_56 = tpu.memref_squeeze %dma_wait3A_55 : memref<1x40x125xi32, #tpu.memory_space<hbm>> -> memref<40x125xi32, #tpu.memory_space<hbm>>
      tpu.wait_dma2 semaphore(%run_scoped3A_45 : memref<!tpu.dma_semaphore, #tpu.memory_space<semaphore_mem>>) src(%dma_wait3A_56 : memref<40x125xi32, #tpu.memory_space<hbm>>) dst(%arg7 : memref<40x125xi32, #tpu.memory_space<vmem>>)
      tpu.yield
    }) : () -> ()
    %dma_start3A_27 = arith.constant 0 : i32
    %dma_start3A_28 = arith.constant 0 : i32
    %dma_start3A_29 = tpu.memref_slice %arg6[%dma_start3A_27, %dma_start3A_28] : memref<40x125xi32, #tpu.memory_space<vmem>> -> memref<1x125xi32, #tpu.memory_space<vmem>>
    %dma_start3A_30 = tpu.memref_squeeze %dma_start3A_29 : memref<1x125xi32, #tpu.memory_space<vmem>> -> memref<125xi32, #tpu.memory_space<vmem>>
    %dma_start3A_31 = arith.constant 0 : i32
    %dma_start3A_32 = arith.constant 0 : i32
    %dma_start3A_33 = tpu.memref_slice %arg2[%dma_start3A_31, %dma_start3A_32] : memref<10000x128xf32, #tpu.memory_space<hbm>> -> memref<10000x128xf32, #tpu.memory_space<hbm>>
    tpu.enqueue_indirect_dma source(%dma_start3A_33 : memref<10000x128xf32, #tpu.memory_space<hbm>>) target(%arg8 : memref<125x128xf32, #tpu.memory_space<vmem>>) offsets(%dma_start3A_30 : memref<125xi32, #tpu.memory_space<vmem>>) semaphore(%arg11 : memref<!tpu.dma_semaphore, #tpu.memory_space<semaphore_mem>>)
    %scan3A_34 = arith.constant 0 : i32
    %scan3A_35 = arith.constant 0 : i32
    %scan3A_36 = arith.constant 20 : i32
    %scan3A_37 = arith.addi %scan3A_35, %scan3A_36 : i32
    %scan3A_38 = arith.constant 1 : i32
    scf.for %scan3A_45 = %scan3A_35 to %scan3A_37 step %scan3A_38  : i32 {
      %mul3A_46 = arith.constant 2 : i32
      %mul3A_47 = arith.muli %mul3A_46, %scan3A_45 : i32
      %add3A_48 = arith.constant 1 : i32
      %add3A_49 = arith.addi %mul3A_47, %add3A_48 : i32
      %dma_start3A_50 = arith.constant 0 : i32
      %dma_start3A_51 = tpu.memref_slice %arg6[%add3A_49, %dma_start3A_50] : memref<40x125xi32, #tpu.memory_space<vmem>> -> memref<1x125xi32, #tpu.memory_space<vmem>>
      %dma_start3A_52 = tpu.memref_squeeze %dma_start3A_51 : memref<1x125xi32, #tpu.memory_space<vmem>> -> memref<125xi32, #tpu.memory_space<vmem>>
      %dma_start3A_53 = arith.constant 0 : i32
      %dma_start3A_54 = arith.constant 0 : i32
      %dma_start3A_55 = tpu.memref_slice %arg2[%dma_start3A_53, %dma_start3A_54] : memref<10000x128xf32, #tpu.memory_space<hbm>> -> memref<10000x128xf32, #tpu.memory_space<hbm>>
      tpu.enqueue_indirect_dma source(%dma_start3A_55 : memref<10000x128xf32, #tpu.memory_space<hbm>>) target(%arg9 : memref<125x128xf32, #tpu.memory_space<vmem>>) offsets(%dma_start3A_52 : memref<125xi32, #tpu.memory_space<vmem>>) semaphore(%arg12 : memref<!tpu.dma_semaphore, #tpu.memory_space<semaphore_mem>>)
      %dma_wait3A = arith.constant 0 : i32
      %dma_wait3A_56 = tpu.memref_slice %arg6[%mul3A_47, %dma_wait3A] : memref<40x125xi32, #tpu.memory_space<vmem>> -> memref<1x125xi32, #tpu.memory_space<vmem>>
      %dma_wait3A_57 = tpu.memref_squeeze %dma_wait3A_56 : memref<1x125xi32, #tpu.memory_space<vmem>> -> memref<125xi32, #tpu.memory_space<vmem>>
      %dma_wait3A_58 = arith.constant 0 : i32
      %dma_wait3A_59 = arith.constant 0 : i32
      %dma_wait3A_60 = tpu.memref_slice %arg2[%dma_wait3A_58, %dma_wait3A_59] : memref<10000x128xf32, #tpu.memory_space<hbm>> -> memref<10000x128xf32, #tpu.memory_space<hbm>>
      tpu.wait_indirect_dma semaphore(%arg11 : memref<!tpu.dma_semaphore, #tpu.memory_space<semaphore_mem>>) src(%dma_wait3A_60 : memref<10000x128xf32, #tpu.memory_space<hbm>>) dst(%arg8 : memref<125x128xf32, #tpu.memory_space<vmem>>)
      "tpu.region"() ({
        %run_scoped3A_75 = tpu.sem_alloc : memref<!tpu.dma_semaphore, #tpu.memory_space<semaphore_mem>>
        %dma_start3A_76 = arith.constant 0 : i32
        %dma_start3A_77 = tpu.memref_slice %arg7[%mul3A_47, %dma_start3A_76] : memref<40x125xi32, #tpu.memory_space<vmem>> -> memref<1x125xi32, #tpu.memory_space<vmem>>
        %dma_start3A_78 = tpu.memref_squeeze %dma_start3A_77 : memref<1x125xi32, #tpu.memory_space<vmem>> -> memref<125xi32, #tpu.memory_space<vmem>>
        %dma_start3A_79 = arith.constant 0 : i32
        %dma_start3A_80 = arith.constant 0 : i32
        %dma_start3A_81 = tpu.memref_slice %arg10[%dma_start3A_79, %dma_start3A_80] : memref<10240x128xf32, #tpu.memory_space<vmem_shared>> -> memref<10240x128xf32, #tpu.memory_space<vmem_shared>>
        tpu.enqueue_indirect_dma source(%arg8 : memref<125x128xf32, #tpu.memory_space<vmem>>) target(%dma_start3A_81 : memref<10240x128xf32, #tpu.memory_space<vmem_shared>>) offsets(%dma_start3A_78 : memref<125xi32, #tpu.memory_space<vmem>>) semaphore(%run_scoped3A_75 : memref<!tpu.dma_semaphore, #tpu.memory_space<semaphore_mem>>) {add = true}
        %dma_wait3A_82 = arith.constant 0 : i32
        %dma_wait3A_83 = tpu.memref_slice %arg7[%mul3A_47, %dma_wait3A_82] : memref<40x125xi32, #tpu.memory_space<vmem>> -> memref<1x125xi32, #tpu.memory_space<vmem>>
        %dma_wait3A_84 = tpu.memref_squeeze %dma_wait3A_83 : memref<1x125xi32, #tpu.memory_space<vmem>> -> memref<125xi32, #tpu.memory_space<vmem>>
        %dma_wait3A_85 = arith.constant 0 : i32
        %dma_wait3A_86 = arith.constant 0 : i32
        %dma_wait3A_87 = tpu.memref_slice %arg10[%dma_wait3A_85, %dma_wait3A_86] : memref<10240x128xf32, #tpu.memory_space<vmem_shared>> -> memref<10240x128xf32, #tpu.memory_space<vmem_shared>>
        tpu.wait_indirect_dma semaphore(%run_scoped3A_75 : memref<!tpu.dma_semaphore, #tpu.memory_space<semaphore_mem>>) src(%arg8 : memref<125x128xf32, #tpu.memory_space<vmem>>) dst(%dma_wait3A_87 : memref<10240x128xf32, #tpu.memory_space<vmem_shared>>)
        tpu.yield
      }) : () -> ()
      %add3A_61 = arith.constant 2 : i32
      %add3A_62 = arith.addi %mul3A_47, %add3A_61 : i32
      %lt3A = arith.constant 40 : i32
      %lt3A_63 = arith.cmpi slt, %add3A_62, %lt3A : i32
      %convert_element_type3A = arith.extui %lt3A_63 : i1 to i32
      %cond3A = arith.constant 0 : i32
      %cond3A_64 = arith.cmpi ne, %convert_element_type3A, %cond3A : i32
      scf.if %cond3A_64 {
        %add3A_75 = arith.constant 2 : i32
        %add3A_76 = arith.addi %mul3A_47, %add3A_75 : i32
        %dma_start3A_77 = arith.constant 0 : i32
        %dma_start3A_78 = tpu.memref_slice %arg6[%add3A_76, %dma_start3A_77] : memref<40x125xi32, #tpu.memory_space<vmem>> -> memref<1x125xi32, #tpu.memory_space<vmem>>
        %dma_start3A_79 = tpu.memref_squeeze %dma_start3A_78 : memref<1x125xi32, #tpu.memory_space<vmem>> -> memref<125xi32, #tpu.memory_space<vmem>>
        %dma_start3A_80 = arith.constant 0 : i32
        %dma_start3A_81 = arith.constant 0 : i32
        %dma_start3A_82 = tpu.memref_slice %arg2[%dma_start3A_80, %dma_start3A_81] : memref<10000x128xf32, #tpu.memory_space<hbm>> -> memref<10000x128xf32, #tpu.memory_space<hbm>>
        tpu.enqueue_indirect_dma source(%dma_start3A_82 : memref<10000x128xf32, #tpu.memory_space<hbm>>) target(%arg8 : memref<125x128xf32, #tpu.memory_space<vmem>>) offsets(%dma_start3A_79 : memref<125xi32, #tpu.memory_space<vmem>>) semaphore(%arg11 : memref<!tpu.dma_semaphore, #tpu.memory_space<semaphore_mem>>)
      } else {
      }
      %add3A_65 = arith.constant 1 : i32
      %add3A_66 = arith.addi %mul3A_47, %add3A_65 : i32
      %dma_wait3A_67 = arith.constant 0 : i32
      %dma_wait3A_68 = tpu.memref_slice %arg6[%add3A_66, %dma_wait3A_67] : memref<40x125xi32, #tpu.memory_space<vmem>> -> memref<1x125xi32, #tpu.memory_space<vmem>>
      %dma_wait3A_69 = tpu.memref_squeeze %dma_wait3A_68 : memref<1x125xi32, #tpu.memory_space<vmem>> -> memref<125xi32, #tpu.memory_space<vmem>>
      %dma_wait3A_70 = arith.constant 0 : i32
      %dma_wait3A_71 = arith.constant 0 : i32
      %dma_wait3A_72 = tpu.memref_slice %arg2[%dma_wait3A_70, %dma_wait3A_71] : memref<10000x128xf32, #tpu.memory_space<hbm>> -> memref<10000x128xf32, #tpu.memory_space<hbm>>
      tpu.wait_indirect_dma semaphore(%arg12 : memref<!tpu.dma_semaphore, #tpu.memory_space<semaphore_mem>>) src(%dma_wait3A_72 : memref<10000x128xf32, #tpu.memory_space<hbm>>) dst(%arg9 : memref<125x128xf32, #tpu.memory_space<vmem>>)
      %add3A_73 = arith.constant 1 : i32
      %add3A_74 = arith.addi %mul3A_47, %add3A_73 : i32
      "tpu.region"() ({
        %run_scoped3A_75 = tpu.sem_alloc : memref<!tpu.dma_semaphore, #tpu.memory_space<semaphore_mem>>
        %dma_start3A_76 = arith.constant 0 : i32
        %dma_start3A_77 = tpu.memref_slice %arg7[%add3A_74, %dma_start3A_76] : memref<40x125xi32, #tpu.memory_space<vmem>> -> memref<1x125xi32, #tpu.memory_space<vmem>>
        %dma_start3A_78 = tpu.memref_squeeze %dma_start3A_77 : memref<1x125xi32, #tpu.memory_space<vmem>> -> memref<125xi32, #tpu.memory_space<vmem>>
        %dma_start3A_79 = arith.constant 0 : i32
        %dma_start3A_80 = arith.constant 0 : i32
        %dma_start3A_81 = tpu.memref_slice %arg10[%dma_start3A_79, %dma_start3A_80] : memref<10240x128xf32, #tpu.memory_space<vmem_shared>> -> memref<10240x128xf32, #tpu.memory_space<vmem_shared>>
        tpu.enqueue_indirect_dma source(%arg9 : memref<125x128xf32, #tpu.memory_space<vmem>>) target(%dma_start3A_81 : memref<10240x128xf32, #tpu.memory_space<vmem_shared>>) offsets(%dma_start3A_78 : memref<125xi32, #tpu.memory_space<vmem>>) semaphore(%run_scoped3A_75 : memref<!tpu.dma_semaphore, #tpu.memory_space<semaphore_mem>>) {add = true}
        %dma_wait3A_82 = arith.constant 0 : i32
        %dma_wait3A_83 = tpu.memref_slice %arg7[%add3A_74, %dma_wait3A_82] : memref<40x125xi32, #tpu.memory_space<vmem>> -> memref<1x125xi32, #tpu.memory_space<vmem>>
        %dma_wait3A_84 = tpu.memref_squeeze %dma_wait3A_83 : memref<1x125xi32, #tpu.memory_space<vmem>> -> memref<125xi32, #tpu.memory_space<vmem>>
        %dma_wait3A_85 = arith.constant 0 : i32
        %dma_wait3A_86 = arith.constant 0 : i32
        %dma_wait3A_87 = tpu.memref_slice %arg10[%dma_wait3A_85, %dma_wait3A_86] : memref<10240x128xf32, #tpu.memory_space<vmem_shared>> -> memref<10240x128xf32, #tpu.memory_space<vmem_shared>>
        tpu.wait_indirect_dma semaphore(%run_scoped3A_75 : memref<!tpu.dma_semaphore, #tpu.memory_space<semaphore_mem>>) src(%arg9 : memref<125x128xf32, #tpu.memory_space<vmem>>) dst(%dma_wait3A_87 : memref<10240x128xf32, #tpu.memory_space<vmem_shared>>)
        tpu.yield
      }) : () -> ()
    }
    %scan3A_39 = arith.constant 20 : i32
    %barrier3A_40 = arith.constant 0 : index
    tpu.barrier barrier_id(%barrier3A_40)
    %mul3A_41 = arith.constant 640 : i32
    %mul3A_42 = arith.muli %arg1, %mul3A_41 : i32
    %mul3A_43 = arith.constant 640 : i32
    %mul3A_44 = arith.muli %arg1, %mul3A_43 : i32
    "tpu.region"() ({
      %run_scoped3A_45 = tpu.sem_alloc : memref<!tpu.dma_semaphore, #tpu.memory_space<semaphore_mem>>
      %dma_start3A_46 = arith.constant 0 : i32
      %dma_start3A_47 = tpu.memref_slice %arg5[%arg0, %mul3A_44, %dma_start3A_46] : memref<2x10240x128xf32, #tpu.memory_space<hbm>> -> memref<1x640x128xf32, #tpu.memory_space<hbm>>
      %dma_start3A_48 = tpu.memref_squeeze %dma_start3A_47 : memref<1x640x128xf32, #tpu.memory_space<hbm>> -> memref<640x128xf32, #tpu.memory_space<hbm>>
      %dma_start3A_49 = arith.constant 0 : i32
      %dma_start3A_50 = tpu.memref_slice %arg10[%mul3A_42, %dma_start3A_49] : memref<10240x128xf32, #tpu.memory_space<vmem_shared>> -> memref<640x128xf32, #tpu.memory_space<vmem_shared>>
      tpu.enqueue_dma source(%dma_start3A_50 : memref<640x128xf32, #tpu.memory_space<vmem_shared>>) target(%dma_start3A_48 : memref<640x128xf32, #tpu.memory_space<hbm>>) target_semaphore(%run_scoped3A_45 : memref<!tpu.dma_semaphore, #tpu.memory_space<semaphore_mem>>)
      %dma_wait3A = arith.constant 0 : i32
      %dma_wait3A_51 = tpu.memref_slice %arg5[%arg0, %mul3A_44, %dma_wait3A] : memref<2x10240x128xf32, #tpu.memory_space<hbm>> -> memref<1x640x128xf32, #tpu.memory_space<hbm>>
      %dma_wait3A_52 = tpu.memref_squeeze %dma_wait3A_51 : memref<1x640x128xf32, #tpu.memory_space<hbm>> -> memref<640x128xf32, #tpu.memory_space<hbm>>
      %dma_wait3A_53 = arith.constant 0 : i32
      %dma_wait3A_54 = tpu.memref_slice %arg10[%mul3A_42, %dma_wait3A_53] : memref<10240x128xf32, #tpu.memory_space<vmem_shared>> -> memref<640x128xf32, #tpu.memory_space<vmem_shared>>
      tpu.wait_dma2 semaphore(%run_scoped3A_45 : memref<!tpu.dma_semaphore, #tpu.memory_space<semaphore_mem>>) src(%dma_wait3A_54 : memref<640x128xf32, #tpu.memory_space<vmem_shared>>) dst(%dma_wait3A_52 : memref<640x128xf32, #tpu.memory_space<hbm>>)
      tpu.yield
    }) : () -> ()
    return
  }
}

#map = affine_map<(d0, d1) -> (0, 0)>
#map1 = affine_map<(d0, d1) -> (0, 0, 0)>
module attributes {stable_mosaic.version = 14 : i64} {
  func.func @sc_edge_aggregate(%arg0: i32, %arg1: i32, %arg2: memref<10000x128xf32, #tpu.memory_space<hbm>>, %arg3: memref<2x2560x125xi32, #tpu.memory_space<hbm>>, %arg4: memref<10240x128xf32, #tpu.memory_space<hbm>>, %arg5: memref<2x10240x128xf32, #tpu.memory_space<hbm>>, %arg6: memref<40x125xi32, #tpu.memory_space<vmem>>, %arg7: memref<40x125xi32, #tpu.memory_space<vmem>>, %arg8: memref<125x128xf32, #tpu.memory_space<vmem>>, %arg9: memref<125x128xf32, #tpu.memory_space<vmem>>, %arg10: memref<10240x128xf32, #tpu.memory_space<vmem_shared>>, %arg11: memref<!tpu.dma_semaphore, #tpu.memory_space<semaphore_mem>>, %arg12: memref<!tpu.dma_semaphore, #tpu.memory_space<semaphore_mem>>) attributes {dimension_semantics = [#tpu.dimension_semantics<core_parallel>, #tpu.dimension_semantics<subcore_parallel>], iteration_bounds = array<i64: 2, 16>, scalar_prefetch = 0 : i64, scratch_operands = 7 : i64, tpu.core_type = #tpu.core_type<sc_vector_subcore>, window_params = [{transform_indices = #map}, {transform_indices = #map1}, {transform_indices = #map}, {transform_indices = #map1}]} {
    %mul3A = arith.constant 16 : i32
    %mul3A_0 = arith.muli %arg0, %mul3A : i32
    %add3A = arith.addi %mul3A_0, %arg1 : i32
    %mul3A_1 = arith.constant 640 : i32
    %mul3A_2 = arith.muli %arg1, %mul3A_1 : i32
    %mul3A_3 = arith.constant 640 : i32
    %mul3A_4 = arith.muli %arg1, %mul3A_3 : i32
    "tpu.region"() ({
      %run_scoped3A_45 = tpu.sem_alloc : memref<!tpu.dma_semaphore, #tpu.memory_space<semaphore_mem>>
      %dma_start3A_46 = arith.constant 0 : i32
      %dma_start3A_47 = tpu.memref_slice %arg10[%mul3A_4, %dma_start3A_46] : memref<10240x128xf32, #tpu.memory_space<vmem_shared>> -> memref<640x128xf32, #tpu.memory_space<vmem_shared>>
      %dma_start3A_48 = arith.constant 0 : i32
      %dma_start3A_49 = tpu.memref_slice %arg4[%mul3A_2, %dma_start3A_48] : memref<10240x128xf32, #tpu.memory_space<hbm>> -> memref<640x128xf32, #tpu.memory_space<hbm>>
      tpu.enqueue_dma source(%dma_start3A_49 : memref<640x128xf32, #tpu.memory_space<hbm>>) target(%dma_start3A_47 : memref<640x128xf32, #tpu.memory_space<vmem_shared>>) target_semaphore(%run_scoped3A_45 : memref<!tpu.dma_semaphore, #tpu.memory_space<semaphore_mem>>)
      %dma_wait3A = arith.constant 0 : i32
      %dma_wait3A_50 = tpu.memref_slice %arg10[%mul3A_4, %dma_wait3A] : memref<10240x128xf32, #tpu.memory_space<vmem_shared>> -> memref<640x128xf32, #tpu.memory_space<vmem_shared>>
      %dma_wait3A_51 = arith.constant 0 : i32
      %dma_wait3A_52 = tpu.memref_slice %arg4[%mul3A_2, %dma_wait3A_51] : memref<10240x128xf32, #tpu.memory_space<hbm>> -> memref<640x128xf32, #tpu.memory_space<hbm>>
      tpu.wait_dma2 semaphore(%run_scoped3A_45 : memref<!tpu.dma_semaphore, #tpu.memory_space<semaphore_mem>>) src(%dma_wait3A_52 : memref<640x128xf32, #tpu.memory_space<hbm>>) dst(%dma_wait3A_50 : memref<640x128xf32, #tpu.memory_space<vmem_shared>>)
      tpu.yield
    }) : () -> ()
    %barrier3A = arith.constant 0 : index
    tpu.barrier barrier_id(%barrier3A)
    %mul3A_5 = arith.constant 80 : i32
    %mul3A_6 = arith.muli %add3A, %mul3A_5 : i32
    %add3A_7 = arith.constant 0 : i32
    %add3A_8 = arith.addi %mul3A_6, %add3A_7 : i32
    %run_scoped3A = arith.constant 0 : i32
    "tpu.region"() ({
      %run_scoped3A_45 = tpu.sem_alloc : memref<!tpu.dma_semaphore, #tpu.memory_space<semaphore_mem>>
      %dma_start3A_46 = arith.constant 0 : i32
      %dma_start3A_47 = tpu.memref_slice %arg3[%run_scoped3A, %add3A_8, %dma_start3A_46] : memref<2x2560x125xi32, #tpu.memory_space<hbm>> -> memref<1x40x125xi32, #tpu.memory_space<hbm>>
      %dma_start3A_48 = tpu.memref_squeeze %dma_start3A_47 : memref<1x40x125xi32, #tpu.memory_space<hbm>> -> memref<40x125xi32, #tpu.memory_space<hbm>>
      %dma_start3A_49 = arith.constant 0 : i32
      %dma_start3A_50 = tpu.memref_slice %arg3[%run_scoped3A, %add3A_8, %dma_start3A_49] : memref<2x2560x125xi32, #tpu.memory_space<hbm>> -> memref<1x40x125xi32, #tpu.memory_space<hbm>>
      %dma_start3A_51 = tpu.memref_squeeze %dma_start3A_50 : memref<1x40x125xi32, #tpu.memory_space<hbm>> -> memref<40x125xi32, #tpu.memory_space<hbm>>
      tpu.enqueue_dma source(%dma_start3A_51 : memref<40x125xi32, #tpu.memory_space<hbm>>) target(%arg6 : memref<40x125xi32, #tpu.memory_space<vmem>>) target_semaphore(%run_scoped3A_45 : memref<!tpu.dma_semaphore, #tpu.memory_space<semaphore_mem>>)
      %dma_wait3A = arith.constant 0 : i32
      %dma_wait3A_52 = tpu.memref_slice %arg3[%run_scoped3A, %add3A_8, %dma_wait3A] : memref<2x2560x125xi32, #tpu.memory_space<hbm>> -> memref<1x40x125xi32, #tpu.memory_space<hbm>>
      %dma_wait3A_53 = tpu.memref_squeeze %dma_wait3A_52 : memref<1x40x125xi32, #tpu.memory_space<hbm>> -> memref<40x125xi32, #tpu.memory_space<hbm>>
      %dma_wait3A_54 = arith.constant 0 : i32
      %dma_wait3A_55 = tpu.memref_slice %arg3[%run_scoped3A, %add3A_8, %dma_wait3A_54] : memref<2x2560x125xi32, #tpu.memory_space<hbm>> -> memref<1x40x125xi32, #tpu.memory_space<hbm>>
      %dma_wait3A_56 = tpu.memref_squeeze %dma_wait3A_55 : memref<1x40x125xi32, #tpu.memory_space<hbm>> -> memref<40x125xi32, #tpu.memory_space<hbm>>
      tpu.wait_dma2 semaphore(%run_scoped3A_45 : memref<!tpu.dma_semaphore, #tpu.memory_space<semaphore_mem>>) src(%dma_wait3A_56 : memref<40x125xi32, #tpu.memory_space<hbm>>) dst(%arg6 : memref<40x125xi32, #tpu.memory_space<vmem>>)
      tpu.yield
    }) : () -> ()
    %run_scoped3A_9 = arith.constant 1 : i32
    "tpu.region"() ({
      %run_scoped3A_45 = tpu.sem_alloc : memref<!tpu.dma_semaphore, #tpu.memory_space<semaphore_mem>>
      %dma_start3A_46 = arith.constant 0 : i32
      %dma_start3A_47 = tpu.memref_slice %arg3[%run_scoped3A_9, %add3A_8, %dma_start3A_46] : memref<2x2560x125xi32, #tpu.memory_space<hbm>> -> memref<1x40x125xi32, #tpu.memory_space<hbm>>
      %dma_start3A_48 = tpu.memref_squeeze %dma_start3A_47 : memref<1x40x125xi32, #tpu.memory_space<hbm>> -> memref<40x125xi32, #tpu.memory_space<hbm>>
      %dma_start3A_49 = arith.constant 0 : i32
      %dma_start3A_50 = tpu.memref_slice %arg3[%run_scoped3A_9, %add3A_8, %dma_start3A_49] : memref<2x2560x125xi32, #tpu.memory_space<hbm>> -> memref<1x40x125xi32, #tpu.memory_space<hbm>>
      %dma_start3A_51 = tpu.memref_squeeze %dma_start3A_50 : memref<1x40x125xi32, #tpu.memory_space<hbm>> -> memref<40x125xi32, #tpu.memory_space<hbm>>
      tpu.enqueue_dma source(%dma_start3A_51 : memref<40x125xi32, #tpu.memory_space<hbm>>) target(%arg7 : memref<40x125xi32, #tpu.memory_space<vmem>>) target_semaphore(%run_scoped3A_45 : memref<!tpu.dma_semaphore, #tpu.memory_space<semaphore_mem>>)
      %dma_wait3A = arith.constant 0 : i32
      %dma_wait3A_52 = tpu.memref_slice %arg3[%run_scoped3A_9, %add3A_8, %dma_wait3A] : memref<2x2560x125xi32, #tpu.memory_space<hbm>> -> memref<1x40x125xi32, #tpu.memory_space<hbm>>
      %dma_wait3A_53 = tpu.memref_squeeze %dma_wait3A_52 : memref<1x40x125xi32, #tpu.memory_space<hbm>> -> memref<40x125xi32, #tpu.memory_space<hbm>>
      %dma_wait3A_54 = arith.constant 0 : i32
      %dma_wait3A_55 = tpu.memref_slice %arg3[%run_scoped3A_9, %add3A_8, %dma_wait3A_54] : memref<2x2560x125xi32, #tpu.memory_space<hbm>> -> memref<1x40x125xi32, #tpu.memory_space<hbm>>
      %dma_wait3A_56 = tpu.memref_squeeze %dma_wait3A_55 : memref<1x40x125xi32, #tpu.memory_space<hbm>> -> memref<40x125xi32, #tpu.memory_space<hbm>>
      tpu.wait_dma2 semaphore(%run_scoped3A_45 : memref<!tpu.dma_semaphore, #tpu.memory_space<semaphore_mem>>) src(%dma_wait3A_56 : memref<40x125xi32, #tpu.memory_space<hbm>>) dst(%arg7 : memref<40x125xi32, #tpu.memory_space<vmem>>)
      tpu.yield
    }) : () -> ()
    %dma_start3A = arith.constant 0 : i32
    %dma_start3A_10 = arith.constant 0 : i32
    %dma_start3A_11 = tpu.memref_slice %arg6[%dma_start3A, %dma_start3A_10] : memref<40x125xi32, #tpu.memory_space<vmem>> -> memref<1x125xi32, #tpu.memory_space<vmem>>
    %dma_start3A_12 = tpu.memref_squeeze %dma_start3A_11 : memref<1x125xi32, #tpu.memory_space<vmem>> -> memref<125xi32, #tpu.memory_space<vmem>>
    %dma_start3A_13 = arith.constant 0 : i32
    %dma_start3A_14 = arith.constant 0 : i32
    %dma_start3A_15 = tpu.memref_slice %arg2[%dma_start3A_13, %dma_start3A_14] : memref<10000x128xf32, #tpu.memory_space<hbm>> -> memref<10000x128xf32, #tpu.memory_space<hbm>>
    tpu.enqueue_indirect_dma source(%dma_start3A_15 : memref<10000x128xf32, #tpu.memory_space<hbm>>) target(%arg8 : memref<125x128xf32, #tpu.memory_space<vmem>>) offsets(%dma_start3A_12 : memref<125xi32, #tpu.memory_space<vmem>>) semaphore(%arg11 : memref<!tpu.dma_semaphore, #tpu.memory_space<semaphore_mem>>)
    %scan3A = arith.constant 0 : i32
    %scan3A_16 = arith.constant 0 : i32
    %scan3A_17 = arith.constant 20 : i32
    %scan3A_18 = arith.addi %scan3A_16, %scan3A_17 : i32
    %scan3A_19 = arith.constant 1 : i32
    scf.for %scan3A_45 = %scan3A_16 to %scan3A_18 step %scan3A_19  : i32 {
      %mul3A_46 = arith.constant 2 : i32
      %mul3A_47 = arith.muli %mul3A_46, %scan3A_45 : i32
      %add3A_48 = arith.constant 1 : i32
      %add3A_49 = arith.addi %mul3A_47, %add3A_48 : i32
      %dma_start3A_50 = arith.constant 0 : i32
      %dma_start3A_51 = tpu.memref_slice %arg6[%add3A_49, %dma_start3A_50] : memref<40x125xi32, #tpu.memory_space<vmem>> -> memref<1x125xi32, #tpu.memory_space<vmem>>
      %dma_start3A_52 = tpu.memref_squeeze %dma_start3A_51 : memref<1x125xi32, #tpu.memory_space<vmem>> -> memref<125xi32, #tpu.memory_space<vmem>>
      %dma_start3A_53 = arith.constant 0 : i32
      %dma_start3A_54 = arith.constant 0 : i32
      %dma_start3A_55 = tpu.memref_slice %arg2[%dma_start3A_53, %dma_start3A_54] : memref<10000x128xf32, #tpu.memory_space<hbm>> -> memref<10000x128xf32, #tpu.memory_space<hbm>>
      tpu.enqueue_indirect_dma source(%dma_start3A_55 : memref<10000x128xf32, #tpu.memory_space<hbm>>) target(%arg9 : memref<125x128xf32, #tpu.memory_space<vmem>>) offsets(%dma_start3A_52 : memref<125xi32, #tpu.memory_space<vmem>>) semaphore(%arg12 : memref<!tpu.dma_semaphore, #tpu.memory_space<semaphore_mem>>)
      %dma_wait3A = arith.constant 0 : i32
      %dma_wait3A_56 = tpu.memref_slice %arg6[%mul3A_47, %dma_wait3A] : memref<40x125xi32, #tpu.memory_space<vmem>> -> memref<1x125xi32, #tpu.memory_space<vmem>>
      %dma_wait3A_57 = tpu.memref_squeeze %dma_wait3A_56 : memref<1x125xi32, #tpu.memory_space<vmem>> -> memref<125xi32, #tpu.memory_space<vmem>>
      %dma_wait3A_58 = arith.constant 0 : i32
      %dma_wait3A_59 = arith.constant 0 : i32
      %dma_wait3A_60 = tpu.memref_slice %arg2[%dma_wait3A_58, %dma_wait3A_59] : memref<10000x128xf32, #tpu.memory_space<hbm>> -> memref<10000x128xf32, #tpu.memory_space<hbm>>
      tpu.wait_indirect_dma semaphore(%arg11 : memref<!tpu.dma_semaphore, #tpu.memory_space<semaphore_mem>>) src(%dma_wait3A_60 : memref<10000x128xf32, #tpu.memory_space<hbm>>) dst(%arg8 : memref<125x128xf32, #tpu.memory_space<vmem>>)
      "tpu.region"() ({
        %run_scoped3A_75 = tpu.sem_alloc : memref<!tpu.dma_semaphore, #tpu.memory_space<semaphore_mem>>
        %dma_start3A_76 = arith.constant 0 : i32
        %dma_start3A_77 = tpu.memref_slice %arg7[%mul3A_47, %dma_start3A_76] : memref<40x125xi32, #tpu.memory_space<vmem>> -> memref<1x125xi32, #tpu.memory_space<vmem>>
        %dma_start3A_78 = tpu.memref_squeeze %dma_start3A_77 : memref<1x125xi32, #tpu.memory_space<vmem>> -> memref<125xi32, #tpu.memory_space<vmem>>
        %dma_start3A_79 = arith.constant 0 : i32
        %dma_start3A_80 = arith.constant 0 : i32
        %dma_start3A_81 = tpu.memref_slice %arg10[%dma_start3A_79, %dma_start3A_80] : memref<10240x128xf32, #tpu.memory_space<vmem_shared>> -> memref<10240x128xf32, #tpu.memory_space<vmem_shared>>
        tpu.enqueue_indirect_dma source(%arg8 : memref<125x128xf32, #tpu.memory_space<vmem>>) target(%dma_start3A_81 : memref<10240x128xf32, #tpu.memory_space<vmem_shared>>) offsets(%dma_start3A_78 : memref<125xi32, #tpu.memory_space<vmem>>) semaphore(%run_scoped3A_75 : memref<!tpu.dma_semaphore, #tpu.memory_space<semaphore_mem>>) {add = true}
        %dma_wait3A_82 = arith.constant 0 : i32
        %dma_wait3A_83 = tpu.memref_slice %arg7[%mul3A_47, %dma_wait3A_82] : memref<40x125xi32, #tpu.memory_space<vmem>> -> memref<1x125xi32, #tpu.memory_space<vmem>>
        %dma_wait3A_84 = tpu.memref_squeeze %dma_wait3A_83 : memref<1x125xi32, #tpu.memory_space<vmem>> -> memref<125xi32, #tpu.memory_space<vmem>>
        %dma_wait3A_85 = arith.constant 0 : i32
        %dma_wait3A_86 = arith.constant 0 : i32
        %dma_wait3A_87 = tpu.memref_slice %arg10[%dma_wait3A_85, %dma_wait3A_86] : memref<10240x128xf32, #tpu.memory_space<vmem_shared>> -> memref<10240x128xf32, #tpu.memory_space<vmem_shared>>
        tpu.wait_indirect_dma semaphore(%run_scoped3A_75 : memref<!tpu.dma_semaphore, #tpu.memory_space<semaphore_mem>>) src(%arg8 : memref<125x128xf32, #tpu.memory_space<vmem>>) dst(%dma_wait3A_87 : memref<10240x128xf32, #tpu.memory_space<vmem_shared>>)
        tpu.yield
      }) : () -> ()
      %add3A_61 = arith.constant 2 : i32
      %add3A_62 = arith.addi %mul3A_47, %add3A_61 : i32
      %lt3A = arith.constant 40 : i32
      %lt3A_63 = arith.cmpi slt, %add3A_62, %lt3A : i32
      %convert_element_type3A = arith.extui %lt3A_63 : i1 to i32
      %cond3A = arith.constant 0 : i32
      %cond3A_64 = arith.cmpi ne, %convert_element_type3A, %cond3A : i32
      scf.if %cond3A_64 {
        %add3A_75 = arith.constant 2 : i32
        %add3A_76 = arith.addi %mul3A_47, %add3A_75 : i32
        %dma_start3A_77 = arith.constant 0 : i32
        %dma_start3A_78 = tpu.memref_slice %arg6[%add3A_76, %dma_start3A_77] : memref<40x125xi32, #tpu.memory_space<vmem>> -> memref<1x125xi32, #tpu.memory_space<vmem>>
        %dma_start3A_79 = tpu.memref_squeeze %dma_start3A_78 : memref<1x125xi32, #tpu.memory_space<vmem>> -> memref<125xi32, #tpu.memory_space<vmem>>
        %dma_start3A_80 = arith.constant 0 : i32
        %dma_start3A_81 = arith.constant 0 : i32
        %dma_start3A_82 = tpu.memref_slice %arg2[%dma_start3A_80, %dma_start3A_81] : memref<10000x128xf32, #tpu.memory_space<hbm>> -> memref<10000x128xf32, #tpu.memory_space<hbm>>
        tpu.enqueue_indirect_dma source(%dma_start3A_82 : memref<10000x128xf32, #tpu.memory_space<hbm>>) target(%arg8 : memref<125x128xf32, #tpu.memory_space<vmem>>) offsets(%dma_start3A_79 : memref<125xi32, #tpu.memory_space<vmem>>) semaphore(%arg11 : memref<!tpu.dma_semaphore, #tpu.memory_space<semaphore_mem>>)
      } else {
      }
      %add3A_65 = arith.constant 1 : i32
      %add3A_66 = arith.addi %mul3A_47, %add3A_65 : i32
      %dma_wait3A_67 = arith.constant 0 : i32
      %dma_wait3A_68 = tpu.memref_slice %arg6[%add3A_66, %dma_wait3A_67] : memref<40x125xi32, #tpu.memory_space<vmem>> -> memref<1x125xi32, #tpu.memory_space<vmem>>
      %dma_wait3A_69 = tpu.memref_squeeze %dma_wait3A_68 : memref<1x125xi32, #tpu.memory_space<vmem>> -> memref<125xi32, #tpu.memory_space<vmem>>
      %dma_wait3A_70 = arith.constant 0 : i32
      %dma_wait3A_71 = arith.constant 0 : i32
      %dma_wait3A_72 = tpu.memref_slice %arg2[%dma_wait3A_70, %dma_wait3A_71] : memref<10000x128xf32, #tpu.memory_space<hbm>> -> memref<10000x128xf32, #tpu.memory_space<hbm>>
      tpu.wait_indirect_dma semaphore(%arg12 : memref<!tpu.dma_semaphore, #tpu.memory_space<semaphore_mem>>) src(%dma_wait3A_72 : memref<10000x128xf32, #tpu.memory_space<hbm>>) dst(%arg9 : memref<125x128xf32, #tpu.memory_space<vmem>>)
      %add3A_73 = arith.constant 1 : i32
      %add3A_74 = arith.addi %mul3A_47, %add3A_73 : i32
      "tpu.region"() ({
        %run_scoped3A_75 = tpu.sem_alloc : memref<!tpu.dma_semaphore, #tpu.memory_space<semaphore_mem>>
        %dma_start3A_76 = arith.constant 0 : i32
        %dma_start3A_77 = tpu.memref_slice %arg7[%add3A_74, %dma_start3A_76] : memref<40x125xi32, #tpu.memory_space<vmem>> -> memref<1x125xi32, #tpu.memory_space<vmem>>
        %dma_start3A_78 = tpu.memref_squeeze %dma_start3A_77 : memref<1x125xi32, #tpu.memory_space<vmem>> -> memref<125xi32, #tpu.memory_space<vmem>>
        %dma_start3A_79 = arith.constant 0 : i32
        %dma_start3A_80 = arith.constant 0 : i32
        %dma_start3A_81 = tpu.memref_slice %arg10[%dma_start3A_79, %dma_start3A_80] : memref<10240x128xf32, #tpu.memory_space<vmem_shared>> -> memref<10240x128xf32, #tpu.memory_space<vmem_shared>>
        tpu.enqueue_indirect_dma source(%arg9 : memref<125x128xf32, #tpu.memory_space<vmem>>) target(%dma_start3A_81 : memref<10240x128xf32, #tpu.memory_space<vmem_shared>>) offsets(%dma_start3A_78 : memref<125xi32, #tpu.memory_space<vmem>>) semaphore(%run_scoped3A_75 : memref<!tpu.dma_semaphore, #tpu.memory_space<semaphore_mem>>) {add = true}
        %dma_wait3A_82 = arith.constant 0 : i32
        %dma_wait3A_83 = tpu.memref_slice %arg7[%add3A_74, %dma_wait3A_82] : memref<40x125xi32, #tpu.memory_space<vmem>> -> memref<1x125xi32, #tpu.memory_space<vmem>>
        %dma_wait3A_84 = tpu.memref_squeeze %dma_wait3A_83 : memref<1x125xi32, #tpu.memory_space<vmem>> -> memref<125xi32, #tpu.memory_space<vmem>>
        %dma_wait3A_85 = arith.constant 0 : i32
        %dma_wait3A_86 = arith.constant 0 : i32
        %dma_wait3A_87 = tpu.memref_slice %arg10[%dma_wait3A_85, %dma_wait3A_86] : memref<10240x128xf32, #tpu.memory_space<vmem_shared>> -> memref<10240x128xf32, #tpu.memory_space<vmem_shared>>
        tpu.wait_indirect_dma semaphore(%run_scoped3A_75 : memref<!tpu.dma_semaphore, #tpu.memory_space<semaphore_mem>>) src(%arg9 : memref<125x128xf32, #tpu.memory_space<vmem>>) dst(%dma_wait3A_87 : memref<10240x128xf32, #tpu.memory_space<vmem_shared>>)
        tpu.yield
      }) : () -> ()
    }
    %scan3A_20 = arith.constant 20 : i32
    %mul3A_21 = arith.constant 80 : i32
    %mul3A_22 = arith.muli %add3A, %mul3A_21 : i32
    %add3A_23 = arith.constant 40 : i32
    %add3A_24 = arith.addi %mul3A_22, %add3A_23 : i32
    %run_scoped3A_25 = arith.constant 0 : i32
    "tpu.region"() ({
      %run_scoped3A_45 = tpu.sem_alloc : memref<!tpu.dma_semaphore, #tpu.memory_space<semaphore_mem>>
      %dma_start3A_46 = arith.constant 0 : i32
      %dma_start3A_47 = tpu.memref_slice %arg3[%run_scoped3A_25, %add3A_24, %dma_start3A_46] : memref<2x2560x125xi32, #tpu.memory_space<hbm>> -> memref<1x40x125xi32, #tpu.memory_space<hbm>>
      %dma_start3A_48 = tpu.memref_squeeze %dma_start3A_47 : memref<1x40x125xi32, #tpu.memory_space<hbm>> -> memref<40x125xi32, #tpu.memory_space<hbm>>
      %dma_start3A_49 = arith.constant 0 : i32
      %dma_start3A_50 = tpu.memref_slice %arg3[%run_scoped3A_25, %add3A_24, %dma_start3A_49] : memref<2x2560x125xi32, #tpu.memory_space<hbm>> -> memref<1x40x125xi32, #tpu.memory_space<hbm>>
      %dma_start3A_51 = tpu.memref_squeeze %dma_start3A_50 : memref<1x40x125xi32, #tpu.memory_space<hbm>> -> memref<40x125xi32, #tpu.memory_space<hbm>>
      tpu.enqueue_dma source(%dma_start3A_51 : memref<40x125xi32, #tpu.memory_space<hbm>>) target(%arg6 : memref<40x125xi32, #tpu.memory_space<vmem>>) target_semaphore(%run_scoped3A_45 : memref<!tpu.dma_semaphore, #tpu.memory_space<semaphore_mem>>)
      %dma_wait3A = arith.constant 0 : i32
      %dma_wait3A_52 = tpu.memref_slice %arg3[%run_scoped3A_25, %add3A_24, %dma_wait3A] : memref<2x2560x125xi32, #tpu.memory_space<hbm>> -> memref<1x40x125xi32, #tpu.memory_space<hbm>>
      %dma_wait3A_53 = tpu.memref_squeeze %dma_wait3A_52 : memref<1x40x125xi32, #tpu.memory_space<hbm>> -> memref<40x125xi32, #tpu.memory_space<hbm>>
      %dma_wait3A_54 = arith.constant 0 : i32
      %dma_wait3A_55 = tpu.memref_slice %arg3[%run_scoped3A_25, %add3A_24, %dma_wait3A_54] : memref<2x2560x125xi32, #tpu.memory_space<hbm>> -> memref<1x40x125xi32, #tpu.memory_space<hbm>>
      %dma_wait3A_56 = tpu.memref_squeeze %dma_wait3A_55 : memref<1x40x125xi32, #tpu.memory_space<hbm>> -> memref<40x125xi32, #tpu.memory_space<hbm>>
      tpu.wait_dma2 semaphore(%run_scoped3A_45 : memref<!tpu.dma_semaphore, #tpu.memory_space<semaphore_mem>>) src(%dma_wait3A_56 : memref<40x125xi32, #tpu.memory_space<hbm>>) dst(%arg6 : memref<40x125xi32, #tpu.memory_space<vmem>>)
      tpu.yield
    }) : () -> ()
    %run_scoped3A_26 = arith.constant 1 : i32
    "tpu.region"() ({
      %run_scoped3A_45 = tpu.sem_alloc : memref<!tpu.dma_semaphore, #tpu.memory_space<semaphore_mem>>
      %dma_start3A_46 = arith.constant 0 : i32
      %dma_start3A_47 = tpu.memref_slice %arg3[%run_scoped3A_26, %add3A_24, %dma_start3A_46] : memref<2x2560x125xi32, #tpu.memory_space<hbm>> -> memref<1x40x125xi32, #tpu.memory_space<hbm>>
      %dma_start3A_48 = tpu.memref_squeeze %dma_start3A_47 : memref<1x40x125xi32, #tpu.memory_space<hbm>> -> memref<40x125xi32, #tpu.memory_space<hbm>>
      %dma_start3A_49 = arith.constant 0 : i32
      %dma_start3A_50 = tpu.memref_slice %arg3[%run_scoped3A_26, %add3A_24, %dma_start3A_49] : memref<2x2560x125xi32, #tpu.memory_space<hbm>> -> memref<1x40x125xi32, #tpu.memory_space<hbm>>
      %dma_start3A_51 = tpu.memref_squeeze %dma_start3A_50 : memref<1x40x125xi32, #tpu.memory_space<hbm>> -> memref<40x125xi32, #tpu.memory_space<hbm>>
      tpu.enqueue_dma source(%dma_start3A_51 : memref<40x125xi32, #tpu.memory_space<hbm>>) target(%arg7 : memref<40x125xi32, #tpu.memory_space<vmem>>) target_semaphore(%run_scoped3A_45 : memref<!tpu.dma_semaphore, #tpu.memory_space<semaphore_mem>>)
      %dma_wait3A = arith.constant 0 : i32
      %dma_wait3A_52 = tpu.memref_slice %arg3[%run_scoped3A_26, %add3A_24, %dma_wait3A] : memref<2x2560x125xi32, #tpu.memory_space<hbm>> -> memref<1x40x125xi32, #tpu.memory_space<hbm>>
      %dma_wait3A_53 = tpu.memref_squeeze %dma_wait3A_52 : memref<1x40x125xi32, #tpu.memory_space<hbm>> -> memref<40x125xi32, #tpu.memory_space<hbm>>
      %dma_wait3A_54 = arith.constant 0 : i32
      %dma_wait3A_55 = tpu.memref_slice %arg3[%run_scoped3A_26, %add3A_24, %dma_wait3A_54] : memref<2x2560x125xi32, #tpu.memory_space<hbm>> -> memref<1x40x125xi32, #tpu.memory_space<hbm>>
      %dma_wait3A_56 = tpu.memref_squeeze %dma_wait3A_55 : memref<1x40x125xi32, #tpu.memory_space<hbm>> -> memref<40x125xi32, #tpu.memory_space<hbm>>
      tpu.wait_dma2 semaphore(%run_scoped3A_45 : memref<!tpu.dma_semaphore, #tpu.memory_space<semaphore_mem>>) src(%dma_wait3A_56 : memref<40x125xi32, #tpu.memory_space<hbm>>) dst(%arg7 : memref<40x125xi32, #tpu.memory_space<vmem>>)
      tpu.yield
    }) : () -> ()
    %dma_start3A_27 = arith.constant 0 : i32
    %dma_start3A_28 = arith.constant 0 : i32
    %dma_start3A_29 = tpu.memref_slice %arg6[%dma_start3A_27, %dma_start3A_28] : memref<40x125xi32, #tpu.memory_space<vmem>> -> memref<1x125xi32, #tpu.memory_space<vmem>>
    %dma_start3A_30 = tpu.memref_squeeze %dma_start3A_29 : memref<1x125xi32, #tpu.memory_space<vmem>> -> memref<125xi32, #tpu.memory_space<vmem>>
    %dma_start3A_31 = arith.constant 0 : i32
    %dma_start3A_32 = arith.constant 0 : i32
    %dma_start3A_33 = tpu.memref_slice %arg2[%dma_start3A_31, %dma_start3A_32] : memref<10000x128xf32, #tpu.memory_space<hbm>> -> memref<10000x128xf32, #tpu.memory_space<hbm>>
    tpu.enqueue_indirect_dma source(%dma_start3A_33 : memref<10000x128xf32, #tpu.memory_space<hbm>>) target(%arg8 : memref<125x128xf32, #tpu.memory_space<vmem>>) offsets(%dma_start3A_30 : memref<125xi32, #tpu.memory_space<vmem>>) semaphore(%arg11 : memref<!tpu.dma_semaphore, #tpu.memory_space<semaphore_mem>>)
    %scan3A_34 = arith.constant 0 : i32
    %scan3A_35 = arith.constant 0 : i32
    %scan3A_36 = arith.constant 20 : i32
    %scan3A_37 = arith.addi %scan3A_35, %scan3A_36 : i32
    %scan3A_38 = arith.constant 1 : i32
    scf.for %scan3A_45 = %scan3A_35 to %scan3A_37 step %scan3A_38  : i32 {
      %mul3A_46 = arith.constant 2 : i32
      %mul3A_47 = arith.muli %mul3A_46, %scan3A_45 : i32
      %add3A_48 = arith.constant 1 : i32
      %add3A_49 = arith.addi %mul3A_47, %add3A_48 : i32
      %dma_start3A_50 = arith.constant 0 : i32
      %dma_start3A_51 = tpu.memref_slice %arg6[%add3A_49, %dma_start3A_50] : memref<40x125xi32, #tpu.memory_space<vmem>> -> memref<1x125xi32, #tpu.memory_space<vmem>>
      %dma_start3A_52 = tpu.memref_squeeze %dma_start3A_51 : memref<1x125xi32, #tpu.memory_space<vmem>> -> memref<125xi32, #tpu.memory_space<vmem>>
      %dma_start3A_53 = arith.constant 0 : i32
      %dma_start3A_54 = arith.constant 0 : i32
      %dma_start3A_55 = tpu.memref_slice %arg2[%dma_start3A_53, %dma_start3A_54] : memref<10000x128xf32, #tpu.memory_space<hbm>> -> memref<10000x128xf32, #tpu.memory_space<hbm>>
      tpu.enqueue_indirect_dma source(%dma_start3A_55 : memref<10000x128xf32, #tpu.memory_space<hbm>>) target(%arg9 : memref<125x128xf32, #tpu.memory_space<vmem>>) offsets(%dma_start3A_52 : memref<125xi32, #tpu.memory_space<vmem>>) semaphore(%arg12 : memref<!tpu.dma_semaphore, #tpu.memory_space<semaphore_mem>>)
      %dma_wait3A = arith.constant 0 : i32
      %dma_wait3A_56 = tpu.memref_slice %arg6[%mul3A_47, %dma_wait3A] : memref<40x125xi32, #tpu.memory_space<vmem>> -> memref<1x125xi32, #tpu.memory_space<vmem>>
      %dma_wait3A_57 = tpu.memref_squeeze %dma_wait3A_56 : memref<1x125xi32, #tpu.memory_space<vmem>> -> memref<125xi32, #tpu.memory_space<vmem>>
      %dma_wait3A_58 = arith.constant 0 : i32
      %dma_wait3A_59 = arith.constant 0 : i32
      %dma_wait3A_60 = tpu.memref_slice %arg2[%dma_wait3A_58, %dma_wait3A_59] : memref<10000x128xf32, #tpu.memory_space<hbm>> -> memref<10000x128xf32, #tpu.memory_space<hbm>>
      tpu.wait_indirect_dma semaphore(%arg11 : memref<!tpu.dma_semaphore, #tpu.memory_space<semaphore_mem>>) src(%dma_wait3A_60 : memref<10000x128xf32, #tpu.memory_space<hbm>>) dst(%arg8 : memref<125x128xf32, #tpu.memory_space<vmem>>)
      "tpu.region"() ({
        %run_scoped3A_75 = tpu.sem_alloc : memref<!tpu.dma_semaphore, #tpu.memory_space<semaphore_mem>>
        %dma_start3A_76 = arith.constant 0 : i32
        %dma_start3A_77 = tpu.memref_slice %arg7[%mul3A_47, %dma_start3A_76] : memref<40x125xi32, #tpu.memory_space<vmem>> -> memref<1x125xi32, #tpu.memory_space<vmem>>
        %dma_start3A_78 = tpu.memref_squeeze %dma_start3A_77 : memref<1x125xi32, #tpu.memory_space<vmem>> -> memref<125xi32, #tpu.memory_space<vmem>>
        %dma_start3A_79 = arith.constant 0 : i32
        %dma_start3A_80 = arith.constant 0 : i32
        %dma_start3A_81 = tpu.memref_slice %arg10[%dma_start3A_79, %dma_start3A_80] : memref<10240x128xf32, #tpu.memory_space<vmem_shared>> -> memref<10240x128xf32, #tpu.memory_space<vmem_shared>>
        tpu.enqueue_indirect_dma source(%arg8 : memref<125x128xf32, #tpu.memory_space<vmem>>) target(%dma_start3A_81 : memref<10240x128xf32, #tpu.memory_space<vmem_shared>>) offsets(%dma_start3A_78 : memref<125xi32, #tpu.memory_space<vmem>>) semaphore(%run_scoped3A_75 : memref<!tpu.dma_semaphore, #tpu.memory_space<semaphore_mem>>) {add = true}
        %dma_wait3A_82 = arith.constant 0 : i32
        %dma_wait3A_83 = tpu.memref_slice %arg7[%mul3A_47, %dma_wait3A_82] : memref<40x125xi32, #tpu.memory_space<vmem>> -> memref<1x125xi32, #tpu.memory_space<vmem>>
        %dma_wait3A_84 = tpu.memref_squeeze %dma_wait3A_83 : memref<1x125xi32, #tpu.memory_space<vmem>> -> memref<125xi32, #tpu.memory_space<vmem>>
        %dma_wait3A_85 = arith.constant 0 : i32
        %dma_wait3A_86 = arith.constant 0 : i32
        %dma_wait3A_87 = tpu.memref_slice %arg10[%dma_wait3A_85, %dma_wait3A_86] : memref<10240x128xf32, #tpu.memory_space<vmem_shared>> -> memref<10240x128xf32, #tpu.memory_space<vmem_shared>>
        tpu.wait_indirect_dma semaphore(%run_scoped3A_75 : memref<!tpu.dma_semaphore, #tpu.memory_space<semaphore_mem>>) src(%arg8 : memref<125x128xf32, #tpu.memory_space<vmem>>) dst(%dma_wait3A_87 : memref<10240x128xf32, #tpu.memory_space<vmem_shared>>)
        tpu.yield
      }) : () -> ()
      %add3A_61 = arith.constant 2 : i32
      %add3A_62 = arith.addi %mul3A_47, %add3A_61 : i32
      %lt3A = arith.constant 40 : i32
      %lt3A_63 = arith.cmpi slt, %add3A_62, %lt3A : i32
      %convert_element_type3A = arith.extui %lt3A_63 : i1 to i32
      %cond3A = arith.constant 0 : i32
      %cond3A_64 = arith.cmpi ne, %convert_element_type3A, %cond3A : i32
      scf.if %cond3A_64 {
        %add3A_75 = arith.constant 2 : i32
        %add3A_76 = arith.addi %mul3A_47, %add3A_75 : i32
        %dma_start3A_77 = arith.constant 0 : i32
        %dma_start3A_78 = tpu.memref_slice %arg6[%add3A_76, %dma_start3A_77] : memref<40x125xi32, #tpu.memory_space<vmem>> -> memref<1x125xi32, #tpu.memory_space<vmem>>
        %dma_start3A_79 = tpu.memref_squeeze %dma_start3A_78 : memref<1x125xi32, #tpu.memory_space<vmem>> -> memref<125xi32, #tpu.memory_space<vmem>>
        %dma_start3A_80 = arith.constant 0 : i32
        %dma_start3A_81 = arith.constant 0 : i32
        %dma_start3A_82 = tpu.memref_slice %arg2[%dma_start3A_80, %dma_start3A_81] : memref<10000x128xf32, #tpu.memory_space<hbm>> -> memref<10000x128xf32, #tpu.memory_space<hbm>>
        tpu.enqueue_indirect_dma source(%dma_start3A_82 : memref<10000x128xf32, #tpu.memory_space<hbm>>) target(%arg8 : memref<125x128xf32, #tpu.memory_space<vmem>>) offsets(%dma_start3A_79 : memref<125xi32, #tpu.memory_space<vmem>>) semaphore(%arg11 : memref<!tpu.dma_semaphore, #tpu.memory_space<semaphore_mem>>)
      } else {
      }
      %add3A_65 = arith.constant 1 : i32
      %add3A_66 = arith.addi %mul3A_47, %add3A_65 : i32
      %dma_wait3A_67 = arith.constant 0 : i32
      %dma_wait3A_68 = tpu.memref_slice %arg6[%add3A_66, %dma_wait3A_67] : memref<40x125xi32, #tpu.memory_space<vmem>> -> memref<1x125xi32, #tpu.memory_space<vmem>>
      %dma_wait3A_69 = tpu.memref_squeeze %dma_wait3A_68 : memref<1x125xi32, #tpu.memory_space<vmem>> -> memref<125xi32, #tpu.memory_space<vmem>>
      %dma_wait3A_70 = arith.constant 0 : i32
      %dma_wait3A_71 = arith.constant 0 : i32
      %dma_wait3A_72 = tpu.memref_slice %arg2[%dma_wait3A_70, %dma_wait3A_71] : memref<10000x128xf32, #tpu.memory_space<hbm>> -> memref<10000x128xf32, #tpu.memory_space<hbm>>
      tpu.wait_indirect_dma semaphore(%arg12 : memref<!tpu.dma_semaphore, #tpu.memory_space<semaphore_mem>>) src(%dma_wait3A_72 : memref<10000x128xf32, #tpu.memory_space<hbm>>) dst(%arg9 : memref<125x128xf32, #tpu.memory_space<vmem>>)
      %add3A_73 = arith.constant 1 : i32
      %add3A_74 = arith.addi %mul3A_47, %add3A_73 : i32
      "tpu.region"() ({
        %run_scoped3A_75 = tpu.sem_alloc : memref<!tpu.dma_semaphore, #tpu.memory_space<semaphore_mem>>
        %dma_start3A_76 = arith.constant 0 : i32
        %dma_start3A_77 = tpu.memref_slice %arg7[%add3A_74, %dma_start3A_76] : memref<40x125xi32, #tpu.memory_space<vmem>> -> memref<1x125xi32, #tpu.memory_space<vmem>>
        %dma_start3A_78 = tpu.memref_squeeze %dma_start3A_77 : memref<1x125xi32, #tpu.memory_space<vmem>> -> memref<125xi32, #tpu.memory_space<vmem>>
        %dma_start3A_79 = arith.constant 0 : i32
        %dma_start3A_80 = arith.constant 0 : i32
        %dma_start3A_81 = tpu.memref_slice %arg10[%dma_start3A_79, %dma_start3A_80] : memref<10240x128xf32, #tpu.memory_space<vmem_shared>> -> memref<10240x128xf32, #tpu.memory_space<vmem_shared>>
        tpu.enqueue_indirect_dma source(%arg9 : memref<125x128xf32, #tpu.memory_space<vmem>>) target(%dma_start3A_81 : memref<10240x128xf32, #tpu.memory_space<vmem_shared>>) offsets(%dma_start3A_78 : memref<125xi32, #tpu.memory_space<vmem>>) semaphore(%run_scoped3A_75 : memref<!tpu.dma_semaphore, #tpu.memory_space<semaphore_mem>>) {add = true}
        %dma_wait3A_82 = arith.constant 0 : i32
        %dma_wait3A_83 = tpu.memref_slice %arg7[%add3A_74, %dma_wait3A_82] : memref<40x125xi32, #tpu.memory_space<vmem>> -> memref<1x125xi32, #tpu.memory_space<vmem>>
        %dma_wait3A_84 = tpu.memref_squeeze %dma_wait3A_83 : memref<1x125xi32, #tpu.memory_space<vmem>> -> memref<125xi32, #tpu.memory_space<vmem>>
        %dma_wait3A_85 = arith.constant 0 : i32
        %dma_wait3A_86 = arith.constant 0 : i32
        %dma_wait3A_87 = tpu.memref_slice %arg10[%dma_wait3A_85, %dma_wait3A_86] : memref<10240x128xf32, #tpu.memory_space<vmem_shared>> -> memref<10240x128xf32, #tpu.memory_space<vmem_shared>>
        tpu.wait_indirect_dma semaphore(%run_scoped3A_75 : memref<!tpu.dma_semaphore, #tpu.memory_space<semaphore_mem>>) src(%arg9 : memref<125x128xf32, #tpu.memory_space<vmem>>) dst(%dma_wait3A_87 : memref<10240x128xf32, #tpu.memory_space<vmem_shared>>)
        tpu.yield
      }) : () -> ()
    }
    %scan3A_39 = arith.constant 20 : i32
    %barrier3A_40 = arith.constant 0 : index
    tpu.barrier barrier_id(%barrier3A_40)
    %mul3A_41 = arith.constant 640 : i32
    %mul3A_42 = arith.muli %arg1, %mul3A_41 : i32
    %mul3A_43 = arith.constant 640 : i32
    %mul3A_44 = arith.muli %arg1, %mul3A_43 : i32
    "tpu.region"() ({
      %run_scoped3A_45 = tpu.sem_alloc : memref<!tpu.dma_semaphore, #tpu.memory_space<semaphore_mem>>
      %dma_start3A_46 = arith.constant 0 : i32
      %dma_start3A_47 = tpu.memref_slice %arg5[%arg0, %mul3A_44, %dma_start3A_46] : memref<2x10240x128xf32, #tpu.memory_space<hbm>> -> memref<1x640x128xf32, #tpu.memory_space<hbm>>
      %dma_start3A_48 = tpu.memref_squeeze %dma_start3A_47 : memref<1x640x128xf32, #tpu.memory_space<hbm>> -> memref<640x128xf32, #tpu.memory_space<hbm>>
      %dma_start3A_49 = arith.constant 0 : i32
      %dma_start3A_50 = tpu.memref_slice %arg10[%mul3A_42, %dma_start3A_49] : memref<10240x128xf32, #tpu.memory_space<vmem_shared>> -> memref<640x128xf32, #tpu.memory_space<vmem_shared>>
      tpu.enqueue_dma source(%dma_start3A_50 : memref<640x128xf32, #tpu.memory_space<vmem_shared>>) target(%dma_start3A_48 : memref<640x128xf32, #tpu.memory_space<hbm>>) target_semaphore(%run_scoped3A_45 : memref<!tpu.dma_semaphore, #tpu.memory_space<semaphore_mem>>)
      %dma_wait3A = arith.constant 0 : i32
      %dma_wait3A_51 = tpu.memref_slice %arg5[%arg0, %mul3A_44, %dma_wait3A] : memref<2x10240x128xf32, #tpu.memory_space<hbm>> -> memref<1x640x128xf32, #tpu.memory_space<hbm>>
      %dma_wait3A_52 = tpu.memref_squeeze %dma_wait3A_51 : memref<1x640x128xf32, #tpu.memory_space<hbm>> -> memref<640x128xf32, #tpu.memory_space<hbm>>
      %dma_wait3A_53 = arith.constant 0 : i32
      %dma_wait3A_54 = tpu.memref_slice %arg10[%mul3A_42, %dma_wait3A_53] : memref<10240x128xf32, #tpu.memory_space<vmem_shared>> -> memref<640x128xf32, #tpu.memory_space<vmem_shared>>
      tpu.wait_dma2 semaphore(%run_scoped3A_45 : memref<!tpu.dma_semaphore, #tpu.memory_space<semaphore_mem>>) src(%dma_wait3A_54 : memref<640x128xf32, #tpu.memory_space<vmem_shared>>) dst(%dma_wait3A_52 : memref<640x128xf32, #tpu.memory_space<hbm>>)
      tpu.yield
    }) : () -> ()
    return
  }
}

module attributes {stable_mosaic.version = 14 : i64} {
  func.func @_in_msg_body(%arg0: i32, %arg1: memref<5000x128xf32, #tpu.memory_space<vmem>>, %arg2: memref<128x128xf32, #tpu.memory_space<vmem>>, %arg3: memref<1x128xf32, #tpu.memory_space<vmem>>, %arg4: memref<1x128x128xf32, #tpu.memory_space<vmem>>, %arg5: memref<1x1x128xf32, #tpu.memory_space<vmem>>, %arg6: memref<5000x128xf32, #tpu.memory_space<vmem>>, %arg7: memref<5000x128xf32, #tpu.memory_space<vmem>>) attributes {dimension_semantics = [#tpu.dimension_semantics<arbitrary>], iteration_bounds = array<i64: 2>, scalar_prefetch = 0 : i64, scratch_operands = 0 : i64, tpu.core_type = #tpu.core_type<tc>, window_params = [{transform_indices = @transform_0, window_bounds = array<i64: 5000, 128>}, {pipeline_mode = #tpu.pipeline_mode<synchronous>, transform_indices = @transform_1, window_bounds = array<i64: 128, 128>}, {pipeline_mode = #tpu.pipeline_mode<synchronous>, transform_indices = @transform_2, window_bounds = array<i64: 1, 128>}, {transform_indices = @transform_3, window_bounds = array<i64: 1, 128, 128>}, {transform_indices = @transform_4, window_bounds = array<i64: 1, 1, 128>}, {transform_indices = @transform_5, window_bounds = array<i64: 5000, 128>}, {transform_indices = @transform_6, window_bounds = array<i64: 5000, 128>}]} {
    %get3A = arith.constant 0 : index
    %get3A_0 = arith.constant 0 : index
    %get3A_1 = vector.load %arg1[%get3A, %get3A_0] : memref<5000x128xf32, #tpu.memory_space<vmem>>, vector<5000x128xf32>
    %get3A_2 = arith.constant 0 : index
    %get3A_3 = arith.constant 0 : index
    %get3A_4 = vector.load %arg2[%get3A_2, %get3A_3] : memref<128x128xf32, #tpu.memory_space<vmem>>, vector<128x128xf32>
    %get3A_5 = arith.constant 0 : index
    %get3A_6 = arith.constant 0 : index
    %get3A_7 = vector.load %arg3[%get3A_5, %get3A_6] : memref<1x128xf32, #tpu.memory_space<vmem>>, vector<1x128xf32>
    %dot_general3A = arith.constant dense<0.000000e+00> : vector<5000x128xf32>
    %dot_general3A_8 = tpu.matmul %get3A_1, %get3A_4, %dot_general3A {dimension_numbers = #tpu.dot_dimension_numbers<[1], [0], [0], [1], [0, 0, 1, 1], [], []>, transpose_lhs_hint = false} : vector<5000x128xf32>, vector<128x128xf32>, vector<5000x128xf32> -> vector<5000x128xf32>
    %add3A = vector.broadcast %get3A_7 : vector<1x128xf32> to vector<5000x128xf32>
    %add3A_9 = arith.addf %dot_general3A_8, %add3A : vector<5000x128xf32>
    %max3A = arith.constant 0.000000e+00 : f32
    %max3A_10 = vector.broadcast %max3A : f32 to vector<5000x128xf32>
    %max3A_11 = arith.maximumf %add3A_9, %max3A_10 : vector<5000x128xf32>
    %swap3A = arith.constant 0 : index
    %swap3A_12 = arith.constant 0 : index
    %swap3A_13 = vector.load %arg6[%swap3A, %swap3A_12] : memref<5000x128xf32, #tpu.memory_space<vmem>>, vector<5000x128xf32>
    tpu.vector_store %arg6[%swap3A, %swap3A_12], %max3A_11 {strides = array<i32>} : memref<5000x128xf32, #tpu.memory_space<vmem>>, vector<5000x128xf32>,
    %get3A_14 = arith.constant 0 : index
    %get3A_15 = arith.constant 0 : index
    %get3A_16 = arith.constant 0 : index
    %get3A_17 = vector.load %arg4[%get3A_14, %get3A_15, %get3A_16] : memref<1x128x128xf32, #tpu.memory_space<vmem>>, vector<1x128x128xf32>
    %get3A_18 = vector.shape_cast %get3A_17 : vector<1x128x128xf32> to vector<128x128xf32>
    %get3A_19 = arith.constant 0 : index
    %get3A_20 = arith.constant 0 : index
    %get3A_21 = arith.constant 0 : index
    %get3A_22 = vector.load %arg5[%get3A_19, %get3A_20, %get3A_21] : memref<1x1x128xf32, #tpu.memory_space<vmem>>, vector<1x1x128xf32>
    %get3A_23 = vector.shape_cast %get3A_22 : vector<1x1x128xf32> to vector<1x128xf32>
    %dot_general3A_24 = arith.constant dense<0.000000e+00> : vector<5000x128xf32>
    %dot_general3A_25 = tpu.matmul %max3A_11, %get3A_18, %dot_general3A_24 {dimension_numbers = #tpu.dot_dimension_numbers<[1], [0], [0], [1], [0, 0, 1, 1], [], []>, transpose_lhs_hint = false} : vector<5000x128xf32>, vector<128x128xf32>, vector<5000x128xf32> -> vector<5000x128xf32>
    %add3A_26 = vector.broadcast %get3A_23 : vector<1x128xf32> to vector<5000x128xf32>
    %add3A_27 = arith.addf %dot_general3A_25, %add3A_26 : vector<5000x128xf32>
    %max3A_28 = arith.constant 0.000000e+00 : f32
    %max3A_29 = vector.broadcast %max3A_28 : f32 to vector<5000x128xf32>
    %max3A_30 = arith.maximumf %add3A_27, %max3A_29 : vector<5000x128xf32>
    %swap3A_31 = arith.constant 0 : index
    %swap3A_32 = arith.constant 0 : index
    %swap3A_33 = vector.load %arg7[%swap3A_31, %swap3A_32] : memref<5000x128xf32, #tpu.memory_space<vmem>>, vector<5000x128xf32>
    tpu.vector_store %arg7[%swap3A_31, %swap3A_32], %max3A_30 {strides = array<i32>} : memref<5000x128xf32, #tpu.memory_space<vmem>>, vector<5000x128xf32>,
    return
  }
  func.func @transform_0(%arg0: i32) -> (i32, i32) {
    %c0_i32 = arith.constant 0 : i32
    %c0_i32_0 = arith.constant 0 : i32
    return %arg0, %c0_i32 : i32, i32
  }
  func.func @transform_1(%arg0: i32) -> (i32, i32) {
    %c0_i32 = arith.constant 0 : i32
    %c0_i32_0 = arith.constant 0 : i32
    %c0_i32_1 = arith.constant 0 : i32
    return %c0_i32, %c0_i32_0 : i32, i32
  }
  func.func @transform_2(%arg0: i32) -> (i32, i32) {
    %c0_i32 = arith.constant 0 : i32
    %c0_i32_0 = arith.constant 0 : i32
    %c0_i32_1 = arith.constant 0 : i32
    return %c0_i32, %c0_i32_0 : i32, i32
  }
  func.func @transform_3(%arg0: i32) -> (i32, i32, i32) {
    %c0_i32 = arith.constant 0 : i32
    %c0_i32_0 = arith.constant 0 : i32
    %c0_i32_1 = arith.constant 0 : i32
    %c0_i32_2 = arith.constant 0 : i32
    return %c0_i32, %c0_i32_0, %c0_i32_1 : i32, i32, i32
  }
  func.func @transform_4(%arg0: i32) -> (i32, i32, i32) {
    %c0_i32 = arith.constant 0 : i32
    %c0_i32_0 = arith.constant 0 : i32
    %c0_i32_1 = arith.constant 0 : i32
    %c0_i32_2 = arith.constant 0 : i32
    return %c0_i32, %c0_i32_0, %c0_i32_1 : i32, i32, i32
  }
  func.func @transform_5(%arg0: i32) -> (i32, i32) {
    %c0_i32 = arith.constant 0 : i32
    %c0_i32_0 = arith.constant 0 : i32
    return %arg0, %c0_i32 : i32, i32
  }
  func.func @transform_6(%arg0: i32) -> (i32, i32) {
    %c0_i32 = arith.constant 0 : i32
    %c0_i32_0 = arith.constant 0 : i32
    return %arg0, %c0_i32 : i32, i32
  }
}

module attributes {stable_mosaic.version = 14 : i64} {
  func.func @_upd_msg_body(%arg0: i32, %arg1: memref<5000x128xf32, #tpu.memory_space<vmem>>, %arg2: memref<1x5000x128xf32, #tpu.memory_space<vmem>>, %arg3: memref<1x5000x128xf32, #tpu.memory_space<vmem>>, %arg4: memref<1x128x128xf32, #tpu.memory_space<vmem>>, %arg5: memref<1x1x128xf32, #tpu.memory_space<vmem>>, %arg6: memref<1x128x128xf32, #tpu.memory_space<vmem>>, %arg7: memref<1x1x128xf32, #tpu.memory_space<vmem>>, %arg8: memref<5000x128xf32, #tpu.memory_space<vmem>>, %arg9: memref<5000x128xf32, #tpu.memory_space<vmem>>) attributes {dimension_semantics = [#tpu.dimension_semantics<arbitrary>], iteration_bounds = array<i64: 2>, scalar_prefetch = 0 : i64, scratch_operands = 0 : i64, tpu.core_type = #tpu.core_type<tc>, window_params = [{transform_indices = @transform_0, window_bounds = array<i64: 5000, 128>}, {transform_indices = @transform_1, window_bounds = array<i64: 1, 5000, 128>}, {transform_indices = @transform_2, window_bounds = array<i64: 1, 5000, 128>}, {transform_indices = @transform_3, window_bounds = array<i64: 1, 128, 128>}, {transform_indices = @transform_4, window_bounds = array<i64: 1, 1, 128>}, {transform_indices = @transform_5, window_bounds = array<i64: 1, 128, 128>}, {transform_indices = @transform_6, window_bounds = array<i64: 1, 1, 128>}, {transform_indices = @transform_7, window_bounds = array<i64: 5000, 128>}, {transform_indices = @transform_8, window_bounds = array<i64: 5000, 128>}]} {
    %get3A = arith.constant 0 : index
    %get3A_0 = arith.constant 0 : index
    %get3A_1 = arith.constant 0 : index
    %get3A_2 = vector.load %arg2[%get3A, %get3A_0, %get3A_1] : memref<1x5000x128xf32, #tpu.memory_space<vmem>>, vector<1x5000x128xf32>
    %get3A_3 = vector.shape_cast %get3A_2 : vector<1x5000x128xf32> to vector<5000x128xf32>
    %get3A_4 = arith.constant 0 : index
    %get3A_5 = arith.constant 0 : index
    %get3A_6 = arith.constant 0 : index
    %get3A_7 = vector.load %arg3[%get3A_4, %get3A_5, %get3A_6] : memref<1x5000x128xf32, #tpu.memory_space<vmem>>, vector<1x5000x128xf32>
    %get3A_8 = vector.shape_cast %get3A_7 : vector<1x5000x128xf32> to vector<5000x128xf32>
    %add3A = arith.addf %get3A_3, %get3A_8 : vector<5000x128xf32>
    %get3A_9 = arith.constant 0 : index
    %get3A_10 = arith.constant 0 : index
    %get3A_11 = vector.load %arg1[%get3A_9, %get3A_10] : memref<5000x128xf32, #tpu.memory_space<vmem>>, vector<5000x128xf32>
    %get3A_12 = arith.constant 0 : index
    %get3A_13 = arith.constant 0 : index
    %get3A_14 = arith.constant 0 : index
    %get3A_15 = vector.load %arg4[%get3A_12, %get3A_13, %get3A_14] : memref<1x128x128xf32, #tpu.memory_space<vmem>>, vector<1x128x128xf32>
    %get3A_16 = vector.shape_cast %get3A_15 : vector<1x128x128xf32> to vector<128x128xf32>
    %get3A_17 = arith.constant 0 : index
    %get3A_18 = arith.constant 0 : index
    %get3A_19 = arith.constant 0 : index
    %get3A_20 = vector.load %arg5[%get3A_17, %get3A_18, %get3A_19] : memref<1x1x128xf32, #tpu.memory_space<vmem>>, vector<1x1x128xf32>
    %get3A_21 = vector.shape_cast %get3A_20 : vector<1x1x128xf32> to vector<1x128xf32>
    %dot_general3A = arith.constant dense<0.000000e+00> : vector<5000x128xf32>
    %dot_general3A_22 = tpu.matmul %add3A, %get3A_16, %dot_general3A {dimension_numbers = #tpu.dot_dimension_numbers<[1], [0], [0], [1], [0, 0, 1, 1], [], []>, transpose_lhs_hint = false} : vector<5000x128xf32>, vector<128x128xf32>, vector<5000x128xf32> -> vector<5000x128xf32>
    %add3A_23 = vector.broadcast %get3A_21 : vector<1x128xf32> to vector<5000x128xf32>
    %add3A_24 = arith.addf %dot_general3A_22, %add3A_23 : vector<5000x128xf32>
    %max3A = arith.constant 0.000000e+00 : f32
    %max3A_25 = vector.broadcast %max3A : f32 to vector<5000x128xf32>
    %max3A_26 = arith.maximumf %add3A_24, %max3A_25 : vector<5000x128xf32>
    %add3A_27 = arith.addf %get3A_11, %max3A_26 : vector<5000x128xf32>
    %swap3A = arith.constant 0 : index
    %swap3A_28 = arith.constant 0 : index
    %swap3A_29 = vector.load %arg8[%swap3A, %swap3A_28] : memref<5000x128xf32, #tpu.memory_space<vmem>>, vector<5000x128xf32>
    tpu.vector_store %arg8[%swap3A, %swap3A_28], %add3A_27 {strides = array<i32>} : memref<5000x128xf32, #tpu.memory_space<vmem>>, vector<5000x128xf32>,
    %get3A_30 = arith.constant 0 : index
    %get3A_31 = arith.constant 0 : index
    %get3A_32 = arith.constant 0 : index
    %get3A_33 = vector.load %arg6[%get3A_30, %get3A_31, %get3A_32] : memref<1x128x128xf32, #tpu.memory_space<vmem>>, vector<1x128x128xf32>
    %get3A_34 = vector.shape_cast %get3A_33 : vector<1x128x128xf32> to vector<128x128xf32>
    %get3A_35 = arith.constant 0 : index
    %get3A_36 = arith.constant 0 : index
    %get3A_37 = arith.constant 0 : index
    %get3A_38 = vector.load %arg7[%get3A_35, %get3A_36, %get3A_37] : memref<1x1x128xf32, #tpu.memory_space<vmem>>, vector<1x1x128xf32>
    %get3A_39 = vector.shape_cast %get3A_38 : vector<1x1x128xf32> to vector<1x128xf32>
    %dot_general3A_40 = arith.constant dense<0.000000e+00> : vector<5000x128xf32>
    %dot_general3A_41 = tpu.matmul %add3A_27, %get3A_34, %dot_general3A_40 {dimension_numbers = #tpu.dot_dimension_numbers<[1], [0], [0], [1], [0, 0, 1, 1], [], []>, transpose_lhs_hint = false} : vector<5000x128xf32>, vector<128x128xf32>, vector<5000x128xf32> -> vector<5000x128xf32>
    %add3A_42 = vector.broadcast %get3A_39 : vector<1x128xf32> to vector<5000x128xf32>
    %add3A_43 = arith.addf %dot_general3A_41, %add3A_42 : vector<5000x128xf32>
    %max3A_44 = arith.constant 0.000000e+00 : f32
    %max3A_45 = vector.broadcast %max3A_44 : f32 to vector<5000x128xf32>
    %max3A_46 = arith.maximumf %add3A_43, %max3A_45 : vector<5000x128xf32>
    %swap3A_47 = arith.constant 0 : index
    %swap3A_48 = arith.constant 0 : index
    %swap3A_49 = vector.load %arg9[%swap3A_47, %swap3A_48] : memref<5000x128xf32, #tpu.memory_space<vmem>>, vector<5000x128xf32>
    tpu.vector_store %arg9[%swap3A_47, %swap3A_48], %max3A_46 {strides = array<i32>} : memref<5000x128xf32, #tpu.memory_space<vmem>>, vector<5000x128xf32>,
    return
  }
  func.func @transform_0(%arg0: i32) -> (i32, i32) {
    %c0_i32 = arith.constant 0 : i32
    %c0_i32_0 = arith.constant 0 : i32
    return %arg0, %c0_i32 : i32, i32
  }
  func.func @transform_1(%arg0: i32) -> (i32, i32, i32) {
    %c0_i32 = arith.constant 0 : i32
    %c0_i32_0 = arith.constant 0 : i32
    %c0_i32_1 = arith.constant 0 : i32
    return %c0_i32, %arg0, %c0_i32_0 : i32, i32, i32
  }
  func.func @transform_2(%arg0: i32) -> (i32, i32, i32) {
    %c1_i32 = arith.constant 1 : i32
    %c0_i32 = arith.constant 0 : i32
    %c0_i32_0 = arith.constant 0 : i32
    return %c1_i32, %arg0, %c0_i32 : i32, i32, i32
  }
  func.func @transform_3(%arg0: i32) -> (i32, i32, i32) {
    %c0_i32 = arith.constant 0 : i32
    %c0_i32_0 = arith.constant 0 : i32
    %c0_i32_1 = arith.constant 0 : i32
    %c0_i32_2 = arith.constant 0 : i32
    return %c0_i32, %c0_i32_0, %c0_i32_1 : i32, i32, i32
  }
  func.func @transform_4(%arg0: i32) -> (i32, i32, i32) {
    %c0_i32 = arith.constant 0 : i32
    %c0_i32_0 = arith.constant 0 : i32
    %c0_i32_1 = arith.constant 0 : i32
    %c0_i32_2 = arith.constant 0 : i32
    return %c0_i32, %c0_i32_0, %c0_i32_1 : i32, i32, i32
  }
  func.func @transform_5(%arg0: i32) -> (i32, i32, i32) {
    %c1_i32 = arith.constant 1 : i32
    %c0_i32 = arith.constant 0 : i32
    %c0_i32_0 = arith.constant 0 : i32
    %c0_i32_1 = arith.constant 0 : i32
    return %c1_i32, %c0_i32, %c0_i32_0 : i32, i32, i32
  }
  func.func @transform_6(%arg0: i32) -> (i32, i32, i32) {
    %c1_i32 = arith.constant 1 : i32
    %c0_i32 = arith.constant 0 : i32
    %c0_i32_0 = arith.constant 0 : i32
    %c0_i32_1 = arith.constant 0 : i32
    return %c1_i32, %c0_i32, %c0_i32_0 : i32, i32, i32
  }
  func.func @transform_7(%arg0: i32) -> (i32, i32) {
    %c0_i32 = arith.constant 0 : i32
    %c0_i32_0 = arith.constant 0 : i32
    return %arg0, %c0_i32 : i32, i32
  }
  func.func @transform_8(%arg0: i32) -> (i32, i32) {
    %c0_i32 = arith.constant 0 : i32
    %c0_i32_0 = arith.constant 0 : i32
    return %arg0, %c0_i32 : i32, i32
  }
}

module attributes {stable_mosaic.version = 14 : i64} {
  func.func @_upd_msg_body(%arg0: i32, %arg1: memref<5000x128xf32, #tpu.memory_space<vmem>>, %arg2: memref<1x5000x128xf32, #tpu.memory_space<vmem>>, %arg3: memref<1x5000x128xf32, #tpu.memory_space<vmem>>, %arg4: memref<1x128x128xf32, #tpu.memory_space<vmem>>, %arg5: memref<1x1x128xf32, #tpu.memory_space<vmem>>, %arg6: memref<1x128x128xf32, #tpu.memory_space<vmem>>, %arg7: memref<1x1x128xf32, #tpu.memory_space<vmem>>, %arg8: memref<5000x128xf32, #tpu.memory_space<vmem>>, %arg9: memref<5000x128xf32, #tpu.memory_space<vmem>>) attributes {dimension_semantics = [#tpu.dimension_semantics<arbitrary>], iteration_bounds = array<i64: 2>, scalar_prefetch = 0 : i64, scratch_operands = 0 : i64, tpu.core_type = #tpu.core_type<tc>, window_params = [{transform_indices = @transform_0, window_bounds = array<i64: 5000, 128>}, {transform_indices = @transform_1, window_bounds = array<i64: 1, 5000, 128>}, {transform_indices = @transform_2, window_bounds = array<i64: 1, 5000, 128>}, {transform_indices = @transform_3, window_bounds = array<i64: 1, 128, 128>}, {transform_indices = @transform_4, window_bounds = array<i64: 1, 1, 128>}, {transform_indices = @transform_5, window_bounds = array<i64: 1, 128, 128>}, {transform_indices = @transform_6, window_bounds = array<i64: 1, 1, 128>}, {transform_indices = @transform_7, window_bounds = array<i64: 5000, 128>}, {transform_indices = @transform_8, window_bounds = array<i64: 5000, 128>}]} {
    %get3A = arith.constant 0 : index
    %get3A_0 = arith.constant 0 : index
    %get3A_1 = arith.constant 0 : index
    %get3A_2 = vector.load %arg2[%get3A, %get3A_0, %get3A_1] : memref<1x5000x128xf32, #tpu.memory_space<vmem>>, vector<1x5000x128xf32>
    %get3A_3 = vector.shape_cast %get3A_2 : vector<1x5000x128xf32> to vector<5000x128xf32>
    %get3A_4 = arith.constant 0 : index
    %get3A_5 = arith.constant 0 : index
    %get3A_6 = arith.constant 0 : index
    %get3A_7 = vector.load %arg3[%get3A_4, %get3A_5, %get3A_6] : memref<1x5000x128xf32, #tpu.memory_space<vmem>>, vector<1x5000x128xf32>
    %get3A_8 = vector.shape_cast %get3A_7 : vector<1x5000x128xf32> to vector<5000x128xf32>
    %add3A = arith.addf %get3A_3, %get3A_8 : vector<5000x128xf32>
    %get3A_9 = arith.constant 0 : index
    %get3A_10 = arith.constant 0 : index
    %get3A_11 = vector.load %arg1[%get3A_9, %get3A_10] : memref<5000x128xf32, #tpu.memory_space<vmem>>, vector<5000x128xf32>
    %get3A_12 = arith.constant 0 : index
    %get3A_13 = arith.constant 0 : index
    %get3A_14 = arith.constant 0 : index
    %get3A_15 = vector.load %arg4[%get3A_12, %get3A_13, %get3A_14] : memref<1x128x128xf32, #tpu.memory_space<vmem>>, vector<1x128x128xf32>
    %get3A_16 = vector.shape_cast %get3A_15 : vector<1x128x128xf32> to vector<128x128xf32>
    %get3A_17 = arith.constant 0 : index
    %get3A_18 = arith.constant 0 : index
    %get3A_19 = arith.constant 0 : index
    %get3A_20 = vector.load %arg5[%get3A_17, %get3A_18, %get3A_19] : memref<1x1x128xf32, #tpu.memory_space<vmem>>, vector<1x1x128xf32>
    %get3A_21 = vector.shape_cast %get3A_20 : vector<1x1x128xf32> to vector<1x128xf32>
    %dot_general3A = arith.constant dense<0.000000e+00> : vector<5000x128xf32>
    %dot_general3A_22 = tpu.matmul %add3A, %get3A_16, %dot_general3A {dimension_numbers = #tpu.dot_dimension_numbers<[1], [0], [0], [1], [0, 0, 1, 1], [], []>, transpose_lhs_hint = false} : vector<5000x128xf32>, vector<128x128xf32>, vector<5000x128xf32> -> vector<5000x128xf32>
    %add3A_23 = vector.broadcast %get3A_21 : vector<1x128xf32> to vector<5000x128xf32>
    %add3A_24 = arith.addf %dot_general3A_22, %add3A_23 : vector<5000x128xf32>
    %max3A = arith.constant 0.000000e+00 : f32
    %max3A_25 = vector.broadcast %max3A : f32 to vector<5000x128xf32>
    %max3A_26 = arith.maximumf %add3A_24, %max3A_25 : vector<5000x128xf32>
    %add3A_27 = arith.addf %get3A_11, %max3A_26 : vector<5000x128xf32>
    %swap3A = arith.constant 0 : index
    %swap3A_28 = arith.constant 0 : index
    %swap3A_29 = vector.load %arg8[%swap3A, %swap3A_28] : memref<5000x128xf32, #tpu.memory_space<vmem>>, vector<5000x128xf32>
    tpu.vector_store %arg8[%swap3A, %swap3A_28], %add3A_27 {strides = array<i32>} : memref<5000x128xf32, #tpu.memory_space<vmem>>, vector<5000x128xf32>,
    %get3A_30 = arith.constant 0 : index
    %get3A_31 = arith.constant 0 : index
    %get3A_32 = arith.constant 0 : index
    %get3A_33 = vector.load %arg6[%get3A_30, %get3A_31, %get3A_32] : memref<1x128x128xf32, #tpu.memory_space<vmem>>, vector<1x128x128xf32>
    %get3A_34 = vector.shape_cast %get3A_33 : vector<1x128x128xf32> to vector<128x128xf32>
    %get3A_35 = arith.constant 0 : index
    %get3A_36 = arith.constant 0 : index
    %get3A_37 = arith.constant 0 : index
    %get3A_38 = vector.load %arg7[%get3A_35, %get3A_36, %get3A_37] : memref<1x1x128xf32, #tpu.memory_space<vmem>>, vector<1x1x128xf32>
    %get3A_39 = vector.shape_cast %get3A_38 : vector<1x1x128xf32> to vector<1x128xf32>
    %dot_general3A_40 = arith.constant dense<0.000000e+00> : vector<5000x128xf32>
    %dot_general3A_41 = tpu.matmul %add3A_27, %get3A_34, %dot_general3A_40 {dimension_numbers = #tpu.dot_dimension_numbers<[1], [0], [0], [1], [0, 0, 1, 1], [], []>, transpose_lhs_hint = false} : vector<5000x128xf32>, vector<128x128xf32>, vector<5000x128xf32> -> vector<5000x128xf32>
    %add3A_42 = vector.broadcast %get3A_39 : vector<1x128xf32> to vector<5000x128xf32>
    %add3A_43 = arith.addf %dot_general3A_41, %add3A_42 : vector<5000x128xf32>
    %max3A_44 = arith.constant 0.000000e+00 : f32
    %max3A_45 = vector.broadcast %max3A_44 : f32 to vector<5000x128xf32>
    %max3A_46 = arith.maximumf %add3A_43, %max3A_45 : vector<5000x128xf32>
    %swap3A_47 = arith.constant 0 : index
    %swap3A_48 = arith.constant 0 : index
    %swap3A_49 = vector.load %arg9[%swap3A_47, %swap3A_48] : memref<5000x128xf32, #tpu.memory_space<vmem>>, vector<5000x128xf32>
    tpu.vector_store %arg9[%swap3A_47, %swap3A_48], %max3A_46 {strides = array<i32>} : memref<5000x128xf32, #tpu.memory_space<vmem>>, vector<5000x128xf32>,
    return
  }
  func.func @transform_0(%arg0: i32) -> (i32, i32) {
    %c0_i32 = arith.constant 0 : i32
    %c0_i32_0 = arith.constant 0 : i32
    return %arg0, %c0_i32 : i32, i32
  }
  func.func @transform_1(%arg0: i32) -> (i32, i32, i32) {
    %c0_i32 = arith.constant 0 : i32
    %c0_i32_0 = arith.constant 0 : i32
    %c0_i32_1 = arith.constant 0 : i32
    return %c0_i32, %arg0, %c0_i32_0 : i32, i32, i32
  }
  func.func @transform_2(%arg0: i32) -> (i32, i32, i32) {
    %c1_i32 = arith.constant 1 : i32
    %c0_i32 = arith.constant 0 : i32
    %c0_i32_0 = arith.constant 0 : i32
    return %c1_i32, %arg0, %c0_i32 : i32, i32, i32
  }
  func.func @transform_3(%arg0: i32) -> (i32, i32, i32) {
    %c1_i32 = arith.constant 1 : i32
    %c0_i32 = arith.constant 0 : i32
    %c0_i32_0 = arith.constant 0 : i32
    %c0_i32_1 = arith.constant 0 : i32
    return %c1_i32, %c0_i32, %c0_i32_0 : i32, i32, i32
  }
  func.func @transform_4(%arg0: i32) -> (i32, i32, i32) {
    %c1_i32 = arith.constant 1 : i32
    %c0_i32 = arith.constant 0 : i32
    %c0_i32_0 = arith.constant 0 : i32
    %c0_i32_1 = arith.constant 0 : i32
    return %c1_i32, %c0_i32, %c0_i32_0 : i32, i32, i32
  }
  func.func @transform_5(%arg0: i32) -> (i32, i32, i32) {
    %c2_i32 = arith.constant 2 : i32
    %c0_i32 = arith.constant 0 : i32
    %c0_i32_0 = arith.constant 0 : i32
    %c0_i32_1 = arith.constant 0 : i32
    return %c2_i32, %c0_i32, %c0_i32_0 : i32, i32, i32
  }
  func.func @transform_6(%arg0: i32) -> (i32, i32, i32) {
    %c2_i32 = arith.constant 2 : i32
    %c0_i32 = arith.constant 0 : i32
    %c0_i32_0 = arith.constant 0 : i32
    %c0_i32_1 = arith.constant 0 : i32
    return %c2_i32, %c0_i32, %c0_i32_0 : i32, i32, i32
  }
  func.func @transform_7(%arg0: i32) -> (i32, i32) {
    %c0_i32 = arith.constant 0 : i32
    %c0_i32_0 = arith.constant 0 : i32
    return %arg0, %c0_i32 : i32, i32
  }
  func.func @transform_8(%arg0: i32) -> (i32, i32) {
    %c0_i32 = arith.constant 0 : i32
    %c0_i32_0 = arith.constant 0 : i32
    return %arg0, %c0_i32 : i32, i32
  }
}

module attributes {stable_mosaic.version = 14 : i64} {
  func.func @_upd_out_body(%arg0: i32, %arg1: memref<5000x128xf32, #tpu.memory_space<vmem>>, %arg2: memref<1x5000x128xf32, #tpu.memory_space<vmem>>, %arg3: memref<1x5000x128xf32, #tpu.memory_space<vmem>>, %arg4: memref<1x128x128xf32, #tpu.memory_space<vmem>>, %arg5: memref<1x1x128xf32, #tpu.memory_space<vmem>>, %arg6: memref<128x7xf32, #tpu.memory_space<vmem>>, %arg7: memref<1x7xf32, #tpu.memory_space<vmem>>, %arg8: memref<5000x7xf32, #tpu.memory_space<vmem>>) attributes {dimension_semantics = [#tpu.dimension_semantics<arbitrary>], iteration_bounds = array<i64: 2>, scalar_prefetch = 0 : i64, scratch_operands = 0 : i64, tpu.core_type = #tpu.core_type<tc>, window_params = [{transform_indices = @transform_0, window_bounds = array<i64: 5000, 128>}, {transform_indices = @transform_1, window_bounds = array<i64: 1, 5000, 128>}, {transform_indices = @transform_2, window_bounds = array<i64: 1, 5000, 128>}, {transform_indices = @transform_3, window_bounds = array<i64: 1, 128, 128>}, {transform_indices = @transform_4, window_bounds = array<i64: 1, 1, 128>}, {pipeline_mode = #tpu.pipeline_mode<synchronous>, transform_indices = @transform_5, window_bounds = array<i64: 128, 7>}, {pipeline_mode = #tpu.pipeline_mode<synchronous>, transform_indices = @transform_6, window_bounds = array<i64: 1, 7>}, {transform_indices = @transform_7, window_bounds = array<i64: 5000, 7>}]} {
    %get3A = arith.constant 0 : index
    %get3A_0 = arith.constant 0 : index
    %get3A_1 = arith.constant 0 : index
    %get3A_2 = vector.load %arg2[%get3A, %get3A_0, %get3A_1] : memref<1x5000x128xf32, #tpu.memory_space<vmem>>, vector<1x5000x128xf32>
    %get3A_3 = vector.shape_cast %get3A_2 : vector<1x5000x128xf32> to vector<5000x128xf32>
    %get3A_4 = arith.constant 0 : index
    %get3A_5 = arith.constant 0 : index
    %get3A_6 = arith.constant 0 : index
    %get3A_7 = vector.load %arg3[%get3A_4, %get3A_5, %get3A_6] : memref<1x5000x128xf32, #tpu.memory_space<vmem>>, vector<1x5000x128xf32>
    %get3A_8 = vector.shape_cast %get3A_7 : vector<1x5000x128xf32> to vector<5000x128xf32>
    %add3A = arith.addf %get3A_3, %get3A_8 : vector<5000x128xf32>
    %get3A_9 = arith.constant 0 : index
    %get3A_10 = arith.constant 0 : index
    %get3A_11 = vector.load %arg1[%get3A_9, %get3A_10] : memref<5000x128xf32, #tpu.memory_space<vmem>>, vector<5000x128xf32>
    %get3A_12 = arith.constant 0 : index
    %get3A_13 = arith.constant 0 : index
    %get3A_14 = arith.constant 0 : index
    %get3A_15 = vector.load %arg4[%get3A_12, %get3A_13, %get3A_14] : memref<1x128x128xf32, #tpu.memory_space<vmem>>, vector<1x128x128xf32>
    %get3A_16 = vector.shape_cast %get3A_15 : vector<1x128x128xf32> to vector<128x128xf32>
    %get3A_17 = arith.constant 0 : index
    %get3A_18 = arith.constant 0 : index
    %get3A_19 = arith.constant 0 : index
    %get3A_20 = vector.load %arg5[%get3A_17, %get3A_18, %get3A_19] : memref<1x1x128xf32, #tpu.memory_space<vmem>>, vector<1x1x128xf32>
    %get3A_21 = vector.shape_cast %get3A_20 : vector<1x1x128xf32> to vector<1x128xf32>
    %dot_general3A = arith.constant dense<0.000000e+00> : vector<5000x128xf32>
    %dot_general3A_22 = tpu.matmul %add3A, %get3A_16, %dot_general3A {dimension_numbers = #tpu.dot_dimension_numbers<[1], [0], [0], [1], [0, 0, 1, 1], [], []>, transpose_lhs_hint = false} : vector<5000x128xf32>, vector<128x128xf32>, vector<5000x128xf32> -> vector<5000x128xf32>
    %add3A_23 = vector.broadcast %get3A_21 : vector<1x128xf32> to vector<5000x128xf32>
    %add3A_24 = arith.addf %dot_general3A_22, %add3A_23 : vector<5000x128xf32>
    %max3A = arith.constant 0.000000e+00 : f32
    %max3A_25 = vector.broadcast %max3A : f32 to vector<5000x128xf32>
    %max3A_26 = arith.maximumf %add3A_24, %max3A_25 : vector<5000x128xf32>
    %add3A_27 = arith.addf %get3A_11, %max3A_26 : vector<5000x128xf32>
    %get3A_28 = arith.constant 0 : index
    %get3A_29 = arith.constant 0 : index
    %get3A_30 = vector.load %arg6[%get3A_28, %get3A_29] : memref<128x7xf32, #tpu.memory_space<vmem>>, vector<128x7xf32>
    %dot_general3A_31 = arith.constant dense<0.000000e+00> : vector<5000x7xf32>
    %dot_general3A_32 = tpu.matmul %add3A_27, %get3A_30, %dot_general3A_31 {dimension_numbers = #tpu.dot_dimension_numbers<[1], [0], [0], [1], [0, 0, 1, 1], [], []>, transpose_lhs_hint = false} : vector<5000x128xf32>, vector<128x7xf32>, vector<5000x7xf32> -> vector<5000x7xf32>
    %get3A_33 = arith.constant 0 : index
    %get3A_34 = arith.constant 0 : index
    %get3A_35 = vector.load %arg7[%get3A_33, %get3A_34] : memref<1x7xf32, #tpu.memory_space<vmem>>, vector<1x7xf32>
    %add3A_36 = vector.broadcast %get3A_35 : vector<1x7xf32> to vector<5000x7xf32>
    %add3A_37 = arith.addf %dot_general3A_32, %add3A_36 : vector<5000x7xf32>
    %swap3A = arith.constant 0 : index
    %swap3A_38 = arith.constant 0 : index
    %swap3A_39 = vector.load %arg8[%swap3A, %swap3A_38] : memref<5000x7xf32, #tpu.memory_space<vmem>>, vector<5000x7xf32>
    tpu.vector_store %arg8[%swap3A, %swap3A_38], %add3A_37 {strides = array<i32>} : memref<5000x7xf32, #tpu.memory_space<vmem>>, vector<5000x7xf32>,
    return
  }
  func.func @transform_0(%arg0: i32) -> (i32, i32) {
    %c0_i32 = arith.constant 0 : i32
    %c0_i32_0 = arith.constant 0 : i32
    return %arg0, %c0_i32 : i32, i32
  }
  func.func @transform_1(%arg0: i32) -> (i32, i32, i32) {
    %c0_i32 = arith.constant 0 : i32
    %c0_i32_0 = arith.constant 0 : i32
    %c0_i32_1 = arith.constant 0 : i32
    return %c0_i32, %arg0, %c0_i32_0 : i32, i32, i32
  }
  func.func @transform_2(%arg0: i32) -> (i32, i32, i32) {
    %c1_i32 = arith.constant 1 : i32
    %c0_i32 = arith.constant 0 : i32
    %c0_i32_0 = arith.constant 0 : i32
    return %c1_i32, %arg0, %c0_i32 : i32, i32, i32
  }
  func.func @transform_3(%arg0: i32) -> (i32, i32, i32) {
    %c2_i32 = arith.constant 2 : i32
    %c0_i32 = arith.constant 0 : i32
    %c0_i32_0 = arith.constant 0 : i32
    %c0_i32_1 = arith.constant 0 : i32
    return %c2_i32, %c0_i32, %c0_i32_0 : i32, i32, i32
  }
  func.func @transform_4(%arg0: i32) -> (i32, i32, i32) {
    %c2_i32 = arith.constant 2 : i32
    %c0_i32 = arith.constant 0 : i32
    %c0_i32_0 = arith.constant 0 : i32
    %c0_i32_1 = arith.constant 0 : i32
    return %c2_i32, %c0_i32, %c0_i32_0 : i32, i32, i32
  }
  func.func @transform_5(%arg0: i32) -> (i32, i32) {
    %c0_i32 = arith.constant 0 : i32
    %c0_i32_0 = arith.constant 0 : i32
    %c0_i32_1 = arith.constant 0 : i32
    return %c0_i32, %c0_i32_0 : i32, i32
  }
  func.func @transform_6(%arg0: i32) -> (i32, i32) {
    %c0_i32 = arith.constant 0 : i32
    %c0_i32_0 = arith.constant 0 : i32
    %c0_i32_1 = arith.constant 0 : i32
    return %c0_i32, %c0_i32_0 : i32, i32
  }
  func.func @transform_7(%arg0: i32) -> (i32, i32) {
    %c0_i32 = arith.constant 0 : i32
    %c0_i32_0 = arith.constant 0 : i32
    return %arg0, %c0_i32 : i32, i32
  }
}

</mosaic_0001>

<sc_bundles>
// kernel: kernel.12.cloned.1.call-start
scs
__scs_entry_jumppad:
0x0: {  	(pc) =	sbr.rel $0x88, $3  }
0x1: {  	(tag) =	ssettag $0x0;
	lr =	simm.s32 $0x1  }
0x2: {  	[smem:$0x3F97] =	sst lr;
	_ =	strace $0xD0000000  }
0x3: {  	_ = 	snop  }
0x4: {  	_ = 	snop  }
0x5: {  	_ = 	snop  }
0x6: {  	_ = 	snop  }
0x7: {  	_ = 	snop  }
__scs_overlays_trampoline_lowered:
0x8: {  	[smem:$0x3FA6] =	sst s0  }
0x9: {  	[smem:$0x3FA7] =	sst s1  }
0xa: {  	[smem:$0x3FA8] =	sst s2  }
0xb: {  	[smem:$0x3FA9] =	sst s3  }
0xc: {  	[smem:$0x3FAA] =	sst s4  }
0xd: {  	[smem:$0x3FAB] =	sst s5  }
0xe: {  	[smem:$0x3FAC] =	sst s6  }
0xf: {  	[smem:$0x3FAD] =	sst s7  }
0x10: {  	[smem:$0x3FAE] =	sst s8  }
0x11: {  	[smem:$0x3FAF] =	sst s9;
	s0 =	simm.s32 @!p0 $0x0  }
0x12: {  	s1 =	sld [smem:$0x3F95];
	s0 =	simm.s32 @p0 $0x1  }
0x13: {  	[smem:$0x3FB0] =	sst s0;
	s0 =	simm.s32 @!p1 $0x0  }
0x14: {  	s2 =	sld [smem:$0x3F94];
	s0 =	simm.s32 @p1 $0x1  }
0x15: {  	[smem:$0x3FB1] =	sst s0;
	s0 =	simm.s32 @!p2 $0x0  }
0x16: {  	s3 =	sld [smem:$0x3FDB];
	s0 =	simm.s32 @p2 $0x1  }
0x17: {  	s4 =	simm.s32 $0x1BF5;
	[smem:$0x3FB3] =	sst s0  }
0x18: {  	s0 =	sld [smem:$0x3F96];
	_ =	swait.ge [sflag:s4], $0x0  }
0x19: {  	s7 =	sld [smem:$0x3F97]  }
0x1a: {  	s8 =	sadd.s32 $0xFFFFE003, lr  }
0x1b: {  	s9 =	sadd.s32 $0xFFFFFEF7, lr;
	s5 =	simm.s32 $0xFFFFFFFF;
	p2 =	slt.u32 s8, $0xFFFFF086  }
0x1c: {  	p1 =	slt.u32 s9, $0xF7A;
	s5 =	simm.s32 @!p2 $0x0  }
0x1d: {  	s5 =	simm.s32 @p1 $0x1;
	p0 =	seq.s32 s7, s2  }
0x1e: {  	s7 =	smul.u32 @!p0 $0xF7A, s2;
	p2 =	seq.s32 @!p0 s5, $0x0  }
0x1f: {  	s9 =	smul.u32 $0xF7A, s1;
	s8 =	simm.s32 @!p0 $0x1BF5;
	p2 =	por !p2, p0  }
0x20: {  	[sflag:s8] =	ssyncset.s32 @!p0 $0xFFFFF086;
	s6 =	sadd.s32 @!p0 s3, s7;
	s7 =	simm.s32 @!p0 $0x108  }
0x21: {  	s3 =	sadd.s32 s3, s9;
	s6 =	sadd.s32 @!p0 $0x88, s6;
	s7 =	simm.s32 @p2 $0x1082  }
0x22: {  	[simem:s7], [sflag:s8] =	dma.local @!p0 [hbm:s6], $0xF7A  }
0x23: {  	s9 =	sor.u32 $0xD0000000, s2;
	s6 =	simm.s32 $0x108;
	_ =	swait.ge @!p0 [sflag:s8], $0x0  }
0x24: {  	s3 =	sadd.s32 $0x88, s3;
	s6 =	simm.s32 @!p1 $0x1082;
	[sflag:s4] =	ssyncset.s32 $0xFFFFF086  }
0x25: {  	[simem:s6], [sflag:s4] =	dma.local [hbm:s3], $0xF7A  }
0x26: {  	[smem:$0x3F97] =	sst s1;
	(tag) =	ssettag s2;
	_ =	strace s9  }
0x27: {  	s1 =	sld [smem:$0x3FA7]  }
0x28: {  	s2 =	sld [smem:$0x3FA8]  }
0x29: {  	s4 =	sld [smem:$0x3FAA]  }
0x2a: {  	p0 =	seq.s32 s5, $0x0;
	s5 =	sld [smem:$0x3FAB]  }
0x2b: {  	s6 =	sld [smem:$0x3FAC]  }
0x2c: {  	s7 =	sld [smem:$0x3FAD]  }
0x2d: {  	s3 =	simm.s32 $0x108;
	s8 =	sld [smem:$0x3FAE]  }
0x2e: {  	s3 =	simm.s32 @!p0 $0x1082;
	s9 =	sld [smem:$0x3FAF]  }
0x2f: {  	lr =	sadd.s32 s0, s3;
	s0 =	sld [smem:$0x3FA6]  }
0x30: {  	s3 =	sld [smem:$0x3FA9]  }
0x31: {  	[smem:$0x3FB2] =	sst s10  }
0x32: {  	s10 =	sld [smem:$0x3FB0];
	_ =	sdelay $0x3  }
0x33: {  	p0 =	seq.s32 s10, $0x1;
	s10 =	sld [smem:$0x3FB2];
	_ =	sdelay $0x3  }
0x34: {  	[smem:$0x3FB2] =	sst s10  }
0x35: {  	s10 =	sld [smem:$0x3FB1];
	_ =	sdelay $0x3  }
0x36: {  	p1 =	seq.s32 s10, $0x1;
	s10 =	sld [smem:$0x3FB2];
	_ =	sdelay $0x3  }
0x37: {  	[smem:$0x3FB2] =	sst s10  }
0x38: {  	s10 =	sld [smem:$0x3FB3]  }
0x39: {  	_ = 	snop;
	(pc) =	sbr.ind lr, $3  }
0x3a: {  	_ = 	snop  }
0x3b: {  	_ = 	snop  }
0x3c: {  	p2 =	seq.s32 s10, $0x1;
	s10 =	sld [smem:$0x3FB2]  }
0x3d: {  	_ =	shalt  }
0x3e: {  	_ =	shalt  }
0x3f: {  	_ =	shalt  }
0x40: {  	_ =	shalt  }
0x41: {  	_ =	shalt  }
0x42: {  	_ =	shalt  }
0x43: {  	_ =	shalt  }
0x44: {  	_ =	shalt  }
0x45: {  	_ =	shalt  }
0x46: {  	_ =	shalt  }
0x47: {  	_ =	shalt  }
0x48: {  	_ =	shalt  }
0x49: {  	_ =	shalt  }
0x4a: {  	_ =	shalt  }
0x4b: {  	_ =	shalt  }
0x4c: {  	_ =	shalt  }
0x4d: {  	_ =	shalt  }
0x4e: {  	_ =	shalt  }
0x4f: {  	_ =	shalt  }
0x50: {  	_ =	shalt  }
0x51: {  	_ =	shalt  }
0x52: {  	_ =	shalt  }
0x53: {  	_ =	shalt  }
0x54: {  	_ =	shalt  }
0x55: {  	_ =	shalt  }
0x56: {  	_ =	shalt  }
0x57: {  	_ =	shalt  }
0x58: {  	_ =	shalt  }
0x59: {  	_ =	shalt  }
0x5a: {  	_ =	shalt  }
0x5b: {  	_ =	shalt  }
0x5c: {  	_ =	shalt  }
0x5d: {  	_ =	shalt  }
0x5e: {  	_ =	shalt  }
0x5f: {  	_ =	shalt  }
0x60: {  	_ =	shalt  }
0x61: {  	_ =	shalt  }
0x62: {  	_ =	shalt  }
0x63: {  	_ =	shalt  }
0x64: {  	_ =	shalt  }
0x65: {  	_ =	shalt  }
0x66: {  	_ =	shalt  }
0x67: {  	_ =	shalt  }
0x68: {  	_ =	shalt  }
0x69: {  	_ =	shalt  }
0x6a: {  	_ =	shalt  }
0x6b: {  	_ =	shalt  }
0x6c: {  	_ =	shalt  }
0x6d: {  	_ =	shalt  }
0x6e: {  	_ =	shalt  }
0x6f: {  	_ =	shalt  }
0x70: {  	_ =	shalt  }
0x71: {  	_ =	shalt  }
0x72: {  	_ =	shalt  }
0x73: {  	_ =	shalt  }
0x74: {  	_ =	shalt  }
0x75: {  	_ =	shalt  }
0x76: {  	_ =	shalt  }
0x77: {  	_ =	shalt  }
0x78: {  	_ =	shalt  }
0x79: {  	_ =	shalt  }
0x7a: {  	_ =	shalt  }
0x7b: {  	_ =	shalt  }
0x7c: {  	_ =	shalt  }
0x7d: {  	_ =	shalt  }
0x7e: {  	_ =	shalt  }
0x7f: {  	_ =	shalt  }
0x80: {  	_ =	shalt  }
0x81: {  	_ =	shalt  }
0x82: {  	_ =	shalt  }
0x83: {  	_ =	shalt  }
0x84: {  	_ =	shalt  }
0x85: {  	_ =	shalt  }
0x86: {  	_ =	shalt  }
0x87: {  	_ =	shalt  }
.Lfunc_end0:
.L_simem_size_0:
called_computation.1_lowered:
.L_overlay_start_0:
0x88: {  	s2 =	sld [smem:$0x3FD9]  }
0x89: {  	s3 =	sld [smem:$0x3FFE];
	_ =	sdelay $0x1  }
0x8a: {  	s1 =	srdreg.scid  }
0x8b: {  	s0 =	sand.u32 $0x1, s1  }
0x8c: {  	s16 =	sshll.u32 s0, $0xA;
	s2 =	sadd.s32 s3, s2  }
0x8d: {  	s2 =	sadd.s32 s2, s16  }
0x8e: {  	[smem:$0x3FBE] =	sst s2  }
0x8f: {  	_ = 	snop  }
0x90: {  	(tm) =	ssettm $0x1  }
0x91: {  	s17 =	sld [smem:$0x3FFB];
	_ =	sdelay $0x3  }
0x92: {  	_ =	strace s17  }
0x93: {  	s2 =	sld [smem:$0x3FFC];
	_ =	sdelay $0x3  }
0x94: {  	_ =	strace s2  }
0x95: {  	s2 =	sld [smem:$0x3FFD];
	_ =	sdelay $0x3  }
0x96: {  	_ =	strace s2  }
0x97: {  	_ =	strace $0x8FFFFFFF  }
0x98: {  	s18 =	sld [smem:$0x3FDB];
	_ =	sdelay $0x1  }
0x99: {  	s19 =	simm.s32 $_scs_section_size  }
0x9a: {  	s4 =	simm.s32 $_size__tile_overlayer_lowered;
	s5 =	simm.s32 $_tile_overlayer_lowered  }
0x9b: {  	s22 =	simm.s32 $0x1BFF;
	s21 =	sshll.u32 s5, $0x1;
	s2 =	sadd.s32 s19, s18  }
0x9c: {  	s6 =	simm.s32 $0x0;
	s20 =	sshll.u32 s4, $0x1;
	s4 =	sadd.s32 s21, s2  }
0x9d: {  	[timem:s6], [sflag:s22] =	dma.local [hbm:s4], s20  }
0x9e: {  	_ =	swait.ge [sflag:s22], s20  }
0x9f: {  	s3 =	ssub.s32 $0x0, s20;
	[sflag:s22] =	ssyncset.done $0x0  }
0xa0: {  	[sflag:s22] =	ssyncadd.s32 s3;
	_ =	sdelay $0x1  }
0xa1: {  	s23 =	simm.s32 $0x1B8B  }
0xa2: {  	_ =	swait.ge [sflag:s23], $0x1  }
0xa3: {  	[sflag:s23] =	ssyncset.done $0x0  }
0xa4: {  	s25 =	simm.s32 $0x1B8E;
	s24 =	sld [smem:$0x3FFE];
	[sflag:s23] =	ssyncadd.s32 $0xFFFFFFFF  }
0xa5: {  	s26 =	simm.s32 $execute0_lowered;
	[smem:$0x3FD2] =	sst s25  }
0xa6: {  	s4 =	sshll.u32 s26, $0x1;
	_ =	strace $0x80000049;
	[dreg:$0x1] =	wrdreg $0xFFFFFFFF  }
0xa7: {  	s28 =	simm.s32 $_size_execute0_lowered;
	s2 =	sadd.s32 s2, s4;
	[dreg:$0x0] =	wrdreg $0x0  }
0xa8: {  	s4 =	sshll.u32 s28, $0x1;
	[dreg:$0x2] =	wrdreg s2  }
0xa9: {  	[dreg:$0x3] =	wrdreg s4  }
0xaa: {  	[dreg:$0x4] =	wrdreg $0xC0  }
0xab: {  	_ =	task [dreg:s6], $0x5FFFF  }
0xac: {  	[dreg:$0x1] =	wrdreg $0xFFFFFFFF  }
0xad: {  	[dreg:$0x0] =	wrdreg $0x60  }
0xae: {  	[dreg:$0x2] =	wrdreg s24  }
0xaf: {  	[dreg:$0x3] =	wrdreg $0xA8000  }
0xb0: {  	[dreg:$0x4] =	wrdreg $0x9  }
0xb1: {  	_ =	task.clear_ibuf [dreg:s6], $0x5FFFF;
	_ =	strace $0x90000049  }
0xb2: {  	s29 =	simm.s32 $0x9;
	_ =	strace $0x8000004B  }
0xb3: {  	_ =	swait.ge [sflag:s29], $0x1  }
0xb4: {  	[sflag:s29] =	ssyncadd.s32 $0xFFFFFFFF  }
0xb5: {  	_ =	strace $0x9000004B  }
0xb6: {  	_ =	sfence  }
0xb7: {  	s30 =	sld [smem:$0x0];
	_ =	sdelay $0x2  }
0xb8: {  	s31 =	sshll.u32 s1, $0xD;
	s1 =	sshrl.u32 s1, $0x2  }
0xb9: {  	s3 =	sand.u32 $0x4000, s31;
	s1 =	sadd.s32 s1, s30  }
0xba: {  	s0 =	sor.u32 s3, s0;
	s1 =	sshll.u32 s1, $0x11  }
0xbb: {  	s0 =	sor.u32 s1, s0  }
0xbc: {  	s0 =	sadd.s32 $0x8F2B, s0  }
0xbd: {  	[sflag:s0] =	ssyncadd.remote.s32 $0x1  }
0xbe: {  	_ =	sfence.sel $0xFFFF  }
0xbf: {  	[dreg:$0x0] =	wrdreg $0xFFFFFFFF;
	(pc) =	sbr.abs _section_cstart, $3  }
0xc0: {  	[dreg:$0x1] =	wrdreg $0xFFFFFFFF  }
0xc1: {  	_ =	task.clear_ibuf [dreg:s6], $0x2FFFF;
	_ =	strace $0x9FFFFFFF  }
0xc2: {  	(tm) =	ssettm $0x7FFFFFFF  }
0xc3: {  	_ =	shalt  }
tec
execute0_lowered:
.L_overlay_start_1:
0x0: {  	(tag) =	ssettag $0x1  }
0x1: {  	s6 =	rddreg [dreg:$0x0]  }
0x2: {  	s0 =	srdreg.scid;
	s2 =	rddreg [dreg:$0x1];
	s3 =	simm.s32 $0x0  }
0x3: {  	s14 =	simm.s32 $0x3;
	s15 =	simm.s32 $0x1400;
	s16 =	simm.s32 $0x7D  }
0x4: {  	s17 =	simm.s32 $0x2800;
	s18 =	simm.s32 $0x6800;
	s19 =	simm.s32 $0x1  }
0x5: {  	s20 =	simm.s32 $0x2;
	s21 =	simm.s32 $0x1380;
	s22 =	simm.s32 $0x2700  }
0x6: {  	s23 =	simm.s32 $0x2780;
	s5 =	sand.u32 $0x1, s0;
	s0 =	stileid.u32  }
0x7: {  	s24 =	simm.s32 $0x0;
	[smem:$0x7FF] =	sst s3;
	s8 =	smul.u32 $0x14000, s0  }
0x8: {  	s4 =	sadd.s32 $0x16A00, s6;
	s1 =	sshll.u32 s5, $0x4;
	s9 =	smul.u32 $0x140000, s5  }
0x9: {  	s5 =	ssub.s32 $0x2, s5;
	s28 =	smul.u32 $0x50000, s0;
	s1 =	sor.u32 s0, s1  }
0xa: {  	s31 =	sshll.u32 s0, $0x6;
	s29 =	sshrl.u32 s5, $0x1;
	s7 =	smul.u32 $0x2800, s1  }
0xb: {  	s1 =	rddreg [dreg:$0x2];
	_ =	strace $0x8000004A;
	s26 =	sshrl.u32 s8, $0x3  }
0xc: {  	s8 =	sadd.s32 s8, s9;
	s12 =	ssub.s32 s5, s29;
	s30 =	sshrl.u32 s28, $0x2  }
0xd: {  	s8 =	sshrl.u32 s8, $0x3;
	s13 =	sadd.s32 s30, s2;
	s12 =	smax.u32 s12, $0x1  }
0xe: {  	s7 =	sshrl.u32 s7, $0x3;
	s11 =	sadd.s32 s8, s6;
	s13 =	sshrl.u32 s13, $0x3  }
0xf: {  	s10 =	sadd.s32 s7, s6;
	s7 =	sadd.s32 s26, s6;
	s6 =	sor.u32 $0x1C03, s31  }
0x10: {  	s11 =	sadd.s32 $0x65C00, s11;
	s5 =	sadd.s32 $0x3DC00, s7;
	s7 =	sadd.s32 $0x2A00, s10  }
0x11: {  	s8 =	sadd.s32 $0xCA00, s10;
	s9 =	sadd.s32 $0x2C80, s10;
	s10 =	sadd.s32 $0xCC80, s10  }
.LBB2_1:
0x12: {  	[spmem:s13], [sflag:s6] =	dma.local [hbm:s5], $0x2800  }
0x13: {  	_ =	swait.ge [sflag:s14], $0x2800  }
0x14: {  	[sflag:s14] =	ssyncset.done $0x0  }
0x15: {  	[sflag:s14] =	ssyncadd.s32 $0xFFFFD800  }
0x16: {  	[bflag:$0x0] =	sbarrier.arrive $0xFFFF  }
0x17: {  	[tilespmem:s3], [sflag:$0x3] =	stream.linear.gather [hbm4b:s7+s3], $0x1400, $0x38;
	[tilespmem:$0x1E800] =	vst v63  }
0x18: {  	_ =	swait.ge [sflag:s14], $0x1400  }
0x19: {  	[sflag:s14] =	ssyncset.done $0x0  }
0x1a: {  	[sflag:s14] =	ssyncadd.s32 $0xFFFFEC00  }
0x1b: {  	[tilespmem:s15], [sflag:$0x3] =	stream.linear.gather [hbm4b:s8+s3], $0x1400, $0x38;
	[tilespmem:$0x1E800] =	vst v63  }
0x1c: {  	_ =	swait.ge [sflag:s14], $0x1400  }
0x1d: {  	[sflag:s14] =	ssyncset.done $0x0  }
0x1e: {  	[sflag:s14] =	ssyncadd.s32 $0xFFFFEC00  }
0x1f: {  	[tilespmem:s17], [sflag:$0x1] =	stream.indirect.gather [hbm4b:s4+s16], $0x80, s3, s16, $0xb8;
	[tilespmem:$0x1E800] =	vst v63  }
0x20: {  	s25 =	simm.s32 $0x80  }
0x21: {  	[tilespmem:s18], [sflag:$0x2] =	stream.indirect.gather [hbm4b:s4+s16], $0x80, s25, s16, $0xb8;
	[tilespmem:$0x1E800] =	vst v63  }
0x22: {  	_ =	swait.ge [sflag:s19], $0x3E80  }
0x23: {  	[sflag:s19] =	ssyncset.done $0x0  }
0x24: {  	s29 =	simm.s32 $0x1400;
	[sflag:s19] =	ssyncadd.s32 $0xFFFFC180  }
0x25: {  	[spmem:s2] =	stream.indirect.scatter.add.f32 [tilespmem:s17], [sflag:$0x3], $0x80, s29, s16, $0xb8;
	[tilespmem:$0x1E800] =	vst v63  }
0x26: {  	_ =	swait.ge [sflag:s14], $0x3E80  }
0x27: {  	[sflag:s14] =	ssyncset.done $0x0  }
0x28: {  	s30 =	simm.s32 $0x100;
	[sflag:s14] =	ssyncadd.s32 $0xFFFFC180  }
0x29: {  	[tilespmem:s17], [sflag:$0x1] =	stream.indirect.gather [hbm4b:s4+s16], $0x80, s30, s16, $0xb8;
	[tilespmem:$0x1E800] =	vst v63  }
0x2a: {  	_ =	swait.ge [sflag:s20], $0x3E80  }
0x2b: {  	[sflag:s20] =	ssyncset.done $0x0  }
0x2c: {  	s31 =	simm.s32 $0x1480;
	[sflag:s20] =	ssyncadd.s32 $0xFFFFC180  }
0x2d: {  	[spmem:s2] =	stream.indirect.scatter.add.f32 [tilespmem:s18], [sflag:$0x3], $0x80, s31, s16, $0xb8;
	[tilespmem:$0x1E800] =	vst v63  }
0x2e: {  	_ =	swait.ge [sflag:s14], $0x3E80  }
0x2f: {  	s26 =	simm.s32 $0x800;
	s25 =	simm.s32 $0x100;
	[sflag:s14] =	ssyncset.done $0x0  }
.LBB2_2:
0x30: {  	s28 =	sadd.s32 $0x80, s25  }
0x31: {  	[sflag:s14] =	ssyncadd.s32 $0xFFFFC180;
	s29 =	smov.u32 s26;
	s30 =	sadd.s32 $0x400, s26  }
0x32: {  	[tilespmem:s18], [sflag:$0x2] =	stream.indirect.gather [hbm4b:s4+s16], $0x80, s28, s16, $0xb8;
	[tilespmem:$0x1E800] =	vst v63  }
0x33: {  	p0 =	sne.s32 s26, $0x4800;
	_ =	swait.ge [sflag:s19], $0x3E80  }
0x34: {  	[sflag:s19] =	ssyncset.done $0x0  }
0x35: {  	s26 =	sadd.s32 $0x1400, s25;
	[sflag:s19] =	ssyncadd.s32 $0xFFFFC180  }
0x36: {  	[spmem:s2] =	stream.indirect.scatter.add.f32 [tilespmem:s17], [sflag:$0x3], $0x80, s26, s16, $0xb8;
	[tilespmem:$0x1E800] =	vst v63  }
0x37: {  	_ =	swait.ge [sflag:s14], $0x3E80  }
0x38: {  	[sflag:s14] =	ssyncset.done $0x0  }
0x39: {  	s26 =	sadd.s32 $0x100, s25;
	[sflag:s14] =	ssyncadd.s32 $0xFFFFC180  }
0x3a: {  	[tilespmem:s17], [sflag:$0x1] =	stream.indirect.gather [hbm4b:s4+s16], $0x80, s26, s16, $0xb8;
	[tilespmem:$0x1E800] =	vst v63  }
0x3b: {  	_ =	swait.ge [sflag:s20], $0x3E80  }
.Ltmp0:
0x3c: {  	[sflag:s20] =	ssyncset.done $0x0;
	(pc) =	sbr.rel @p0 .LBB2_2-.Ltmp0, $4  }
0x3d: {  	s25 =	sadd.s32 $0x1480, s25;
	[sflag:s20] =	ssyncadd.s32 $0xFFFFC180  }
0x3e: {  	[spmem:s2] =	stream.indirect.scatter.add.f32 [tilespmem:s18], [sflag:$0x3], $0x80, s25, s16, $0xb8;
	[tilespmem:$0x1E800] =	vst v63  }
0x3f: {  	_ =	swait.ge [sflag:s14], $0x3E80  }
0x40: {  	s26 =	smov.u32 s30;
	s25 =	sshra.s32 s29, $0x2;
	[sflag:s14] =	ssyncset.done $0x0  }
0x41: {  	s26 =	sadd.s32 $0x80, s25;
	[sflag:s14] =	ssyncadd.s32 $0xFFFFC180  }
0x42: {  	[tilespmem:s18], [sflag:$0x2] =	stream.indirect.gather [hbm4b:s4+s16], $0x80, s26, s16, $0xb8;
	[tilespmem:$0x1E800] =	vst v63  }
0x43: {  	_ =	swait.ge [sflag:s19], $0x3E80  }
0x44: {  	[sflag:s19] =	ssyncset.done $0x0  }
0x45: {  	s29 =	sadd.s32 $0x1400, s25;
	[sflag:s19] =	ssyncadd.s32 $0xFFFFC180  }
0x46: {  	[spmem:s2] =	stream.indirect.scatter.add.f32 [tilespmem:s17], [sflag:$0x3], $0x80, s29, s16, $0xb8;
	[tilespmem:$0x1E800] =	vst v63  }
0x47: {  	_ =	swait.ge [sflag:s14], $0x3E80  }
0x48: {  	[sflag:s14] =	ssyncset.done $0x0  }
0x49: {  	s30 =	sadd.s32 $0x100, s25;
	[sflag:s14] =	ssyncadd.s32 $0xFFFFC180  }
0x4a: {  	[tilespmem:s17], [sflag:$0x1] =	stream.indirect.gather [hbm4b:s4+s16], $0x80, s30, s16, $0xb8;
	[tilespmem:$0x1E800] =	vst v63  }
0x4b: {  	_ =	swait.ge [sflag:s20], $0x3E80  }
0x4c: {  	[sflag:s20] =	ssyncset.done $0x0  }
0x4d: {  	s31 =	sadd.s32 $0x1480, s25;
	[sflag:s20] =	ssyncadd.s32 $0xFFFFC180  }
0x4e: {  	[spmem:s2] =	stream.indirect.scatter.add.f32 [tilespmem:s18], [sflag:$0x3], $0x80, s31, s16, $0xb8;
	[tilespmem:$0x1E800] =	vst v63  }
0x4f: {  	_ =	swait.ge [sflag:s14], $0x3E80  }
0x50: {  	[sflag:s14] =	ssyncset.done $0x0  }
0x51: {  	[sflag:s14] =	ssyncadd.s32 $0xFFFFC180  }
0x52: {  	[tilespmem:s18], [sflag:$0x2] =	stream.indirect.gather [hbm4b:s4+s16], $0x80, s21, s16, $0xb8;
	[tilespmem:$0x1E800] =	vst v63  }
0x53: {  	_ =	swait.ge [sflag:s19], $0x3E80  }
0x54: {  	[sflag:s19] =	ssyncset.done $0x0  }
0x55: {  	[sflag:s19] =	ssyncadd.s32 $0xFFFFC180  }
0x56: {  	[spmem:s2] =	stream.indirect.scatter.add.f32 [tilespmem:s17], [sflag:$0x3], $0x80, s22, s16, $0xb8;
	[tilespmem:$0x1E800] =	vst v63  }
0x57: {  	_ =	swait.ge [sflag:s14], $0x3E80  }
0x58: {  	[sflag:s14] =	ssyncset.done $0x0  }
0x59: {  	[sflag:s14] =	ssyncadd.s32 $0xFFFFC180  }
0x5a: {  	_ =	swait.ge [sflag:s20], $0x3E80  }
0x5b: {  	[sflag:s20] =	ssyncset.done $0x0  }
0x5c: {  	[sflag:s20] =	ssyncadd.s32 $0xFFFFC180  }
0x5d: {  	[spmem:s2] =	stream.indirect.scatter.add.f32 [tilespmem:s18], [sflag:$0x3], $0x80, s23, s16, $0xb8;
	[tilespmem:$0x1E800] =	vst v63  }
0x5e: {  	_ =	swait.ge [sflag:s14], $0x3E80  }
0x5f: {  	[sflag:s14] =	ssyncset.done $0x0  }
0x60: {  	s26 =	simm.s32 $0x0;
	[sflag:s14] =	ssyncadd.s32 $0xFFFFC180  }
0x61: {  	[tilespmem:s26], [sflag:$0x3] =	stream.linear.gather [hbm4b:s9+s26], $0x1400, $0x38;
	[tilespmem:$0x1E800] =	vst v63  }
0x62: {  	_ =	swait.ge [sflag:s14], $0x1400  }
0x63: {  	[sflag:s14] =	ssyncset.done $0x0  }
0x64: {  	[sflag:s14] =	ssyncadd.s32 $0xFFFFEC00  }
0x65: {  	[tilespmem:s15], [sflag:$0x3] =	stream.linear.gather [hbm4b:s10+s26], $0x1400, $0x38;
	[tilespmem:$0x1E800] =	vst v63  }
0x66: {  	_ =	swait.ge [sflag:s14], $0x1400  }
0x67: {  	[sflag:s14] =	ssyncset.done $0x0  }
0x68: {  	[sflag:s14] =	ssyncadd.s32 $0xFFFFEC00  }
0x69: {  	[tilespmem:s17], [sflag:$0x1] =	stream.indirect.gather [hbm4b:s4+s16], $0x80, s26, s16, $0xb8;
	[tilespmem:$0x1E800] =	vst v63  }
0x6a: {  	s28 =	simm.s32 $0x80  }
0x6b: {  	[tilespmem:s18], [sflag:$0x2] =	stream.indirect.gather [hbm4b:s4+s16], $0x80, s28, s16, $0xb8;
	[tilespmem:$0x1E800] =	vst v63  }
0x6c: {  	_ =	swait.ge [sflag:s19], $0x3E80  }
0x6d: {  	[sflag:s19] =	ssyncset.done $0x0  }
0x6e: {  	s29 =	simm.s32 $0x1400;
	[sflag:s19] =	ssyncadd.s32 $0xFFFFC180  }
0x6f: {  	[spmem:s2] =	stream.indirect.scatter.add.f32 [tilespmem:s17], [sflag:$0x3], $0x80, s29, s16, $0xb8;
	[tilespmem:$0x1E800] =	vst v63  }
0x70: {  	_ =	swait.ge [sflag:s14], $0x3E80  }
0x71: {  	[sflag:s14] =	ssyncset.done $0x0  }
0x72: {  	s30 =	simm.s32 $0x100;
	[sflag:s14] =	ssyncadd.s32 $0xFFFFC180  }
0x73: {  	[tilespmem:s17], [sflag:$0x1] =	stream.indirect.gather [hbm4b:s4+s16], $0x80, s30, s16, $0xb8;
	[tilespmem:$0x1E800] =	vst v63  }
0x74: {  	_ =	swait.ge [sflag:s20], $0x3E80  }
0x75: {  	[sflag:s20] =	ssyncset.done $0x0  }
0x76: {  	s31 =	simm.s32 $0x1480;
	[sflag:s20] =	ssyncadd.s32 $0xFFFFC180  }
0x77: {  	[spmem:s2] =	stream.indirect.scatter.add.f32 [tilespmem:s18], [sflag:$0x3], $0x80, s31, s16, $0xb8;
	[tilespmem:$0x1E800] =	vst v63  }
0x78: {  	_ =	swait.ge [sflag:s14], $0x3E80  }
0x79: {  	s25 =	simm.s32 $0x100;
	s26 =	simm.s32 $0x800;
	[sflag:s14] =	ssyncset.done $0x0  }
.LBB2_4:
0x7a: {  	s28 =	sadd.s32 $0x80, s25  }
0x7b: {  	[sflag:s14] =	ssyncadd.s32 $0xFFFFC180;
	s29 =	smov.u32 s26;
	s30 =	sadd.s32 $0x400, s26  }
0x7c: {  	[tilespmem:s18], [sflag:$0x2] =	stream.indirect.gather [hbm4b:s4+s16], $0x80, s28, s16, $0xb8;
	[tilespmem:$0x1E800] =	vst v63  }
0x7d: {  	p0 =	sne.s32 s26, $0x4800;
	_ =	swait.ge [sflag:s19], $0x3E80  }
0x7e: {  	[sflag:s19] =	ssyncset.done $0x0  }
0x7f: {  	s26 =	sadd.s32 $0x1400, s25;
	[sflag:s19] =	ssyncadd.s32 $0xFFFFC180  }
0x80: {  	[spmem:s2] =	stream.indirect.scatter.add.f32 [tilespmem:s17], [sflag:$0x3], $0x80, s26, s16, $0xb8;
	[tilespmem:$0x1E800] =	vst v63  }
0x81: {  	_ =	swait.ge [sflag:s14], $0x3E80  }
0x82: {  	[sflag:s14] =	ssyncset.done $0x0  }
0x83: {  	s26 =	sadd.s32 $0x100, s25;
	[sflag:s14] =	ssyncadd.s32 $0xFFFFC180  }
0x84: {  	[tilespmem:s17], [sflag:$0x1] =	stream.indirect.gather [hbm4b:s4+s16], $0x80, s26, s16, $0xb8;
	[tilespmem:$0x1E800] =	vst v63  }
0x85: {  	_ =	swait.ge [sflag:s20], $0x3E80  }
.Ltmp1:
0x86: {  	[sflag:s20] =	ssyncset.done $0x0;
	(pc) =	sbr.rel @p0 .LBB2_4-.Ltmp1, $4  }
0x87: {  	s25 =	sadd.s32 $0x1480, s25;
	[sflag:s20] =	ssyncadd.s32 $0xFFFFC180  }
0x88: {  	[spmem:s2] =	stream.indirect.scatter.add.f32 [tilespmem:s18], [sflag:$0x3], $0x80, s25, s16, $0xb8;
	[tilespmem:$0x1E800] =	vst v63  }
0x89: {  	_ =	swait.ge [sflag:s14], $0x3E80  }
0x8a: {  	s26 =	smov.u32 s30;
	s25 =	sshra.s32 s29, $0x2;
	[sflag:s14] =	ssyncset.done $0x0  }
0x8b: {  	s26 =	sadd.s32 $0x80, s25;
	[sflag:s14] =	ssyncadd.s32 $0xFFFFC180  }
0x8c: {  	[tilespmem:s18], [sflag:$0x2] =	stream.indirect.gather [hbm4b:s4+s16], $0x80, s26, s16, $0xb8;
	[tilespmem:$0x1E800] =	vst v63  }
0x8d: {  	_ =	swait.ge [sflag:s19], $0x3E80  }
0x8e: {  	[sflag:s19] =	ssyncset.done $0x0  }
0x8f: {  	s29 =	sadd.s32 $0x1400, s25;
	[sflag:s19] =	ssyncadd.s32 $0xFFFFC180  }
0x90: {  	[spmem:s2] =	stream.indirect.scatter.add.f32 [tilespmem:s17], [sflag:$0x3], $0x80, s29, s16, $0xb8;
	[tilespmem:$0x1E800] =	vst v63  }
0x91: {  	_ =	swait.ge [sflag:s14], $0x3E80  }
0x92: {  	[sflag:s14] =	ssyncset.done $0x0  }
0x93: {  	s30 =	sadd.s32 $0x100, s25;
	[sflag:s14] =	ssyncadd.s32 $0xFFFFC180  }
0x94: {  	[tilespmem:s17], [sflag:$0x1] =	stream.indirect.gather [hbm4b:s4+s16], $0x80, s30, s16, $0xb8;
	[tilespmem:$0x1E800] =	vst v63  }
0x95: {  	_ =	swait.ge [sflag:s20], $0x3E80  }
0x96: {  	[sflag:s20] =	ssyncset.done $0x0  }
0x97: {  	s31 =	sadd.s32 $0x1480, s25;
	[sflag:s20] =	ssyncadd.s32 $0xFFFFC180  }
0x98: {  	[spmem:s2] =	stream.indirect.scatter.add.f32 [tilespmem:s18], [sflag:$0x3], $0x80, s31, s16, $0xb8;
	[tilespmem:$0x1E800] =	vst v63  }
0x99: {  	_ =	swait.ge [sflag:s14], $0x3E80  }
0x9a: {  	[sflag:s14] =	ssyncset.done $0x0  }
0x9b: {  	[sflag:s14] =	ssyncadd.s32 $0xFFFFC180  }
0x9c: {  	[tilespmem:s18], [sflag:$0x2] =	stream.indirect.gather [hbm4b:s4+s16], $0x80, s21, s16, $0xb8;
	[tilespmem:$0x1E800] =	vst v63  }
0x9d: {  	_ =	swait.ge [sflag:s19], $0x3E80  }
0x9e: {  	[sflag:s19] =	ssyncset.done $0x0  }
0x9f: {  	[sflag:s19] =	ssyncadd.s32 $0xFFFFC180  }
0xa0: {  	[spmem:s2] =	stream.indirect.scatter.add.f32 [tilespmem:s17], [sflag:$0x3], $0x80, s22, s16, $0xb8;
	[tilespmem:$0x1E800] =	vst v63  }
0xa1: {  	_ =	swait.ge [sflag:s14], $0x3E80  }
0xa2: {  	[sflag:s14] =	ssyncset.done $0x0  }
0xa3: {  	[sflag:s14] =	ssyncadd.s32 $0xFFFFC180  }
0xa4: {  	_ =	swait.ge [sflag:s20], $0x3E80  }
0xa5: {  	[sflag:s20] =	ssyncset.done $0x0  }
0xa6: {  	[sflag:s20] =	ssyncadd.s32 $0xFFFFC180  }
0xa7: {  	[spmem:s2] =	stream.indirect.scatter.add.f32 [tilespmem:s18], [sflag:$0x3], $0x80, s23, s16, $0xb8;
	[tilespmem:$0x1E800] =	vst v63  }
0xa8: {  	_ =	swait.ge [sflag:s14], $0x3E80  }
0xa9: {  	s24 =	sadd.s32 $0x1, s24;
	[sflag:s14] =	ssyncset.done $0x0  }
0xaa: {  	p0 =	sne.s32 s24, s12;
	[sflag:s14] =	ssyncadd.s32 $0xFFFFC180  }
.Ltmp2:
0xab: {  	[bflag:$0x0] =	sbarrier.arrive $0xFFFF;
	(pc) =	sbr.rel @p0 .LBB2_1-.Ltmp2, $4  }
0xac: {  	[hbm:s11], [sflag:s6] =	dma.local [spmem:s13], $0x2800  }
0xad: {  	_ =	swait.ge [sflag:s14], $0x2800  }
0xae: {  	[sflag:s14] =	ssyncset.done $0x0  }
0xaf: {  	[sflag:s14] =	ssyncadd.s32 $0xFFFFD800  }
0xb0: {  	_ =	sfence.sel $0x180000  }
0xb1: {  	[bflag:$0x0] =	sbarrier.arrive $0xFFFF  }
0xb2: {  	p0 =	sne.s32 s0, $0x0;
	_ =	strace $0x9000004A  }
0xb3: {  	s0 =	sadd.s32 @!p0 $0x100000, s1;
	[bflag:$0x2] =	sbarrier.arrive $0xFFFF  }
0xb4: {  	[sflag:s0] =	ssyncadd.tile.s32 @!p0 $0x1;
	_ =	shalt  }
.Lfunc_end2:
_tile_overlayer_lowered:
.L_overlay_start_2:
0xb5: {  	(tag) =	ssettag $0x2  }
0xb6: {  	s0 =	rddreg [dreg:$0x0];
	s2 =	stileid.u32  }
0xb7: {  	s1 =	rddreg [dreg:$0x1];
	p0 =	sne.s32 s2, $0x0  }
0xb8: {  	s3 =	rddreg [dreg:$0x2];
	[bflag:$0x3] =	sbarrier.arrive $0xFFFF;
	s2 =	simm.s32 @!p0 $0x1C03  }
0xb9: {  	[timem:s3], [sflag:s2] =	dma.local @!p0 [hbm:s0], s1  }
0xba: {  	s0 =	simm.s32 @!p0 $0x3  }
0xbb: {  	_ =	swait.ge @!p0 [sflag:s0], s1  }
0xbc: {  	s1 =	ssub.s32 @!p0 $0x0, s1;
	[sflag:s0] =	ssyncset.done @!p0 $0x0  }
0xbd: {  	[sflag:s0] =	ssyncadd.s32 @!p0 s1  }
0xbe: {  	[bflag:$0x3] =	sbarrier.arrive $0xFFFF  }
0xbf: {  	_ =	shalt  }

// kernel: kernel.15.cloned.1.call-start
scs
__scs_entry_jumppad:
0x0: {  	(pc) =	sbr.rel $0x88, $3  }
0x1: {  	(tag) =	ssettag $0x0;
	lr =	simm.s32 $0x1  }
0x2: {  	[smem:$0x3F97] =	sst lr;
	_ =	strace $0xD0000000  }
0x3: {  	_ = 	snop  }
0x4: {  	_ = 	snop  }
0x5: {  	_ = 	snop  }
0x6: {  	_ = 	snop  }
0x7: {  	_ = 	snop  }
__scs_overlays_trampoline_lowered:
0x8: {  	[smem:$0x3FA6] =	sst s0  }
0x9: {  	[smem:$0x3FA7] =	sst s1  }
0xa: {  	[smem:$0x3FA8] =	sst s2  }
0xb: {  	[smem:$0x3FA9] =	sst s3  }
0xc: {  	[smem:$0x3FAA] =	sst s4  }
0xd: {  	[smem:$0x3FAB] =	sst s5  }
0xe: {  	[smem:$0x3FAC] =	sst s6  }
0xf: {  	[smem:$0x3FAD] =	sst s7  }
0x10: {  	[smem:$0x3FAE] =	sst s8  }
0x11: {  	[smem:$0x3FAF] =	sst s9;
	s0 =	simm.s32 @!p0 $0x0  }
0x12: {  	s1 =	sld [smem:$0x3F95];
	s0 =	simm.s32 @p0 $0x1  }
0x13: {  	[smem:$0x3FB0] =	sst s0;
	s0 =	simm.s32 @!p1 $0x0  }
0x14: {  	s2 =	sld [smem:$0x3F94];
	s0 =	simm.s32 @p1 $0x1  }
0x15: {  	[smem:$0x3FB1] =	sst s0;
	s0 =	simm.s32 @!p2 $0x0  }
0x16: {  	s3 =	sld [smem:$0x3FDB];
	s0 =	simm.s32 @p2 $0x1  }
0x17: {  	s4 =	simm.s32 $0x1BF5;
	[smem:$0x3FB3] =	sst s0  }
0x18: {  	s0 =	sld [smem:$0x3F96];
	_ =	swait.ge [sflag:s4], $0x0  }
0x19: {  	s7 =	sld [smem:$0x3F97]  }
0x1a: {  	s8 =	sadd.s32 $0xFFFFE003, lr  }
0x1b: {  	s9 =	sadd.s32 $0xFFFFFEF7, lr;
	s5 =	simm.s32 $0xFFFFFFFF;
	p2 =	slt.u32 s8, $0xFFFFF086  }
0x1c: {  	p1 =	slt.u32 s9, $0xF7A;
	s5 =	simm.s32 @!p2 $0x0  }
0x1d: {  	s5 =	simm.s32 @p1 $0x1;
	p0 =	seq.s32 s7, s2  }
0x1e: {  	s7 =	smul.u32 @!p0 $0xF7A, s2;
	p2 =	seq.s32 @!p0 s5, $0x0  }
0x1f: {  	s9 =	smul.u32 $0xF7A, s1;
	s8 =	simm.s32 @!p0 $0x1BF5;
	p2 =	por !p2, p0  }
0x20: {  	[sflag:s8] =	ssyncset.s32 @!p0 $0xFFFFF086;
	s6 =	sadd.s32 @!p0 s3, s7;
	s7 =	simm.s32 @!p0 $0x108  }
0x21: {  	s3 =	sadd.s32 s3, s9;
	s6 =	sadd.s32 @!p0 $0x88, s6;
	s7 =	simm.s32 @p2 $0x1082  }
0x22: {  	[simem:s7], [sflag:s8] =	dma.local @!p0 [hbm:s6], $0xF7A  }
0x23: {  	s9 =	sor.u32 $0xD0000000, s2;
	s6 =	simm.s32 $0x108;
	_ =	swait.ge @!p0 [sflag:s8], $0x0  }
0x24: {  	s3 =	sadd.s32 $0x88, s3;
	s6 =	simm.s32 @!p1 $0x1082;
	[sflag:s4] =	ssyncset.s32 $0xFFFFF086  }
0x25: {  	[simem:s6], [sflag:s4] =	dma.local [hbm:s3], $0xF7A  }
0x26: {  	[smem:$0x3F97] =	sst s1;
	(tag) =	ssettag s2;
	_ =	strace s9  }
0x27: {  	s1 =	sld [smem:$0x3FA7]  }
0x28: {  	s2 =	sld [smem:$0x3FA8]  }
0x29: {  	s4 =	sld [smem:$0x3FAA]  }
0x2a: {  	p0 =	seq.s32 s5, $0x0;
	s5 =	sld [smem:$0x3FAB]  }
0x2b: {  	s6 =	sld [smem:$0x3FAC]  }
0x2c: {  	s7 =	sld [smem:$0x3FAD]  }
0x2d: {  	s3 =	simm.s32 $0x108;
	s8 =	sld [smem:$0x3FAE]  }
0x2e: {  	s3 =	simm.s32 @!p0 $0x1082;
	s9 =	sld [smem:$0x3FAF]  }
0x2f: {  	lr =	sadd.s32 s0, s3;
	s0 =	sld [smem:$0x3FA6]  }
0x30: {  	s3 =	sld [smem:$0x3FA9]  }
0x31: {  	[smem:$0x3FB2] =	sst s10  }
0x32: {  	s10 =	sld [smem:$0x3FB0];
	_ =	sdelay $0x3  }
0x33: {  	p0 =	seq.s32 s10, $0x1;
	s10 =	sld [smem:$0x3FB2];
	_ =	sdelay $0x3  }
0x34: {  	[smem:$0x3FB2] =	sst s10  }
0x35: {  	s10 =	sld [smem:$0x3FB1];
	_ =	sdelay $0x3  }
0x36: {  	p1 =	seq.s32 s10, $0x1;
	s10 =	sld [smem:$0x3FB2];
	_ =	sdelay $0x3  }
0x37: {  	[smem:$0x3FB2] =	sst s10  }
0x38: {  	s10 =	sld [smem:$0x3FB3]  }
0x39: {  	_ = 	snop;
	(pc) =	sbr.ind lr, $3  }
0x3a: {  	_ = 	snop  }
0x3b: {  	_ = 	snop  }
0x3c: {  	p2 =	seq.s32 s10, $0x1;
	s10 =	sld [smem:$0x3FB2]  }
0x3d: {  	_ =	shalt  }
0x3e: {  	_ =	shalt  }
0x3f: {  	_ =	shalt  }
0x40: {  	_ =	shalt  }
0x41: {  	_ =	shalt  }
0x42: {  	_ =	shalt  }
0x43: {  	_ =	shalt  }
0x44: {  	_ =	shalt  }
0x45: {  	_ =	shalt  }
0x46: {  	_ =	shalt  }
0x47: {  	_ =	shalt  }
0x48: {  	_ =	shalt  }
0x49: {  	_ =	shalt  }
0x4a: {  	_ =	shalt  }
0x4b: {  	_ =	shalt  }
0x4c: {  	_ =	shalt  }
0x4d: {  	_ =	shalt  }
0x4e: {  	_ =	shalt  }
0x4f: {  	_ =	shalt  }
0x50: {  	_ =	shalt  }
0x51: {  	_ =	shalt  }
0x52: {  	_ =	shalt  }
0x53: {  	_ =	shalt  }
0x54: {  	_ =	shalt  }
0x55: {  	_ =	shalt  }
0x56: {  	_ =	shalt  }
0x57: {  	_ =	shalt  }
0x58: {  	_ =	shalt  }
0x59: {  	_ =	shalt  }
0x5a: {  	_ =	shalt  }
0x5b: {  	_ =	shalt  }
0x5c: {  	_ =	shalt  }
0x5d: {  	_ =	shalt  }
0x5e: {  	_ =	shalt  }
0x5f: {  	_ =	shalt  }
0x60: {  	_ =	shalt  }
0x61: {  	_ =	shalt  }
0x62: {  	_ =	shalt  }
0x63: {  	_ =	shalt  }
0x64: {  	_ =	shalt  }
0x65: {  	_ =	shalt  }
0x66: {  	_ =	shalt  }
0x67: {  	_ =	shalt  }
0x68: {  	_ =	shalt  }
0x69: {  	_ =	shalt  }
0x6a: {  	_ =	shalt  }
0x6b: {  	_ =	shalt  }
0x6c: {  	_ =	shalt  }
0x6d: {  	_ =	shalt  }
0x6e: {  	_ =	shalt  }
0x6f: {  	_ =	shalt  }
0x70: {  	_ =	shalt  }
0x71: {  	_ =	shalt  }
0x72: {  	_ =	shalt  }
0x73: {  	_ =	shalt  }
0x74: {  	_ =	shalt  }
0x75: {  	_ =	shalt  }
0x76: {  	_ =	shalt  }
0x77: {  	_ =	shalt  }
0x78: {  	_ =	shalt  }
0x79: {  	_ =	shalt  }
0x7a: {  	_ =	shalt  }
0x7b: {  	_ =	shalt  }
0x7c: {  	_ =	shalt  }
0x7d: {  	_ =	shalt  }
0x7e: {  	_ =	shalt  }
0x7f: {  	_ =	shalt  }
0x80: {  	_ =	shalt  }
0x81: {  	_ =	shalt  }
0x82: {  	_ =	shalt  }
0x83: {  	_ =	shalt  }
0x84: {  	_ =	shalt  }
0x85: {  	_ =	shalt  }
0x86: {  	_ =	shalt  }
0x87: {  	_ =	shalt  }
.Lfunc_end0:
.L_simem_size_0:
called_computation.2_lowered:
.L_overlay_start_0:
0x88: {  	s2 =	sld [smem:$0x3FD9]  }
0x89: {  	s3 =	sld [smem:$0x3FFE];
	_ =	sdelay $0x1  }
0x8a: {  	s1 =	srdreg.scid  }
0x8b: {  	s0 =	sand.u32 $0x1, s1  }
0x8c: {  	s16 =	sshll.u32 s0, $0xA;
	s2 =	sadd.s32 s3, s2  }
0x8d: {  	s2 =	sadd.s32 s2, s16  }
0x8e: {  	[smem:$0x3FBE] =	sst s2  }
0x8f: {  	_ = 	snop  }
0x90: {  	(tm) =	ssettm $0x1  }
0x91: {  	s17 =	sld [smem:$0x3FFB];
	_ =	sdelay $0x3  }
0x92: {  	_ =	strace s17  }
0x93: {  	s2 =	sld [smem:$0x3FFC];
	_ =	sdelay $0x3  }
0x94: {  	_ =	strace s2  }
0x95: {  	s2 =	sld [smem:$0x3FFD];
	_ =	sdelay $0x3  }
0x96: {  	_ =	strace s2  }
0x97: {  	_ =	strace $0x8FFFFFFF  }
0x98: {  	s18 =	sld [smem:$0x3FDB];
	_ =	sdelay $0x1  }
0x99: {  	s19 =	simm.s32 $_scs_section_size  }
0x9a: {  	s4 =	simm.s32 $_size__tile_overlayer_lowered;
	s5 =	simm.s32 $_tile_overlayer_lowered  }
0x9b: {  	s22 =	simm.s32 $0x1BFF;
	s21 =	sshll.u32 s5, $0x1;
	s2 =	sadd.s32 s19, s18  }
0x9c: {  	s6 =	simm.s32 $0x0;
	s20 =	sshll.u32 s4, $0x1;
	s4 =	sadd.s32 s21, s2  }
0x9d: {  	[timem:s6], [sflag:s22] =	dma.local [hbm:s4], s20  }
0x9e: {  	_ =	swait.ge [sflag:s22], s20  }
0x9f: {  	s3 =	ssub.s32 $0x0, s20;
	[sflag:s22] =	ssyncset.done $0x0  }
0xa0: {  	[sflag:s22] =	ssyncadd.s32 s3;
	_ =	sdelay $0x1  }
0xa1: {  	s23 =	simm.s32 $0x1B8B  }
0xa2: {  	_ =	swait.ge [sflag:s23], $0x1  }
0xa3: {  	[sflag:s23] =	ssyncset.done $0x0  }
0xa4: {  	s25 =	simm.s32 $0x1B8E;
	s24 =	sld [smem:$0x3FFE];
	[sflag:s23] =	ssyncadd.s32 $0xFFFFFFFF  }
0xa5: {  	s26 =	simm.s32 $execute0_lowered;
	[smem:$0x3FD2] =	sst s25  }
0xa6: {  	s4 =	sshll.u32 s26, $0x1;
	_ =	strace $0x8000004C;
	[dreg:$0x1] =	wrdreg $0xFFFFFFFF  }
0xa7: {  	s28 =	simm.s32 $_size_execute0_lowered;
	s2 =	sadd.s32 s2, s4;
	[dreg:$0x0] =	wrdreg $0x0  }
0xa8: {  	s4 =	sshll.u32 s28, $0x1;
	[dreg:$0x2] =	wrdreg s2  }
0xa9: {  	[dreg:$0x3] =	wrdreg s4  }
0xaa: {  	[dreg:$0x4] =	wrdreg $0xC0  }
0xab: {  	_ =	task [dreg:s6], $0x5FFFF  }
0xac: {  	[dreg:$0x1] =	wrdreg $0xFFFFFFFF  }
0xad: {  	[dreg:$0x0] =	wrdreg $0x60  }
0xae: {  	[dreg:$0x2] =	wrdreg s24  }
0xaf: {  	[dreg:$0x3] =	wrdreg $0xA8000  }
0xb0: {  	[dreg:$0x4] =	wrdreg $0x9  }
0xb1: {  	_ =	task.clear_ibuf [dreg:s6], $0x5FFFF;
	_ =	strace $0x9000004C  }
0xb2: {  	s29 =	simm.s32 $0x9;
	_ =	strace $0x8000004E  }
0xb3: {  	_ =	swait.ge [sflag:s29], $0x1  }
0xb4: {  	[sflag:s29] =	ssyncadd.s32 $0xFFFFFFFF  }
0xb5: {  	_ =	strace $0x9000004E  }
0xb6: {  	_ =	sfence  }
0xb7: {  	s30 =	sld [smem:$0x0];
	_ =	sdelay $0x2  }
0xb8: {  	s31 =	sshll.u32 s1, $0xD;
	s1 =	sshrl.u32 s1, $0x2  }
0xb9: {  	s3 =	sand.u32 $0x4000, s31;
	s1 =	sadd.s32 s1, s30  }
0xba: {  	s0 =	sor.u32 s3, s0;
	s1 =	sshll.u32 s1, $0x11  }
0xbb: {  	s0 =	sor.u32 s1, s0  }
0xbc: {  	s0 =	sadd.s32 $0x8F2B, s0  }
0xbd: {  	[sflag:s0] =	ssyncadd.remote.s32 $0x1  }
0xbe: {  	_ =	sfence.sel $0xFFFF  }
0xbf: {  	[dreg:$0x0] =	wrdreg $0xFFFFFFFF;
	(pc) =	sbr.abs _section_cstart, $3  }
0xc0: {  	[dreg:$0x1] =	wrdreg $0xFFFFFFFF  }
0xc1: {  	_ =	task.clear_ibuf [dreg:s6], $0x2FFFF;
	_ =	strace $0x9FFFFFFF  }
0xc2: {  	(tm) =	ssettm $0x7FFFFFFF  }
0xc3: {  	_ =	shalt  }
tec
execute0_lowered:
.L_overlay_start_1:
0x0: {  	(tag) =	ssettag $0x1  }
0x1: {  	s6 =	rddreg [dreg:$0x0]  }
0x2: {  	s0 =	srdreg.scid;
	s2 =	rddreg [dreg:$0x1];
	s3 =	simm.s32 $0x0  }
0x3: {  	s14 =	simm.s32 $0x3;
	s15 =	simm.s32 $0x1400;
	s16 =	simm.s32 $0x7D  }
0x4: {  	s17 =	simm.s32 $0x2800;
	s18 =	simm.s32 $0x6800;
	s19 =	simm.s32 $0x1  }
0x5: {  	s20 =	simm.s32 $0x2;
	s21 =	simm.s32 $0x1380;
	s22 =	simm.s32 $0x2700  }
0x6: {  	s23 =	simm.s32 $0x2780;
	s5 =	sand.u32 $0x1, s0;
	s0 =	stileid.u32  }
0x7: {  	s24 =	simm.s32 $0x0;
	[smem:$0x7FF] =	sst s3;
	s8 =	smul.u32 $0x14000, s0  }
0x8: {  	s4 =	sadd.s32 $0x16A00, s6;
	s1 =	sshll.u32 s5, $0x4;
	s9 =	smul.u32 $0x140000, s5  }
0x9: {  	s5 =	ssub.s32 $0x2, s5;
	s28 =	smul.u32 $0x50000, s0;
	s1 =	sor.u32 s0, s1  }
0xa: {  	s31 =	sshll.u32 s0, $0x6;
	s29 =	sshrl.u32 s5, $0x1;
	s7 =	smul.u32 $0x2800, s1  }
0xb: {  	s1 =	rddreg [dreg:$0x2];
	_ =	strace $0x8000004D;
	s26 =	sshrl.u32 s8, $0x3  }
0xc: {  	s8 =	sadd.s32 s8, s9;
	s12 =	ssub.s32 s5, s29;
	s30 =	sshrl.u32 s28, $0x2  }
0xd: {  	s8 =	sshrl.u32 s8, $0x3;
	s13 =	sadd.s32 s30, s2;
	s12 =	smax.u32 s12, $0x1  }
0xe: {  	s7 =	sshrl.u32 s7, $0x3;
	s11 =	sadd.s32 s8, s6;
	s13 =	sshrl.u32 s13, $0x3  }
0xf: {  	s10 =	sadd.s32 s7, s6;
	s7 =	sadd.s32 s26, s6;
	s6 =	sor.u32 $0x1C03, s31  }
0x10: {  	s11 =	sadd.s32 $0x65C00, s11;
	s5 =	sadd.s32 $0x3DC00, s7;
	s7 =	sadd.s32 $0x2A00, s10  }
0x11: {  	s8 =	sadd.s32 $0xCA00, s10;
	s9 =	sadd.s32 $0x2C80, s10;
	s10 =	sadd.s32 $0xCC80, s10  }
.LBB2_1:
0x12: {  	[spmem:s13], [sflag:s6] =	dma.local [hbm:s5], $0x2800  }
0x13: {  	_ =	swait.ge [sflag:s14], $0x2800  }
0x14: {  	[sflag:s14] =	ssyncset.done $0x0  }
0x15: {  	[sflag:s14] =	ssyncadd.s32 $0xFFFFD800  }
0x16: {  	[bflag:$0x0] =	sbarrier.arrive $0xFFFF  }
0x17: {  	[tilespmem:s3], [sflag:$0x3] =	stream.linear.gather [hbm4b:s7+s3], $0x1400, $0x38;
	[tilespmem:$0x1E800] =	vst v63  }
0x18: {  	_ =	swait.ge [sflag:s14], $0x1400  }
0x19: {  	[sflag:s14] =	ssyncset.done $0x0  }
0x1a: {  	[sflag:s14] =	ssyncadd.s32 $0xFFFFEC00  }
0x1b: {  	[tilespmem:s15], [sflag:$0x3] =	stream.linear.gather [hbm4b:s8+s3], $0x1400, $0x38;
	[tilespmem:$0x1E800] =	vst v63  }
0x1c: {  	_ =	swait.ge [sflag:s14], $0x1400  }
0x1d: {  	[sflag:s14] =	ssyncset.done $0x0  }
0x1e: {  	[sflag:s14] =	ssyncadd.s32 $0xFFFFEC00  }
0x1f: {  	[tilespmem:s17], [sflag:$0x1] =	stream.indirect.gather [hbm4b:s4+s16], $0x80, s3, s16, $0xb8;
	[tilespmem:$0x1E800] =	vst v63  }
0x20: {  	s25 =	simm.s32 $0x80  }
0x21: {  	[tilespmem:s18], [sflag:$0x2] =	stream.indirect.gather [hbm4b:s4+s16], $0x80, s25, s16, $0xb8;
	[tilespmem:$0x1E800] =	vst v63  }
0x22: {  	_ =	swait.ge [sflag:s19], $0x3E80  }
0x23: {  	[sflag:s19] =	ssyncset.done $0x0  }
0x24: {  	s29 =	simm.s32 $0x1400;
	[sflag:s19] =	ssyncadd.s32 $0xFFFFC180  }
0x25: {  	[spmem:s2] =	stream.indirect.scatter.add.f32 [tilespmem:s17], [sflag:$0x3], $0x80, s29, s16, $0xb8;
	[tilespmem:$0x1E800] =	vst v63  }
0x26: {  	_ =	swait.ge [sflag:s14], $0x3E80  }
0x27: {  	[sflag:s14] =	ssyncset.done $0x0  }
0x28: {  	s30 =	simm.s32 $0x100;
	[sflag:s14] =	ssyncadd.s32 $0xFFFFC180  }
0x29: {  	[tilespmem:s17], [sflag:$0x1] =	stream.indirect.gather [hbm4b:s4+s16], $0x80, s30, s16, $0xb8;
	[tilespmem:$0x1E800] =	vst v63  }
0x2a: {  	_ =	swait.ge [sflag:s20], $0x3E80  }
0x2b: {  	[sflag:s20] =	ssyncset.done $0x0  }
0x2c: {  	s31 =	simm.s32 $0x1480;
	[sflag:s20] =	ssyncadd.s32 $0xFFFFC180  }
0x2d: {  	[spmem:s2] =	stream.indirect.scatter.add.f32 [tilespmem:s18], [sflag:$0x3], $0x80, s31, s16, $0xb8;
	[tilespmem:$0x1E800] =	vst v63  }
0x2e: {  	_ =	swait.ge [sflag:s14], $0x3E80  }
0x2f: {  	s26 =	simm.s32 $0x800;
	s25 =	simm.s32 $0x100;
	[sflag:s14] =	ssyncset.done $0x0  }
.LBB2_2:
0x30: {  	s28 =	sadd.s32 $0x80, s25  }
0x31: {  	[sflag:s14] =	ssyncadd.s32 $0xFFFFC180;
	s29 =	smov.u32 s26;
	s30 =	sadd.s32 $0x400, s26  }
0x32: {  	[tilespmem:s18], [sflag:$0x2] =	stream.indirect.gather [hbm4b:s4+s16], $0x80, s28, s16, $0xb8;
	[tilespmem:$0x1E800] =	vst v63  }
0x33: {  	p0 =	sne.s32 s26, $0x4800;
	_ =	swait.ge [sflag:s19], $0x3E80  }
0x34: {  	[sflag:s19] =	ssyncset.done $0x0  }
0x35: {  	s26 =	sadd.s32 $0x1400, s25;
	[sflag:s19] =	ssyncadd.s32 $0xFFFFC180  }
0x36: {  	[spmem:s2] =	stream.indirect.scatter.add.f32 [tilespmem:s17], [sflag:$0x3], $0x80, s26, s16, $0xb8;
	[tilespmem:$0x1E800] =	vst v63  }
0x37: {  	_ =	swait.ge [sflag:s14], $0x3E80  }
0x38: {  	[sflag:s14] =	ssyncset.done $0x0  }
0x39: {  	s26 =	sadd.s32 $0x100, s25;
	[sflag:s14] =	ssyncadd.s32 $0xFFFFC180  }
0x3a: {  	[tilespmem:s17], [sflag:$0x1] =	stream.indirect.gather [hbm4b:s4+s16], $0x80, s26, s16, $0xb8;
	[tilespmem:$0x1E800] =	vst v63  }
0x3b: {  	_ =	swait.ge [sflag:s20], $0x3E80  }
.Ltmp0:
0x3c: {  	[sflag:s20] =	ssyncset.done $0x0;
	(pc) =	sbr.rel @p0 .LBB2_2-.Ltmp0, $4  }
0x3d: {  	s25 =	sadd.s32 $0x1480, s25;
	[sflag:s20] =	ssyncadd.s32 $0xFFFFC180  }
0x3e: {  	[spmem:s2] =	stream.indirect.scatter.add.f32 [tilespmem:s18], [sflag:$0x3], $0x80, s25, s16, $0xb8;
	[tilespmem:$0x1E800] =	vst v63  }
0x3f: {  	_ =	swait.ge [sflag:s14], $0x3E80  }
0x40: {  	s26 =	smov.u32 s30;
	s25 =	sshra.s32 s29, $0x2;
	[sflag:s14] =	ssyncset.done $0x0  }
0x41: {  	s26 =	sadd.s32 $0x80, s25;
	[sflag:s14] =	ssyncadd.s32 $0xFFFFC180  }
0x42: {  	[tilespmem:s18], [sflag:$0x2] =	stream.indirect.gather [hbm4b:s4+s16], $0x80, s26, s16, $0xb8;
	[tilespmem:$0x1E800] =	vst v63  }
0x43: {  	_ =	swait.ge [sflag:s19], $0x3E80  }
0x44: {  	[sflag:s19] =	ssyncset.done $0x0  }
0x45: {  	s29 =	sadd.s32 $0x1400, s25;
	[sflag:s19] =	ssyncadd.s32 $0xFFFFC180  }
0x46: {  	[spmem:s2] =	stream.indirect.scatter.add.f32 [tilespmem:s17], [sflag:$0x3], $0x80, s29, s16, $0xb8;
	[tilespmem:$0x1E800] =	vst v63  }
0x47: {  	_ =	swait.ge [sflag:s14], $0x3E80  }
0x48: {  	[sflag:s14] =	ssyncset.done $0x0  }
0x49: {  	s30 =	sadd.s32 $0x100, s25;
	[sflag:s14] =	ssyncadd.s32 $0xFFFFC180  }
0x4a: {  	[tilespmem:s17], [sflag:$0x1] =	stream.indirect.gather [hbm4b:s4+s16], $0x80, s30, s16, $0xb8;
	[tilespmem:$0x1E800] =	vst v63  }
0x4b: {  	_ =	swait.ge [sflag:s20], $0x3E80  }
0x4c: {  	[sflag:s20] =	ssyncset.done $0x0  }
0x4d: {  	s31 =	sadd.s32 $0x1480, s25;
	[sflag:s20] =	ssyncadd.s32 $0xFFFFC180  }
0x4e: {  	[spmem:s2] =	stream.indirect.scatter.add.f32 [tilespmem:s18], [sflag:$0x3], $0x80, s31, s16, $0xb8;
	[tilespmem:$0x1E800] =	vst v63  }
0x4f: {  	_ =	swait.ge [sflag:s14], $0x3E80  }
0x50: {  	[sflag:s14] =	ssyncset.done $0x0  }
0x51: {  	[sflag:s14] =	ssyncadd.s32 $0xFFFFC180  }
0x52: {  	[tilespmem:s18], [sflag:$0x2] =	stream.indirect.gather [hbm4b:s4+s16], $0x80, s21, s16, $0xb8;
	[tilespmem:$0x1E800] =	vst v63  }
0x53: {  	_ =	swait.ge [sflag:s19], $0x3E80  }
0x54: {  	[sflag:s19] =	ssyncset.done $0x0  }
0x55: {  	[sflag:s19] =	ssyncadd.s32 $0xFFFFC180  }
0x56: {  	[spmem:s2] =	stream.indirect.scatter.add.f32 [tilespmem:s17], [sflag:$0x3], $0x80, s22, s16, $0xb8;
	[tilespmem:$0x1E800] =	vst v63  }
0x57: {  	_ =	swait.ge [sflag:s14], $0x3E80  }
0x58: {  	[sflag:s14] =	ssyncset.done $0x0  }
0x59: {  	[sflag:s14] =	ssyncadd.s32 $0xFFFFC180  }
0x5a: {  	_ =	swait.ge [sflag:s20], $0x3E80  }
0x5b: {  	[sflag:s20] =	ssyncset.done $0x0  }
0x5c: {  	[sflag:s20] =	ssyncadd.s32 $0xFFFFC180  }
0x5d: {  	[spmem:s2] =	stream.indirect.scatter.add.f32 [tilespmem:s18], [sflag:$0x3], $0x80, s23, s16, $0xb8;
	[tilespmem:$0x1E800] =	vst v63  }
0x5e: {  	_ =	swait.ge [sflag:s14], $0x3E80  }
0x5f: {  	[sflag:s14] =	ssyncset.done $0x0  }
0x60: {  	s26 =	simm.s32 $0x0;
	[sflag:s14] =	ssyncadd.s32 $0xFFFFC180  }
0x61: {  	[tilespmem:s26], [sflag:$0x3] =	stream.linear.gather [hbm4b:s9+s26], $0x1400, $0x38;
	[tilespmem:$0x1E800] =	vst v63  }
0x62: {  	_ =	swait.ge [sflag:s14], $0x1400  }
0x63: {  	[sflag:s14] =	ssyncset.done $0x0  }
0x64: {  	[sflag:s14] =	ssyncadd.s32 $0xFFFFEC00  }
0x65: {  	[tilespmem:s15], [sflag:$0x3] =	stream.linear.gather [hbm4b:s10+s26], $0x1400, $0x38;
	[tilespmem:$0x1E800] =	vst v63  }
0x66: {  	_ =	swait.ge [sflag:s14], $0x1400  }
0x67: {  	[sflag:s14] =	ssyncset.done $0x0  }
0x68: {  	[sflag:s14] =	ssyncadd.s32 $0xFFFFEC00  }
0x69: {  	[tilespmem:s17], [sflag:$0x1] =	stream.indirect.gather [hbm4b:s4+s16], $0x80, s26, s16, $0xb8;
	[tilespmem:$0x1E800] =	vst v63  }
0x6a: {  	s28 =	simm.s32 $0x80  }
0x6b: {  	[tilespmem:s18], [sflag:$0x2] =	stream.indirect.gather [hbm4b:s4+s16], $0x80, s28, s16, $0xb8;
	[tilespmem:$0x1E800] =	vst v63  }
0x6c: {  	_ =	swait.ge [sflag:s19], $0x3E80  }
0x6d: {  	[sflag:s19] =	ssyncset.done $0x0  }
0x6e: {  	s29 =	simm.s32 $0x1400;
	[sflag:s19] =	ssyncadd.s32 $0xFFFFC180  }
0x6f: {  	[spmem:s2] =	stream.indirect.scatter.add.f32 [tilespmem:s17], [sflag:$0x3], $0x80, s29, s16, $0xb8;
	[tilespmem:$0x1E800] =	vst v63  }
0x70: {  	_ =	swait.ge [sflag:s14], $0x3E80  }
0x71: {  	[sflag:s14] =	ssyncset.done $0x0  }
0x72: {  	s30 =	simm.s32 $0x100;
	[sflag:s14] =	ssyncadd.s32 $0xFFFFC180  }
0x73: {  	[tilespmem:s17], [sflag:$0x1] =	stream.indirect.gather [hbm4b:s4+s16], $0x80, s30, s16, $0xb8;
	[tilespmem:$0x1E800] =	vst v63  }
0x74: {  	_ =	swait.ge [sflag:s20], $0x3E80  }
0x75: {  	[sflag:s20] =	ssyncset.done $0x0  }
0x76: {  	s31 =	simm.s32 $0x1480;
	[sflag:s20] =	ssyncadd.s32 $0xFFFFC180  }
0x77: {  	[spmem:s2] =	stream.indirect.scatter.add.f32 [tilespmem:s18], [sflag:$0x3], $0x80, s31, s16, $0xb8;
	[tilespmem:$0x1E800] =	vst v63  }
0x78: {  	_ =	swait.ge [sflag:s14], $0x3E80  }
0x79: {  	s25 =	simm.s32 $0x100;
	s26 =	simm.s32 $0x800;
	[sflag:s14] =	ssyncset.done $0x0  }
.LBB2_4:
0x7a: {  	s28 =	sadd.s32 $0x80, s25  }
0x7b: {  	[sflag:s14] =	ssyncadd.s32 $0xFFFFC180;
	s29 =	smov.u32 s26;
	s30 =	sadd.s32 $0x400, s26  }
0x7c: {  	[tilespmem:s18], [sflag:$0x2] =	stream.indirect.gather [hbm4b:s4+s16], $0x80, s28, s16, $0xb8;
	[tilespmem:$0x1E800] =	vst v63  }
0x7d: {  	p0 =	sne.s32 s26, $0x4800;
	_ =	swait.ge [sflag:s19], $0x3E80  }
0x7e: {  	[sflag:s19] =	ssyncset.done $0x0  }
0x7f: {  	s26 =	sadd.s32 $0x1400, s25;
	[sflag:s19] =	ssyncadd.s32 $0xFFFFC180  }
0x80: {  	[spmem:s2] =	stream.indirect.scatter.add.f32 [tilespmem:s17], [sflag:$0x3], $0x80, s26, s16, $0xb8;
	[tilespmem:$0x1E800] =	vst v63  }
0x81: {  	_ =	swait.ge [sflag:s14], $0x3E80  }
0x82: {  	[sflag:s14] =	ssyncset.done $0x0  }
0x83: {  	s26 =	sadd.s32 $0x100, s25;
	[sflag:s14] =	ssyncadd.s32 $0xFFFFC180  }
0x84: {  	[tilespmem:s17], [sflag:$0x1] =	stream.indirect.gather [hbm4b:s4+s16], $0x80, s26, s16, $0xb8;
	[tilespmem:$0x1E800] =	vst v63  }
0x85: {  	_ =	swait.ge [sflag:s20], $0x3E80  }
.Ltmp1:
0x86: {  	[sflag:s20] =	ssyncset.done $0x0;
	(pc) =	sbr.rel @p0 .LBB2_4-.Ltmp1, $4  }
0x87: {  	s25 =	sadd.s32 $0x1480, s25;
	[sflag:s20] =	ssyncadd.s32 $0xFFFFC180  }
0x88: {  	[spmem:s2] =	stream.indirect.scatter.add.f32 [tilespmem:s18], [sflag:$0x3], $0x80, s25, s16, $0xb8;
	[tilespmem:$0x1E800] =	vst v63  }
0x89: {  	_ =	swait.ge [sflag:s14], $0x3E80  }
0x8a: {  	s26 =	smov.u32 s30;
	s25 =	sshra.s32 s29, $0x2;
	[sflag:s14] =	ssyncset.done $0x0  }
0x8b: {  	s26 =	sadd.s32 $0x80, s25;
	[sflag:s14] =	ssyncadd.s32 $0xFFFFC180  }
0x8c: {  	[tilespmem:s18], [sflag:$0x2] =	stream.indirect.gather [hbm4b:s4+s16], $0x80, s26, s16, $0xb8;
	[tilespmem:$0x1E800] =	vst v63  }
0x8d: {  	_ =	swait.ge [sflag:s19], $0x3E80  }
0x8e: {  	[sflag:s19] =	ssyncset.done $0x0  }
0x8f: {  	s29 =	sadd.s32 $0x1400, s25;
	[sflag:s19] =	ssyncadd.s32 $0xFFFFC180  }
0x90: {  	[spmem:s2] =	stream.indirect.scatter.add.f32 [tilespmem:s17], [sflag:$0x3], $0x80, s29, s16, $0xb8;
	[tilespmem:$0x1E800] =	vst v63  }
0x91: {  	_ =	swait.ge [sflag:s14], $0x3E80  }
0x92: {  	[sflag:s14] =	ssyncset.done $0x0  }
0x93: {  	s30 =	sadd.s32 $0x100, s25;
	[sflag:s14] =	ssyncadd.s32 $0xFFFFC180  }
0x94: {  	[tilespmem:s17], [sflag:$0x1] =	stream.indirect.gather [hbm4b:s4+s16], $0x80, s30, s16, $0xb8;
	[tilespmem:$0x1E800] =	vst v63  }
0x95: {  	_ =	swait.ge [sflag:s20], $0x3E80  }
0x96: {  	[sflag:s20] =	ssyncset.done $0x0  }
0x97: {  	s31 =	sadd.s32 $0x1480, s25;
	[sflag:s20] =	ssyncadd.s32 $0xFFFFC180  }
0x98: {  	[spmem:s2] =	stream.indirect.scatter.add.f32 [tilespmem:s18], [sflag:$0x3], $0x80, s31, s16, $0xb8;
	[tilespmem:$0x1E800] =	vst v63  }
0x99: {  	_ =	swait.ge [sflag:s14], $0x3E80  }
0x9a: {  	[sflag:s14] =	ssyncset.done $0x0  }
0x9b: {  	[sflag:s14] =	ssyncadd.s32 $0xFFFFC180  }
0x9c: {  	[tilespmem:s18], [sflag:$0x2] =	stream.indirect.gather [hbm4b:s4+s16], $0x80, s21, s16, $0xb8;
	[tilespmem:$0x1E800] =	vst v63  }
0x9d: {  	_ =	swait.ge [sflag:s19], $0x3E80  }
0x9e: {  	[sflag:s19] =	ssyncset.done $0x0  }
0x9f: {  	[sflag:s19] =	ssyncadd.s32 $0xFFFFC180  }
0xa0: {  	[spmem:s2] =	stream.indirect.scatter.add.f32 [tilespmem:s17], [sflag:$0x3], $0x80, s22, s16, $0xb8;
	[tilespmem:$0x1E800] =	vst v63  }
0xa1: {  	_ =	swait.ge [sflag:s14], $0x3E80  }
0xa2: {  	[sflag:s14] =	ssyncset.done $0x0  }
0xa3: {  	[sflag:s14] =	ssyncadd.s32 $0xFFFFC180  }
0xa4: {  	_ =	swait.ge [sflag:s20], $0x3E80  }
0xa5: {  	[sflag:s20] =	ssyncset.done $0x0  }
0xa6: {  	[sflag:s20] =	ssyncadd.s32 $0xFFFFC180  }
0xa7: {  	[spmem:s2] =	stream.indirect.scatter.add.f32 [tilespmem:s18], [sflag:$0x3], $0x80, s23, s16, $0xb8;
	[tilespmem:$0x1E800] =	vst v63  }
0xa8: {  	_ =	swait.ge [sflag:s14], $0x3E80  }
0xa9: {  	s24 =	sadd.s32 $0x1, s24;
	[sflag:s14] =	ssyncset.done $0x0  }
0xaa: {  	p0 =	sne.s32 s24, s12;
	[sflag:s14] =	ssyncadd.s32 $0xFFFFC180  }
.Ltmp2:
0xab: {  	[bflag:$0x0] =	sbarrier.arrive $0xFFFF;
	(pc) =	sbr.rel @p0 .LBB2_1-.Ltmp2, $4  }
0xac: {  	[hbm:s11], [sflag:s6] =	dma.local [spmem:s13], $0x2800  }
0xad: {  	_ =	swait.ge [sflag:s14], $0x2800  }
0xae: {  	[sflag:s14] =	ssyncset.done $0x0  }
0xaf: {  	[sflag:s14] =	ssyncadd.s32 $0xFFFFD800  }
0xb0: {  	_ =	sfence.sel $0x180000  }
0xb1: {  	[bflag:$0x0] =	sbarrier.arrive $0xFFFF  }
0xb2: {  	p0 =	sne.s32 s0, $0x0;
	_ =	strace $0x9000004D  }
0xb3: {  	s0 =	sadd.s32 @!p0 $0x100000, s1;
	[bflag:$0x2] =	sbarrier.arrive $0xFFFF  }
0xb4: {  	[sflag:s0] =	ssyncadd.tile.s32 @!p0 $0x1;
	_ =	shalt  }
.Lfunc_end2:
_tile_overlayer_lowered:
.L_overlay_start_2:
0xb5: {  	(tag) =	ssettag $0x2  }
0xb6: {  	s0 =	rddreg [dreg:$0x0];
	s2 =	stileid.u32  }
0xb7: {  	s1 =	rddreg [dreg:$0x1];
	p0 =	sne.s32 s2, $0x0  }
0xb8: {  	s3 =	rddreg [dreg:$0x2];
	[bflag:$0x3] =	sbarrier.arrive $0xFFFF;
	s2 =	simm.s32 @!p0 $0x1C03  }
0xb9: {  	[timem:s3], [sflag:s2] =	dma.local @!p0 [hbm:s0], s1  }
0xba: {  	s0 =	simm.s32 @!p0 $0x3  }
0xbb: {  	_ =	swait.ge @!p0 [sflag:s0], s1  }
0xbc: {  	s1 =	ssub.s32 @!p0 $0x0, s1;
	[sflag:s0] =	ssyncset.done @!p0 $0x0  }
0xbd: {  	[sflag:s0] =	ssyncadd.s32 @!p0 s1  }
0xbe: {  	[bflag:$0x3] =	sbarrier.arrive $0xFFFF  }
0xbf: {  	_ =	shalt  }

// kernel: kernel.9.cloned.1.call-start
scs
__scs_entry_jumppad:
0x0: {  	(pc) =	sbr.rel $0x88, $3  }
0x1: {  	(tag) =	ssettag $0x0;
	lr =	simm.s32 $0x1  }
0x2: {  	[smem:$0x3F97] =	sst lr;
	_ =	strace $0xD0000000  }
0x3: {  	_ = 	snop  }
0x4: {  	_ = 	snop  }
0x5: {  	_ = 	snop  }
0x6: {  	_ = 	snop  }
0x7: {  	_ = 	snop  }
__scs_overlays_trampoline_lowered:
0x8: {  	[smem:$0x3FA6] =	sst s0  }
0x9: {  	[smem:$0x3FA7] =	sst s1  }
0xa: {  	[smem:$0x3FA8] =	sst s2  }
0xb: {  	[smem:$0x3FA9] =	sst s3  }
0xc: {  	[smem:$0x3FAA] =	sst s4  }
0xd: {  	[smem:$0x3FAB] =	sst s5  }
0xe: {  	[smem:$0x3FAC] =	sst s6  }
0xf: {  	[smem:$0x3FAD] =	sst s7  }
0x10: {  	[smem:$0x3FAE] =	sst s8  }
0x11: {  	[smem:$0x3FAF] =	sst s9;
	s0 =	simm.s32 @!p0 $0x0  }
0x12: {  	s1 =	sld [smem:$0x3F95];
	s0 =	simm.s32 @p0 $0x1  }
0x13: {  	[smem:$0x3FB0] =	sst s0;
	s0 =	simm.s32 @!p1 $0x0  }
0x14: {  	s2 =	sld [smem:$0x3F94];
	s0 =	simm.s32 @p1 $0x1  }
0x15: {  	[smem:$0x3FB1] =	sst s0;
	s0 =	simm.s32 @!p2 $0x0  }
0x16: {  	s3 =	sld [smem:$0x3FDB];
	s0 =	simm.s32 @p2 $0x1  }
0x17: {  	s4 =	simm.s32 $0x1BF5;
	[smem:$0x3FB3] =	sst s0  }
0x18: {  	s0 =	sld [smem:$0x3F96];
	_ =	swait.ge [sflag:s4], $0x0  }
0x19: {  	s7 =	sld [smem:$0x3F97]  }
0x1a: {  	s8 =	sadd.s32 $0xFFFFE003, lr  }
0x1b: {  	s9 =	sadd.s32 $0xFFFFFEF7, lr;
	s5 =	simm.s32 $0xFFFFFFFF;
	p2 =	slt.u32 s8, $0xFFFFF086  }
0x1c: {  	p1 =	slt.u32 s9, $0xF7A;
	s5 =	simm.s32 @!p2 $0x0  }
0x1d: {  	s5 =	simm.s32 @p1 $0x1;
	p0 =	seq.s32 s7, s2  }
0x1e: {  	s7 =	smul.u32 @!p0 $0xF7A, s2;
	p2 =	seq.s32 @!p0 s5, $0x0  }
0x1f: {  	s9 =	smul.u32 $0xF7A, s1;
	s8 =	simm.s32 @!p0 $0x1BF5;
	p2 =	por !p2, p0  }
0x20: {  	[sflag:s8] =	ssyncset.s32 @!p0 $0xFFFFF086;
	s6 =	sadd.s32 @!p0 s3, s7;
	s7 =	simm.s32 @!p0 $0x108  }
0x21: {  	s3 =	sadd.s32 s3, s9;
	s6 =	sadd.s32 @!p0 $0x88, s6;
	s7 =	simm.s32 @p2 $0x1082  }
0x22: {  	[simem:s7], [sflag:s8] =	dma.local @!p0 [hbm:s6], $0xF7A  }
0x23: {  	s9 =	sor.u32 $0xD0000000, s2;
	s6 =	simm.s32 $0x108;
	_ =	swait.ge @!p0 [sflag:s8], $0x0  }
0x24: {  	s3 =	sadd.s32 $0x88, s3;
	s6 =	simm.s32 @!p1 $0x1082;
	[sflag:s4] =	ssyncset.s32 $0xFFFFF086  }
0x25: {  	[simem:s6], [sflag:s4] =	dma.local [hbm:s3], $0xF7A  }
0x26: {  	[smem:$0x3F97] =	sst s1;
	(tag) =	ssettag s2;
	_ =	strace s9  }
0x27: {  	s1 =	sld [smem:$0x3FA7]  }
0x28: {  	s2 =	sld [smem:$0x3FA8]  }
0x29: {  	s4 =	sld [smem:$0x3FAA]  }
0x2a: {  	p0 =	seq.s32 s5, $0x0;
	s5 =	sld [smem:$0x3FAB]  }
0x2b: {  	s6 =	sld [smem:$0x3FAC]  }
0x2c: {  	s7 =	sld [smem:$0x3FAD]  }
0x2d: {  	s3 =	simm.s32 $0x108;
	s8 =	sld [smem:$0x3FAE]  }
0x2e: {  	s3 =	simm.s32 @!p0 $0x1082;
	s9 =	sld [smem:$0x3FAF]  }
0x2f: {  	lr =	sadd.s32 s0, s3;
	s0 =	sld [smem:$0x3FA6]  }
0x30: {  	s3 =	sld [smem:$0x3FA9]  }
0x31: {  	[smem:$0x3FB2] =	sst s10  }
0x32: {  	s10 =	sld [smem:$0x3FB0];
	_ =	sdelay $0x3  }
0x33: {  	p0 =	seq.s32 s10, $0x1;
	s10 =	sld [smem:$0x3FB2];
	_ =	sdelay $0x3  }
0x34: {  	[smem:$0x3FB2] =	sst s10  }
0x35: {  	s10 =	sld [smem:$0x3FB1];
	_ =	sdelay $0x3  }
0x36: {  	p1 =	seq.s32 s10, $0x1;
	s10 =	sld [smem:$0x3FB2];
	_ =	sdelay $0x3  }
0x37: {  	[smem:$0x3FB2] =	sst s10  }
0x38: {  	s10 =	sld [smem:$0x3FB3]  }
0x39: {  	_ = 	snop;
	(pc) =	sbr.ind lr, $3  }
0x3a: {  	_ = 	snop  }
0x3b: {  	_ = 	snop  }
0x3c: {  	p2 =	seq.s32 s10, $0x1;
	s10 =	sld [smem:$0x3FB2]  }
0x3d: {  	_ =	shalt  }
0x3e: {  	_ =	shalt  }
0x3f: {  	_ =	shalt  }
0x40: {  	_ =	shalt  }
0x41: {  	_ =	shalt  }
0x42: {  	_ =	shalt  }
0x43: {  	_ =	shalt  }
0x44: {  	_ =	shalt  }
0x45: {  	_ =	shalt  }
0x46: {  	_ =	shalt  }
0x47: {  	_ =	shalt  }
0x48: {  	_ =	shalt  }
0x49: {  	_ =	shalt  }
0x4a: {  	_ =	shalt  }
0x4b: {  	_ =	shalt  }
0x4c: {  	_ =	shalt  }
0x4d: {  	_ =	shalt  }
0x4e: {  	_ =	shalt  }
0x4f: {  	_ =	shalt  }
0x50: {  	_ =	shalt  }
0x51: {  	_ =	shalt  }
0x52: {  	_ =	shalt  }
0x53: {  	_ =	shalt  }
0x54: {  	_ =	shalt  }
0x55: {  	_ =	shalt  }
0x56: {  	_ =	shalt  }
0x57: {  	_ =	shalt  }
0x58: {  	_ =	shalt  }
0x59: {  	_ =	shalt  }
0x5a: {  	_ =	shalt  }
0x5b: {  	_ =	shalt  }
0x5c: {  	_ =	shalt  }
0x5d: {  	_ =	shalt  }
0x5e: {  	_ =	shalt  }
0x5f: {  	_ =	shalt  }
0x60: {  	_ =	shalt  }
0x61: {  	_ =	shalt  }
0x62: {  	_ =	shalt  }
0x63: {  	_ =	shalt  }
0x64: {  	_ =	shalt  }
0x65: {  	_ =	shalt  }
0x66: {  	_ =	shalt  }
0x67: {  	_ =	shalt  }
0x68: {  	_ =	shalt  }
0x69: {  	_ =	shalt  }
0x6a: {  	_ =	shalt  }
0x6b: {  	_ =	shalt  }
0x6c: {  	_ =	shalt  }
0x6d: {  	_ =	shalt  }
0x6e: {  	_ =	shalt  }
0x6f: {  	_ =	shalt  }
0x70: {  	_ =	shalt  }
0x71: {  	_ =	shalt  }
0x72: {  	_ =	shalt  }
0x73: {  	_ =	shalt  }
0x74: {  	_ =	shalt  }
0x75: {  	_ =	shalt  }
0x76: {  	_ =	shalt  }
0x77: {  	_ =	shalt  }
0x78: {  	_ =	shalt  }
0x79: {  	_ =	shalt  }
0x7a: {  	_ =	shalt  }
0x7b: {  	_ =	shalt  }
0x7c: {  	_ =	shalt  }
0x7d: {  	_ =	shalt  }
0x7e: {  	_ =	shalt  }
0x7f: {  	_ =	shalt  }
0x80: {  	_ =	shalt  }
0x81: {  	_ =	shalt  }
0x82: {  	_ =	shalt  }
0x83: {  	_ =	shalt  }
0x84: {  	_ =	shalt  }
0x85: {  	_ =	shalt  }
0x86: {  	_ =	shalt  }
0x87: {  	_ =	shalt  }
.Lfunc_end0:
.L_simem_size_0:
called_computation_lowered:
.L_overlay_start_0:
0x88: {  	s2 =	sld [smem:$0x3FD9]  }
0x89: {  	s3 =	sld [smem:$0x3FFE];
	_ =	sdelay $0x1  }
0x8a: {  	s1 =	srdreg.scid  }
0x8b: {  	s0 =	sand.u32 $0x1, s1  }
0x8c: {  	s16 =	sshll.u32 s0, $0xA;
	s2 =	sadd.s32 s3, s2  }
0x8d: {  	s2 =	sadd.s32 s2, s16  }
0x8e: {  	[smem:$0x3FBE] =	sst s2  }
0x8f: {  	_ = 	snop  }
0x90: {  	(tm) =	ssettm $0x1  }
0x91: {  	s17 =	sld [smem:$0x3FFB];
	_ =	sdelay $0x3  }
0x92: {  	_ =	strace s17  }
0x93: {  	s2 =	sld [smem:$0x3FFC];
	_ =	sdelay $0x3  }
0x94: {  	_ =	strace s2  }
0x95: {  	s2 =	sld [smem:$0x3FFD];
	_ =	sdelay $0x3  }
0x96: {  	_ =	strace s2  }
0x97: {  	_ =	strace $0x8FFFFFFF  }
0x98: {  	s18 =	sld [smem:$0x3FDB];
	_ =	sdelay $0x1  }
0x99: {  	s19 =	simm.s32 $_scs_section_size  }
0x9a: {  	s4 =	simm.s32 $_size__tile_overlayer_lowered;
	s5 =	simm.s32 $_tile_overlayer_lowered  }
0x9b: {  	s22 =	simm.s32 $0x1BFF;
	s21 =	sshll.u32 s5, $0x1;
	s2 =	sadd.s32 s19, s18  }
0x9c: {  	s6 =	simm.s32 $0x0;
	s20 =	sshll.u32 s4, $0x1;
	s4 =	sadd.s32 s21, s2  }
0x9d: {  	[timem:s6], [sflag:s22] =	dma.local [hbm:s4], s20  }
0x9e: {  	_ =	swait.ge [sflag:s22], s20  }
0x9f: {  	s3 =	ssub.s32 $0x0, s20;
	[sflag:s22] =	ssyncset.done $0x0  }
0xa0: {  	[sflag:s22] =	ssyncadd.s32 s3;
	_ =	sdelay $0x1  }
0xa1: {  	s23 =	simm.s32 $0x1B8B  }
0xa2: {  	_ =	swait.ge [sflag:s23], $0x1  }
0xa3: {  	[sflag:s23] =	ssyncset.done $0x0  }
0xa4: {  	s25 =	simm.s32 $0x1B8E;
	s24 =	sld [smem:$0x3FFE];
	[sflag:s23] =	ssyncadd.s32 $0xFFFFFFFF  }
0xa5: {  	s26 =	simm.s32 $execute0_lowered;
	[smem:$0x3FD2] =	sst s25  }
0xa6: {  	s4 =	sshll.u32 s26, $0x1;
	_ =	strace $0x80000046;
	[dreg:$0x1] =	wrdreg $0xFFFFFFFF  }
0xa7: {  	s28 =	simm.s32 $_size_execute0_lowered;
	s2 =	sadd.s32 s2, s4;
	[dreg:$0x0] =	wrdreg $0x0  }
0xa8: {  	s4 =	sshll.u32 s28, $0x1;
	[dreg:$0x2] =	wrdreg s2  }
0xa9: {  	[dreg:$0x3] =	wrdreg s4  }
0xaa: {  	[dreg:$0x4] =	wrdreg $0xC0  }
0xab: {  	_ =	task [dreg:s6], $0x5FFFF  }
0xac: {  	[dreg:$0x1] =	wrdreg $0xFFFFFFFF  }
0xad: {  	[dreg:$0x0] =	wrdreg $0x60  }
0xae: {  	[dreg:$0x2] =	wrdreg s24  }
0xaf: {  	[dreg:$0x3] =	wrdreg $0xA8000  }
0xb0: {  	[dreg:$0x4] =	wrdreg $0x9  }
0xb1: {  	_ =	task.clear_ibuf [dreg:s6], $0x5FFFF;
	_ =	strace $0x90000046  }
0xb2: {  	s29 =	simm.s32 $0x9;
	_ =	strace $0x80000048  }
0xb3: {  	_ =	swait.ge [sflag:s29], $0x1  }
0xb4: {  	[sflag:s29] =	ssyncadd.s32 $0xFFFFFFFF  }
0xb5: {  	_ =	strace $0x90000048  }
0xb6: {  	_ =	sfence  }
0xb7: {  	s30 =	sld [smem:$0x0];
	_ =	sdelay $0x2  }
0xb8: {  	s31 =	sshll.u32 s1, $0xD;
	s1 =	sshrl.u32 s1, $0x2  }
0xb9: {  	s3 =	sand.u32 $0x4000, s31;
	s1 =	sadd.s32 s1, s30  }
0xba: {  	s0 =	sor.u32 s3, s0;
	s1 =	sshll.u32 s1, $0x11  }
0xbb: {  	s0 =	sor.u32 s1, s0  }
0xbc: {  	s0 =	sadd.s32 $0x8F2B, s0  }
0xbd: {  	[sflag:s0] =	ssyncadd.remote.s32 $0x1  }
0xbe: {  	_ =	sfence.sel $0xFFFF  }
0xbf: {  	[dreg:$0x0] =	wrdreg $0xFFFFFFFF;
	(pc) =	sbr.abs _section_cstart, $3  }
0xc0: {  	[dreg:$0x1] =	wrdreg $0xFFFFFFFF  }
0xc1: {  	_ =	task.clear_ibuf [dreg:s6], $0x2FFFF;
	_ =	strace $0x9FFFFFFF  }
0xc2: {  	(tm) =	ssettm $0x7FFFFFFF  }
0xc3: {  	_ =	shalt  }
tec
execute0_lowered:
.L_overlay_start_1:
0x0: {  	(tag) =	ssettag $0x1  }
0x1: {  	s6 =	rddreg [dreg:$0x0]  }
0x2: {  	s0 =	srdreg.scid;
	s2 =	rddreg [dreg:$0x1];
	s3 =	simm.s32 $0x0  }
0x3: {  	s14 =	simm.s32 $0x3;
	s15 =	simm.s32 $0x1400;
	s16 =	simm.s32 $0x7D  }
0x4: {  	s17 =	simm.s32 $0x2800;
	s18 =	simm.s32 $0x6800;
	s19 =	simm.s32 $0x1  }
0x5: {  	s20 =	simm.s32 $0x2;
	s21 =	simm.s32 $0x1380;
	s22 =	simm.s32 $0x2700  }
0x6: {  	s23 =	simm.s32 $0x2780;
	s5 =	sand.u32 $0x1, s0;
	s0 =	stileid.u32  }
0x7: {  	s24 =	simm.s32 $0x0;
	[smem:$0x7FF] =	sst s3;
	s8 =	smul.u32 $0x14000, s0  }
0x8: {  	s4 =	sadd.s32 $0x16A00, s6;
	s1 =	sshll.u32 s5, $0x4;
	s9 =	smul.u32 $0x140000, s5  }
0x9: {  	s5 =	ssub.s32 $0x2, s5;
	s28 =	smul.u32 $0x50000, s0;
	s1 =	sor.u32 s0, s1  }
0xa: {  	s31 =	sshll.u32 s0, $0x6;
	s29 =	sshrl.u32 s5, $0x1;
	s7 =	smul.u32 $0x2800, s1  }
0xb: {  	s1 =	rddreg [dreg:$0x2];
	_ =	strace $0x80000047;
	s26 =	sshrl.u32 s8, $0x3  }
0xc: {  	s8 =	sadd.s32 s8, s9;
	s12 =	ssub.s32 s5, s29;
	s30 =	sshrl.u32 s28, $0x2  }
0xd: {  	s8 =	sshrl.u32 s8, $0x3;
	s13 =	sadd.s32 s30, s2;
	s12 =	smax.u32 s12, $0x1  }
0xe: {  	s7 =	sshrl.u32 s7, $0x3;
	s11 =	sadd.s32 s8, s6;
	s13 =	sshrl.u32 s13, $0x3  }
0xf: {  	s10 =	sadd.s32 s7, s6;
	s7 =	sadd.s32 s26, s6;
	s6 =	sor.u32 $0x1C03, s31  }
0x10: {  	s11 =	sadd.s32 $0x65C00, s11;
	s5 =	sadd.s32 $0x3DC00, s7;
	s7 =	sadd.s32 $0x2A00, s10  }
0x11: {  	s8 =	sadd.s32 $0xCA00, s10;
	s9 =	sadd.s32 $0x2C80, s10;
	s10 =	sadd.s32 $0xCC80, s10  }
.LBB2_1:
0x12: {  	[spmem:s13], [sflag:s6] =	dma.local [hbm:s5], $0x2800  }
0x13: {  	_ =	swait.ge [sflag:s14], $0x2800  }
0x14: {  	[sflag:s14] =	ssyncset.done $0x0  }
0x15: {  	[sflag:s14] =	ssyncadd.s32 $0xFFFFD800  }
0x16: {  	[bflag:$0x0] =	sbarrier.arrive $0xFFFF  }
0x17: {  	[tilespmem:s3], [sflag:$0x3] =	stream.linear.gather [hbm4b:s7+s3], $0x1400, $0x38;
	[tilespmem:$0x1E800] =	vst v63  }
0x18: {  	_ =	swait.ge [sflag:s14], $0x1400  }
0x19: {  	[sflag:s14] =	ssyncset.done $0x0  }
0x1a: {  	[sflag:s14] =	ssyncadd.s32 $0xFFFFEC00  }
0x1b: {  	[tilespmem:s15], [sflag:$0x3] =	stream.linear.gather [hbm4b:s8+s3], $0x1400, $0x38;
	[tilespmem:$0x1E800] =	vst v63  }
0x1c: {  	_ =	swait.ge [sflag:s14], $0x1400  }
0x1d: {  	[sflag:s14] =	ssyncset.done $0x0  }
0x1e: {  	[sflag:s14] =	ssyncadd.s32 $0xFFFFEC00  }
0x1f: {  	[tilespmem:s17], [sflag:$0x1] =	stream.indirect.gather [hbm4b:s4+s16], $0x80, s3, s16, $0xb8;
	[tilespmem:$0x1E800] =	vst v63  }
0x20: {  	s25 =	simm.s32 $0x80  }
0x21: {  	[tilespmem:s18], [sflag:$0x2] =	stream.indirect.gather [hbm4b:s4+s16], $0x80, s25, s16, $0xb8;
	[tilespmem:$0x1E800] =	vst v63  }
0x22: {  	_ =	swait.ge [sflag:s19], $0x3E80  }
0x23: {  	[sflag:s19] =	ssyncset.done $0x0  }
0x24: {  	s29 =	simm.s32 $0x1400;
	[sflag:s19] =	ssyncadd.s32 $0xFFFFC180  }
0x25: {  	[spmem:s2] =	stream.indirect.scatter.add.f32 [tilespmem:s17], [sflag:$0x3], $0x80, s29, s16, $0xb8;
	[tilespmem:$0x1E800] =	vst v63  }
0x26: {  	_ =	swait.ge [sflag:s14], $0x3E80  }
0x27: {  	[sflag:s14] =	ssyncset.done $0x0  }
0x28: {  	s30 =	simm.s32 $0x100;
	[sflag:s14] =	ssyncadd.s32 $0xFFFFC180  }
0x29: {  	[tilespmem:s17], [sflag:$0x1] =	stream.indirect.gather [hbm4b:s4+s16], $0x80, s30, s16, $0xb8;
	[tilespmem:$0x1E800] =	vst v63  }
0x2a: {  	_ =	swait.ge [sflag:s20], $0x3E80  }
0x2b: {  	[sflag:s20] =	ssyncset.done $0x0  }
0x2c: {  	s31 =	simm.s32 $0x1480;
	[sflag:s20] =	ssyncadd.s32 $0xFFFFC180  }
0x2d: {  	[spmem:s2] =	stream.indirect.scatter.add.f32 [tilespmem:s18], [sflag:$0x3], $0x80, s31, s16, $0xb8;
	[tilespmem:$0x1E800] =	vst v63  }
0x2e: {  	_ =	swait.ge [sflag:s14], $0x3E80  }
0x2f: {  	s26 =	simm.s32 $0x800;
	s25 =	simm.s32 $0x100;
	[sflag:s14] =	ssyncset.done $0x0  }
.LBB2_2:
0x30: {  	s28 =	sadd.s32 $0x80, s25  }
0x31: {  	[sflag:s14] =	ssyncadd.s32 $0xFFFFC180;
	s29 =	smov.u32 s26;
	s30 =	sadd.s32 $0x400, s26  }
0x32: {  	[tilespmem:s18], [sflag:$0x2] =	stream.indirect.gather [hbm4b:s4+s16], $0x80, s28, s16, $0xb8;
	[tilespmem:$0x1E800] =	vst v63  }
0x33: {  	p0 =	sne.s32 s26, $0x4800;
	_ =	swait.ge [sflag:s19], $0x3E80  }
0x34: {  	[sflag:s19] =	ssyncset.done $0x0  }
0x35: {  	s26 =	sadd.s32 $0x1400, s25;
	[sflag:s19] =	ssyncadd.s32 $0xFFFFC180  }
0x36: {  	[spmem:s2] =	stream.indirect.scatter.add.f32 [tilespmem:s17], [sflag:$0x3], $0x80, s26, s16, $0xb8;
	[tilespmem:$0x1E800] =	vst v63  }
0x37: {  	_ =	swait.ge [sflag:s14], $0x3E80  }
0x38: {  	[sflag:s14] =	ssyncset.done $0x0  }
0x39: {  	s26 =	sadd.s32 $0x100, s25;
	[sflag:s14] =	ssyncadd.s32 $0xFFFFC180  }
0x3a: {  	[tilespmem:s17], [sflag:$0x1] =	stream.indirect.gather [hbm4b:s4+s16], $0x80, s26, s16, $0xb8;
	[tilespmem:$0x1E800] =	vst v63  }
0x3b: {  	_ =	swait.ge [sflag:s20], $0x3E80  }
.Ltmp0:
0x3c: {  	[sflag:s20] =	ssyncset.done $0x0;
	(pc) =	sbr.rel @p0 .LBB2_2-.Ltmp0, $4  }
0x3d: {  	s25 =	sadd.s32 $0x1480, s25;
	[sflag:s20] =	ssyncadd.s32 $0xFFFFC180  }
0x3e: {  	[spmem:s2] =	stream.indirect.scatter.add.f32 [tilespmem:s18], [sflag:$0x3], $0x80, s25, s16, $0xb8;
	[tilespmem:$0x1E800] =	vst v63  }
0x3f: {  	_ =	swait.ge [sflag:s14], $0x3E80  }
0x40: {  	s26 =	smov.u32 s30;
	s25 =	sshra.s32 s29, $0x2;
	[sflag:s14] =	ssyncset.done $0x0  }
0x41: {  	s26 =	sadd.s32 $0x80, s25;
	[sflag:s14] =	ssyncadd.s32 $0xFFFFC180  }
0x42: {  	[tilespmem:s18], [sflag:$0x2] =	stream.indirect.gather [hbm4b:s4+s16], $0x80, s26, s16, $0xb8;
	[tilespmem:$0x1E800] =	vst v63  }
0x43: {  	_ =	swait.ge [sflag:s19], $0x3E80  }
0x44: {  	[sflag:s19] =	ssyncset.done $0x0  }
0x45: {  	s29 =	sadd.s32 $0x1400, s25;
	[sflag:s19] =	ssyncadd.s32 $0xFFFFC180  }
0x46: {  	[spmem:s2] =	stream.indirect.scatter.add.f32 [tilespmem:s17], [sflag:$0x3], $0x80, s29, s16, $0xb8;
	[tilespmem:$0x1E800] =	vst v63  }
0x47: {  	_ =	swait.ge [sflag:s14], $0x3E80  }
0x48: {  	[sflag:s14] =	ssyncset.done $0x0  }
0x49: {  	s30 =	sadd.s32 $0x100, s25;
	[sflag:s14] =	ssyncadd.s32 $0xFFFFC180  }
0x4a: {  	[tilespmem:s17], [sflag:$0x1] =	stream.indirect.gather [hbm4b:s4+s16], $0x80, s30, s16, $0xb8;
	[tilespmem:$0x1E800] =	vst v63  }
0x4b: {  	_ =	swait.ge [sflag:s20], $0x3E80  }
0x4c: {  	[sflag:s20] =	ssyncset.done $0x0  }
0x4d: {  	s31 =	sadd.s32 $0x1480, s25;
	[sflag:s20] =	ssyncadd.s32 $0xFFFFC180  }
0x4e: {  	[spmem:s2] =	stream.indirect.scatter.add.f32 [tilespmem:s18], [sflag:$0x3], $0x80, s31, s16, $0xb8;
	[tilespmem:$0x1E800] =	vst v63  }
0x4f: {  	_ =	swait.ge [sflag:s14], $0x3E80  }
0x50: {  	[sflag:s14] =	ssyncset.done $0x0  }
0x51: {  	[sflag:s14] =	ssyncadd.s32 $0xFFFFC180  }
0x52: {  	[tilespmem:s18], [sflag:$0x2] =	stream.indirect.gather [hbm4b:s4+s16], $0x80, s21, s16, $0xb8;
	[tilespmem:$0x1E800] =	vst v63  }
0x53: {  	_ =	swait.ge [sflag:s19], $0x3E80  }
0x54: {  	[sflag:s19] =	ssyncset.done $0x0  }
0x55: {  	[sflag:s19] =	ssyncadd.s32 $0xFFFFC180  }
0x56: {  	[spmem:s2] =	stream.indirect.scatter.add.f32 [tilespmem:s17], [sflag:$0x3], $0x80, s22, s16, $0xb8;
	[tilespmem:$0x1E800] =	vst v63  }
0x57: {  	_ =	swait.ge [sflag:s14], $0x3E80  }
0x58: {  	[sflag:s14] =	ssyncset.done $0x0  }
0x59: {  	[sflag:s14] =	ssyncadd.s32 $0xFFFFC180  }
0x5a: {  	_ =	swait.ge [sflag:s20], $0x3E80  }
0x5b: {  	[sflag:s20] =	ssyncset.done $0x0  }
0x5c: {  	[sflag:s20] =	ssyncadd.s32 $0xFFFFC180  }
0x5d: {  	[spmem:s2] =	stream.indirect.scatter.add.f32 [tilespmem:s18], [sflag:$0x3], $0x80, s23, s16, $0xb8;
	[tilespmem:$0x1E800] =	vst v63  }
0x5e: {  	_ =	swait.ge [sflag:s14], $0x3E80  }
0x5f: {  	[sflag:s14] =	ssyncset.done $0x0  }
0x60: {  	s26 =	simm.s32 $0x0;
	[sflag:s14] =	ssyncadd.s32 $0xFFFFC180  }
0x61: {  	[tilespmem:s26], [sflag:$0x3] =	stream.linear.gather [hbm4b:s9+s26], $0x1400, $0x38;
	[tilespmem:$0x1E800] =	vst v63  }
0x62: {  	_ =	swait.ge [sflag:s14], $0x1400  }
0x63: {  	[sflag:s14] =	ssyncset.done $0x0  }
0x64: {  	[sflag:s14] =	ssyncadd.s32 $0xFFFFEC00  }
0x65: {  	[tilespmem:s15], [sflag:$0x3] =	stream.linear.gather [hbm4b:s10+s26], $0x1400, $0x38;
	[tilespmem:$0x1E800] =	vst v63  }
0x66: {  	_ =	swait.ge [sflag:s14], $0x1400  }
0x67: {  	[sflag:s14] =	ssyncset.done $0x0  }
0x68: {  	[sflag:s14] =	ssyncadd.s32 $0xFFFFEC00  }
0x69: {  	[tilespmem:s17], [sflag:$0x1] =	stream.indirect.gather [hbm4b:s4+s16], $0x80, s26, s16, $0xb8;
	[tilespmem:$0x1E800] =	vst v63  }
0x6a: {  	s28 =	simm.s32 $0x80  }
0x6b: {  	[tilespmem:s18], [sflag:$0x2] =	stream.indirect.gather [hbm4b:s4+s16], $0x80, s28, s16, $0xb8;
	[tilespmem:$0x1E800] =	vst v63  }
0x6c: {  	_ =	swait.ge [sflag:s19], $0x3E80  }
0x6d: {  	[sflag:s19] =	ssyncset.done $0x0  }
0x6e: {  	s29 =	simm.s32 $0x1400;
	[sflag:s19] =	ssyncadd.s32 $0xFFFFC180  }
0x6f: {  	[spmem:s2] =	stream.indirect.scatter.add.f32 [tilespmem:s17], [sflag:$0x3], $0x80, s29, s16, $0xb8;
	[tilespmem:$0x1E800] =	vst v63  }
0x70: {  	_ =	swait.ge [sflag:s14], $0x3E80  }
0x71: {  	[sflag:s14] =	ssyncset.done $0x0  }
0x72: {  	s30 =	simm.s32 $0x100;
	[sflag:s14] =	ssyncadd.s32 $0xFFFFC180  }
0x73: {  	[tilespmem:s17], [sflag:$0x1] =	stream.indirect.gather [hbm4b:s4+s16], $0x80, s30, s16, $0xb8;
	[tilespmem:$0x1E800] =	vst v63  }
0x74: {  	_ =	swait.ge [sflag:s20], $0x3E80  }
0x75: {  	[sflag:s20] =	ssyncset.done $0x0  }
0x76: {  	s31 =	simm.s32 $0x1480;
	[sflag:s20] =	ssyncadd.s32 $0xFFFFC180  }
0x77: {  	[spmem:s2] =	stream.indirect.scatter.add.f32 [tilespmem:s18], [sflag:$0x3], $0x80, s31, s16, $0xb8;
	[tilespmem:$0x1E800] =	vst v63  }
0x78: {  	_ =	swait.ge [sflag:s14], $0x3E80  }
0x79: {  	s25 =	simm.s32 $0x100;
	s26 =	simm.s32 $0x800;
	[sflag:s14] =	ssyncset.done $0x0  }
.LBB2_4:
0x7a: {  	s28 =	sadd.s32 $0x80, s25  }
0x7b: {  	[sflag:s14] =	ssyncadd.s32 $0xFFFFC180;
	s29 =	smov.u32 s26;
	s30 =	sadd.s32 $0x400, s26  }
0x7c: {  	[tilespmem:s18], [sflag:$0x2] =	stream.indirect.gather [hbm4b:s4+s16], $0x80, s28, s16, $0xb8;
	[tilespmem:$0x1E800] =	vst v63  }
0x7d: {  	p0 =	sne.s32 s26, $0x4800;
	_ =	swait.ge [sflag:s19], $0x3E80  }
0x7e: {  	[sflag:s19] =	ssyncset.done $0x0  }
0x7f: {  	s26 =	sadd.s32 $0x1400, s25;
	[sflag:s19] =	ssyncadd.s32 $0xFFFFC180  }
0x80: {  	[spmem:s2] =	stream.indirect.scatter.add.f32 [tilespmem:s17], [sflag:$0x3], $0x80, s26, s16, $0xb8;
	[tilespmem:$0x1E800] =	vst v63  }
0x81: {  	_ =	swait.ge [sflag:s14], $0x3E80  }
0x82: {  	[sflag:s14] =	ssyncset.done $0x0  }
0x83: {  	s26 =	sadd.s32 $0x100, s25;
	[sflag:s14] =	ssyncadd.s32 $0xFFFFC180  }
0x84: {  	[tilespmem:s17], [sflag:$0x1] =	stream.indirect.gather [hbm4b:s4+s16], $0x80, s26, s16, $0xb8;
	[tilespmem:$0x1E800] =	vst v63  }
0x85: {  	_ =	swait.ge [sflag:s20], $0x3E80  }
.Ltmp1:
0x86: {  	[sflag:s20] =	ssyncset.done $0x0;
	(pc) =	sbr.rel @p0 .LBB2_4-.Ltmp1, $4  }
0x87: {  	s25 =	sadd.s32 $0x1480, s25;
	[sflag:s20] =	ssyncadd.s32 $0xFFFFC180  }
0x88: {  	[spmem:s2] =	stream.indirect.scatter.add.f32 [tilespmem:s18], [sflag:$0x3], $0x80, s25, s16, $0xb8;
	[tilespmem:$0x1E800] =	vst v63  }
0x89: {  	_ =	swait.ge [sflag:s14], $0x3E80  }
0x8a: {  	s26 =	smov.u32 s30;
	s25 =	sshra.s32 s29, $0x2;
	[sflag:s14] =	ssyncset.done $0x0  }
0x8b: {  	s26 =	sadd.s32 $0x80, s25;
	[sflag:s14] =	ssyncadd.s32 $0xFFFFC180  }
0x8c: {  	[tilespmem:s18], [sflag:$0x2] =	stream.indirect.gather [hbm4b:s4+s16], $0x80, s26, s16, $0xb8;
	[tilespmem:$0x1E800] =	vst v63  }
0x8d: {  	_ =	swait.ge [sflag:s19], $0x3E80  }
0x8e: {  	[sflag:s19] =	ssyncset.done $0x0  }
0x8f: {  	s29 =	sadd.s32 $0x1400, s25;
	[sflag:s19] =	ssyncadd.s32 $0xFFFFC180  }
0x90: {  	[spmem:s2] =	stream.indirect.scatter.add.f32 [tilespmem:s17], [sflag:$0x3], $0x80, s29, s16, $0xb8;
	[tilespmem:$0x1E800] =	vst v63  }
0x91: {  	_ =	swait.ge [sflag:s14], $0x3E80  }
0x92: {  	[sflag:s14] =	ssyncset.done $0x0  }
0x93: {  	s30 =	sadd.s32 $0x100, s25;
	[sflag:s14] =	ssyncadd.s32 $0xFFFFC180  }
0x94: {  	[tilespmem:s17], [sflag:$0x1] =	stream.indirect.gather [hbm4b:s4+s16], $0x80, s30, s16, $0xb8;
	[tilespmem:$0x1E800] =	vst v63  }
0x95: {  	_ =	swait.ge [sflag:s20], $0x3E80  }
0x96: {  	[sflag:s20] =	ssyncset.done $0x0  }
0x97: {  	s31 =	sadd.s32 $0x1480, s25;
	[sflag:s20] =	ssyncadd.s32 $0xFFFFC180  }
0x98: {  	[spmem:s2] =	stream.indirect.scatter.add.f32 [tilespmem:s18], [sflag:$0x3], $0x80, s31, s16, $0xb8;
	[tilespmem:$0x1E800] =	vst v63  }
0x99: {  	_ =	swait.ge [sflag:s14], $0x3E80  }
0x9a: {  	[sflag:s14] =	ssyncset.done $0x0  }
0x9b: {  	[sflag:s14] =	ssyncadd.s32 $0xFFFFC180  }
0x9c: {  	[tilespmem:s18], [sflag:$0x2] =	stream.indirect.gather [hbm4b:s4+s16], $0x80, s21, s16, $0xb8;
	[tilespmem:$0x1E800] =	vst v63  }
0x9d: {  	_ =	swait.ge [sflag:s19], $0x3E80  }
0x9e: {  	[sflag:s19] =	ssyncset.done $0x0  }
0x9f: {  	[sflag:s19] =	ssyncadd.s32 $0xFFFFC180  }
0xa0: {  	[spmem:s2] =	stream.indirect.scatter.add.f32 [tilespmem:s17], [sflag:$0x3], $0x80, s22, s16, $0xb8;
	[tilespmem:$0x1E800] =	vst v63  }
0xa1: {  	_ =	swait.ge [sflag:s14], $0x3E80  }
0xa2: {  	[sflag:s14] =	ssyncset.done $0x0  }
0xa3: {  	[sflag:s14] =	ssyncadd.s32 $0xFFFFC180  }
0xa4: {  	_ =	swait.ge [sflag:s20], $0x3E80  }
0xa5: {  	[sflag:s20] =	ssyncset.done $0x0  }
0xa6: {  	[sflag:s20] =	ssyncadd.s32 $0xFFFFC180  }
0xa7: {  	[spmem:s2] =	stream.indirect.scatter.add.f32 [tilespmem:s18], [sflag:$0x3], $0x80, s23, s16, $0xb8;
	[tilespmem:$0x1E800] =	vst v63  }
0xa8: {  	_ =	swait.ge [sflag:s14], $0x3E80  }
0xa9: {  	s24 =	sadd.s32 $0x1, s24;
	[sflag:s14] =	ssyncset.done $0x0  }
0xaa: {  	p0 =	sne.s32 s24, s12;
	[sflag:s14] =	ssyncadd.s32 $0xFFFFC180  }
.Ltmp2:
0xab: {  	[bflag:$0x0] =	sbarrier.arrive $0xFFFF;
	(pc) =	sbr.rel @p0 .LBB2_1-.Ltmp2, $4  }
0xac: {  	[hbm:s11], [sflag:s6] =	dma.local [spmem:s13], $0x2800  }
0xad: {  	_ =	swait.ge [sflag:s14], $0x2800  }
0xae: {  	[sflag:s14] =	ssyncset.done $0x0  }
0xaf: {  	[sflag:s14] =	ssyncadd.s32 $0xFFFFD800  }
0xb0: {  	_ =	sfence.sel $0x180000  }
0xb1: {  	[bflag:$0x0] =	sbarrier.arrive $0xFFFF  }
0xb2: {  	p0 =	sne.s32 s0, $0x0;
	_ =	strace $0x90000047  }
0xb3: {  	s0 =	sadd.s32 @!p0 $0x100000, s1;
	[bflag:$0x2] =	sbarrier.arrive $0xFFFF  }
0xb4: {  	[sflag:s0] =	ssyncadd.tile.s32 @!p0 $0x1;
	_ =	shalt  }
.Lfunc_end2:
_tile_overlayer_lowered:
.L_overlay_start_2:
0xb5: {  	(tag) =	ssettag $0x2  }
0xb6: {  	s0 =	rddreg [dreg:$0x0];
	s2 =	stileid.u32  }
0xb7: {  	s1 =	rddreg [dreg:$0x1];
	p0 =	sne.s32 s2, $0x0  }
0xb8: {  	s3 =	rddreg [dreg:$0x2];
	[bflag:$0x3] =	sbarrier.arrive $0xFFFF;
	s2 =	simm.s32 @!p0 $0x1C03  }
0xb9: {  	[timem:s3], [sflag:s2] =	dma.local @!p0 [hbm:s0], s1  }
0xba: {  	s0 =	simm.s32 @!p0 $0x3  }
0xbb: {  	_ =	swait.ge @!p0 [sflag:s0], s1  }
0xbc: {  	s1 =	ssub.s32 @!p0 $0x0, s1;
	[sflag:s0] =	ssyncset.done @!p0 $0x0  }
0xbd: {  	[sflag:s0] =	ssyncadd.s32 @!p0 s1  }
0xbe: {  	[bflag:$0x3] =	sbarrier.arrive $0xFFFF  }
0xbf: {  	_ =	shalt  }

</sc_bundles>
